<compile_context>
chip_gen: v7x
topology: tpu7x:2x2x1
jax: 0.10.2.dev20260603
libtpu: 0.0.44.dev20260713+nightly
codegen_flags: <defaults>
</compile_context>

<pallas_src>
import functools

import jax
import jax.numpy as jnp
from jax import lax
from jax.experimental import pallas as pl
from jax.experimental.pallas import tpu as pltpu
from jax.experimental.pallas import tpu_sc as plsc

N = 10000
D = 128
E = 320000
NC = 2
NS = 16
NW = NC * NS
HHALF = 5120
CHUNK = 32
CHUNKS = 320
IBLK = 8
EPT = CHUNK * CHUNKS
EPAD = EPT * NW
NPAD = 10008
DUMMY = N
ZROWS = 632
LAST = N - 15 * ZROWS
HSTG = HHALF // NS
LN_EPS = 1e-5


def _ln_relu(x, gamma, beta):
    def body(x_ref, g_ref, b_ref, o_ref):
        xv = x_ref[...]
        mu = jnp.mean(xv, axis=-1, keepdims=True)
        xc = xv - mu
        var = jnp.mean(xc * xc, axis=-1, keepdims=True)
        hh = xc * lax.rsqrt(var + LN_EPS) * g_ref[...] + b_ref[...]
        o_ref[...] = jnp.maximum(hh, 0.0)

    blk = 2000
    return pl.pallas_call(
        body,
        grid=(N // blk,),
        in_specs=[
            pl.BlockSpec((blk, D), lambda i: (i, 0)),
            pl.BlockSpec((1, D), lambda i: (0, 0)),
            pl.BlockSpec((1, D), lambda i: (0, 0)),
        ],
        out_specs=pl.BlockSpec((blk, D), lambda i: (i, 0)),
        out_shape=jax.ShapeDtypeStruct((N, D), jnp.float32),
    )(x, gamma[None, :], beta[None, :])


def _sc_segment_sum(h, srcp, dstp):
    mesh = plsc.VectorSubcoreMesh(core_axis_name="c", subcore_axis_name="s",
                                  num_cores=NC)

    @functools.partial(
        pl.kernel,
        out_type=jax.ShapeDtypeStruct((NC, NPAD, D), jnp.float32),
        mesh=mesh,
        scratch_types=[
            pltpu.VMEM((2, 128), jnp.int32),
            pltpu.VMEM((IBLK, CHUNK), jnp.int32),
            pltpu.VMEM((CHUNK, D), jnp.float32),
            pltpu.VMEM((CHUNK, D), jnp.float32),
            pltpu.VMEM_SHARED((HHALF, D), jnp.float32),
            pltpu.VMEM_SHARED((NPAD, D), jnp.float32),
            pltpu.SemaphoreType.DMA,
            pltpu.SemaphoreType.DMA,
            pltpu.SemaphoreType.DMA,
            pltpu.SemaphoreType.DMA,
        ],
    )
    def k(h_hbm, src_hbm, dst_hbm, out_hbm, src_v, dst_v, buf, buf_b, hsp, agg,
          sem_a, sem_b, sem_i, sem_j):
        c = lax.axis_index("c")
        s = lax.axis_index("s")
        lo = c * HHALF

        for j in range(HSTG // CHUNK):
            row = s * HSTG + j * CHUNK
            full = lo + row + CHUNK <= N

            @pl.when(full)
            def _():
                pltpu.sync_copy(h_hbm.at[pl.ds(lo + row, CHUNK)], buf)
                pltpu.sync_copy(buf, hsp.at[pl.ds(row, CHUNK)])

            @pl.when(jnp.logical_and(jnp.logical_not(full), lo + row < N))
            def _():
                pltpu.sync_copy(h_hbm.at[pl.ds(lo + row, 16)], buf.at[pl.ds(0, 16)])
                pltpu.sync_copy(buf.at[pl.ds(0, 16)], hsp.at[pl.ds(row, 16)])

        zero = jnp.zeros((16,), jnp.float32)

        def _zrow(r, carry):
            for kk in range(D // 16):
                buf[r, pl.ds(kk * 16, 16)] = zero
            return carry

        lax.fori_loop(0, CHUNK, _zrow, 0)

        @pl.when(s < NS - 1)
        def _():
            for j in range(ZROWS // CHUNK):
                pltpu.sync_copy(buf, agg.at[pl.ds(s * ZROWS + j * CHUNK, CHUNK)])
            pltpu.sync_copy(buf.at[pl.ds(0, ZROWS % CHUNK)],
                            agg.at[pl.ds(s * ZROWS + (ZROWS // CHUNK) * CHUNK,
                                         ZROWS % CHUNK)])

        @pl.when(s == NS - 1)
        def _():
            for j in range(LAST // CHUNK):
                pltpu.sync_copy(buf, agg.at[pl.ds(15 * ZROWS + j * CHUNK, CHUNK)])
            pltpu.sync_copy(buf.at[pl.ds(0, LAST % CHUNK)],
                            agg.at[pl.ds(15 * ZROWS + (LAST // CHUNK) * CHUNK,
                                         LAST % CHUNK)])
        plsc.subcore_barrier()

        def _xform(g, carry):
            sv = src_v[g // 8, pl.ds(16 * (g % 8), 16)]
            dv = dst_v[g // 2, pl.ds(16 * (g % 2), 16)]
            sl = sv - lo
            m = (sl >= 0) & (sl < HHALF)
            src_v[g // 8, pl.ds(16 * (g % 8), 16)] = jnp.where(m, sl, 0)
            dst_v[g // 2, pl.ds(16 * (g % 2), 16)] = jnp.where(m, dv, DUMMY)
            return carry

        def _sidx(i):
            return src_v.at[i // 4, pl.ds(32 * (i % 4), 32)]

        def _step(i, b, sem):
            pltpu.make_async_copy(hsp.at[_sidx(i)], b, sem).wait()
            pltpu.sync_copy(b, agg.at[dst_v.at[i]], add=True)

            @pl.when(i + 2 < IBLK)
            def _():
                pltpu.async_copy(hsp.at[_sidx(i + 2)], b, sem)

        def _pair(g, carry):
            _step(2 * g, buf, sem_a)
            _step(2 * g + 1, buf_b, sem_b)
            return carry

        nblocks = CHUNKS // IBLK

        def _block(t, carry):
            blk = s + NS * (t // nblocks)
            ib = t % nblocks
            cs = pltpu.async_copy(src_hbm.at[blk, ib], src_v, sem_i)
            cd = pltpu.async_copy(dst_hbm.at[blk, ib], dst_v, sem_j)
            cs.wait()
            cd.wait()
            lax.fori_loop(0, 4, _xform, 0)
            pltpu.async_copy(hsp.at[_sidx(0)], buf, sem_a)
            pltpu.async_copy(hsp.at[_sidx(1)], buf_b, sem_b)
            lax.fori_loop(4, 2 * IBLK, _xform, 0)
            lax.fori_loop(0, IBLK // 2, _pair, 0)
            return carry

        lax.fori_loop(0, 2 * nblocks, _block, 0)
        plsc.subcore_barrier()

        @pl.when(s < NS - 1)
        def _():
            pltpu.sync_copy(agg.at[pl.ds(s * ZROWS, ZROWS)],
                            out_hbm.at[c, pl.ds(s * ZROWS, ZROWS)])

        @pl.when(s == NS - 1)
        def _():
            pltpu.sync_copy(agg.at[pl.ds(15 * ZROWS, LAST)],
                            out_hbm.at[c, pl.ds(15 * ZROWS, LAST)])

    return k(h, srcp, dstp)


def _final(x, parts, gamma, beta, W, b, eps):
    def body(e_ref, x_ref, p_ref, g_ref, be_ref, w_ref, b_ref, o_ref):
        xv = x_ref[...]
        mu = jnp.mean(xv, axis=-1, keepdims=True)
        xc = xv - mu
        var = jnp.mean(xc * xc, axis=-1, keepdims=True)
        hh = jnp.maximum(xc * lax.rsqrt(var + LN_EPS) * g_ref[...] + be_ref[...], 0.0)
        z = (1.0 + e_ref[0]) * hh + p_ref[0] + p_ref[1]
        o = lax.dot_general(z, w_ref[...], (((1,), (1,)), ((), ())),
                            preferred_element_type=jnp.float32)
        o_ref[...] = o + b_ref[...] + xv

    blk = 2000
    return pl.pallas_call(
        body,
        grid=(N // blk,),
        in_specs=[
            pl.BlockSpec(memory_space=pltpu.SMEM),
            pl.BlockSpec((blk, D), lambda i: (i, 0)),
            pl.BlockSpec((NC, blk, D), lambda i: (0, i, 0)),
            pl.BlockSpec((1, D), lambda i: (0, 0)),
            pl.BlockSpec((1, D), lambda i: (0, 0)),
            pl.BlockSpec((D, D), lambda i: (0, 0)),
            pl.BlockSpec((1, D), lambda i: (0, 0)),
        ],
        out_specs=pl.BlockSpec((blk, D), lambda i: (i, 0)),
        out_shape=jax.ShapeDtypeStruct((N, D), jnp.float32),
    )(eps.reshape(1), x, parts, gamma[None, :], beta[None, :], W, b[None, :])


def kernel(x, edge_index, ln_gamma, ln_beta, gine_eps, W, b):
    h = _ln_relu(x, ln_gamma, ln_beta)
    pad = EPAD - E
    srcp = jnp.concatenate([edge_index[0], jnp.zeros((pad,), jnp.int32)])
    dstp = jnp.concatenate([edge_index[1], jnp.full((pad,), DUMMY, jnp.int32)])
    srcp = srcp.reshape(NW, CHUNKS // IBLK, 2, 128)
    dstp = dstp.reshape(NW, CHUNKS // IBLK, IBLK, CHUNK)
    parts = _sc_segment_sum(h, srcp, dstp)[:, :N, :]
    return _final(x, parts, ln_gamma, ln_beta, W, b, gine_eps)

# --- scband reference (transcript-rebuilt; emitter-appended) ---
"""Pipeline reference for scband-ginelayer-44813688766820 (READ-ONLY COPY).

The authoritative reference and input builder live on the scoring server;
editing this copy changes nothing except your own understanding.
"""

import jax, jax.numpy as jnp
import numpy as np

N_NODES = 10000
N_EDGES = 320000
D = 128


def setup_inputs(seed: int = 0) -> dict:
    key = jax.random.key(seed)
    k1, k2, k3 = jax.random.split(key, 3)
    x = jax.random.normal(k1, (N_NODES, D), dtype=jnp.float32)
    edge_index = jax.random.randint(k2, (2, N_EDGES), 0, N_NODES, dtype=jnp.int32)
    # LayerNorm(elementwise_affine=True) params
    ln_gamma = jnp.ones((D,), dtype=jnp.float32)
    ln_beta = jnp.zeros((D,), dtype=jnp.float32)
    # GINEConv train_eps=True, init eps=0.0
    gine_eps = jnp.zeros((), dtype=jnp.float32)
    # nn = Linear(in=128, out=128)
    bound = 1.0 / np.sqrt(D)
    W = jax.random.uniform(k3, (D, D), dtype=jnp.float32, minval=-bound, maxval=bound)
    b = jnp.zeros((D,), dtype=jnp.float32)
    return {"x": x, "edge_index": edge_index, "ln_gamma": ln_gamma,
            "ln_beta": ln_beta, "gine_eps": gine_eps, "W": W, "b": b}


def reference(x, edge_index, ln_gamma, ln_beta, gine_eps, W, b):
    # h = LayerNorm(x)
    mu = jnp.mean(x, axis=-1, keepdims=True)
    var = jnp.mean((x - mu) ** 2, axis=-1, keepdims=True)
    h = (x - mu) / jnp.sqrt(var + 1e-5)
    h = h * ln_gamma + ln_beta
    # act
    h = jax.nn.relu(h)
    # GINEConv (edge_attr absent -> message = relu(x_j)):
    # out = nn((1 + eps) * x + sum_{j in N(i)} relu(x_j))
    src = edge_index[0]
    dst = edge_index[1]
    msg = jax.nn.relu(jnp.take(h, src, axis=0))
    agg = jax.ops.segment_sum(msg, dst, num_segments=N_NODES)
    out = ((1.0 + gine_eps) * h + agg) @ W.T + b
    # residual + dropout (eval mode -> identity)
    return out + x

if __name__ == "__main__":
    import jax
    _d = setup_inputs()
    print(jax.jit(kernel)(*tuple(_d.values())))

</pallas_src>

<mosaic_0001>
#map = affine_map<(d0, d1) -> (0, 0)>
#map1 = affine_map<(d0, d1) -> (0, 0, 0, 0)>
#map2 = affine_map<(d0, d1) -> (0, 0, 0)>
module attributes {stable_mosaic.version = 14 : i64} {
  func.func @k(%arg0: i32, %arg1: i32, %arg2: memref<10000x128xf32, #tpu.memory_space<hbm>>, %arg3: memref<32x40x2x128xi32, #tpu.memory_space<hbm>>, %arg4: memref<32x40x8x32xi32, #tpu.memory_space<hbm>>, %arg5: memref<2x10008x128xf32, #tpu.memory_space<hbm>>, %arg6: memref<2x128xi32, #tpu.memory_space<vmem>>, %arg7: memref<8x32xi32, #tpu.memory_space<vmem>>, %arg8: memref<32x128xf32, #tpu.memory_space<vmem>>, %arg9: memref<32x128xf32, #tpu.memory_space<vmem>>, %arg10: memref<5120x128xf32, #tpu.memory_space<vmem_shared>>, %arg11: memref<10008x128xf32, #tpu.memory_space<vmem_shared>>, %arg12: memref<!tpu.dma_semaphore, #tpu.memory_space<semaphore_mem>>, %arg13: memref<!tpu.dma_semaphore, #tpu.memory_space<semaphore_mem>>, %arg14: memref<!tpu.dma_semaphore, #tpu.memory_space<semaphore_mem>>, %arg15: memref<!tpu.dma_semaphore, #tpu.memory_space<semaphore_mem>>) attributes {dimension_semantics = [#tpu.dimension_semantics<core_parallel>, #tpu.dimension_semantics<subcore_parallel>], iteration_bounds = array<i64: 2, 16>, scalar_prefetch = 0 : i64, scratch_operands = 10 : i64, tpu.core_type = #tpu.core_type<sc_vector_subcore>, window_params = [{transform_indices = #map}, {transform_indices = #map1}, {transform_indices = #map1}, {transform_indices = #map2}]} {
    %mul3A = arith.constant 5120 : i32
    %mul3A_0 = arith.muli %arg0, %mul3A : i32
    %mul3A_1 = arith.constant 320 : i32
    %mul3A_2 = arith.muli %arg1, %mul3A_1 : i32
    %add3A = arith.constant 0 : i32
    %add3A_3 = arith.addi %mul3A_2, %add3A : i32
    %add3A_4 = arith.addi %mul3A_0, %add3A_3 : i32
    %add3A_5 = arith.constant 32 : i32
    %add3A_6 = arith.addi %add3A_4, %add3A_5 : i32
    %le3A = arith.constant 10000 : i32
    %le3A_7 = arith.cmpi sle, %add3A_6, %le3A : i32
    %convert_element_type3A = arith.extui %le3A_7 : i1 to i32
    %cond3A = arith.constant 0 : i32
    %cond3A_8 = arith.cmpi ne, %convert_element_type3A, %cond3A : i32
    scf.if %cond3A_8 {
      %add3A_236 = arith.addi %mul3A_0, %add3A_3 : i32
      "tpu.region"() ({
        %run_scoped3A = tpu.sem_alloc : memref<!tpu.dma_semaphore, #tpu.memory_space<semaphore_mem>>
        %dma_start3A = arith.constant 0 : i32
        %dma_start3A_237 = tpu.memref_slice %arg2[%add3A_236, %dma_start3A] : memref<10000x128xf32, #tpu.memory_space<hbm>> -> memref<32x128xf32, #tpu.memory_space<hbm>>
        %dma_start3A_238 = arith.constant 0 : i32
        %dma_start3A_239 = tpu.memref_slice %arg2[%add3A_236, %dma_start3A_238] : memref<10000x128xf32, #tpu.memory_space<hbm>> -> memref<32x128xf32, #tpu.memory_space<hbm>>
        tpu.enqueue_dma source(%dma_start3A_239 : memref<32x128xf32, #tpu.memory_space<hbm>>) target(%arg8 : memref<32x128xf32, #tpu.memory_space<vmem>>) target_semaphore(%run_scoped3A : memref<!tpu.dma_semaphore, #tpu.memory_space<semaphore_mem>>)
        %dma_wait3A = arith.constant 0 : i32
        %dma_wait3A_240 = tpu.memref_slice %arg2[%add3A_236, %dma_wait3A] : memref<10000x128xf32, #tpu.memory_space<hbm>> -> memref<32x128xf32, #tpu.memory_space<hbm>>
        %dma_wait3A_241 = arith.constant 0 : i32
        %dma_wait3A_242 = tpu.memref_slice %arg2[%add3A_236, %dma_wait3A_241] : memref<10000x128xf32, #tpu.memory_space<hbm>> -> memref<32x128xf32, #tpu.memory_space<hbm>>
        tpu.wait_dma2 semaphore(%run_scoped3A : memref<!tpu.dma_semaphore, #tpu.memory_space<semaphore_mem>>) src(%dma_wait3A_242 : memref<32x128xf32, #tpu.memory_space<hbm>>) dst(%arg8 : memref<32x128xf32, #tpu.memory_space<vmem>>)
        tpu.yield
      }) : () -> ()
      "tpu.region"() ({
        %run_scoped3A = tpu.sem_alloc : memref<!tpu.dma_semaphore, #tpu.memory_space<semaphore_mem>>
        %dma_start3A = arith.constant 0 : i32
        %dma_start3A_237 = tpu.memref_slice %arg10[%add3A_3, %dma_start3A] : memref<5120x128xf32, #tpu.memory_space<vmem_shared>> -> memref<32x128xf32, #tpu.memory_space<vmem_shared>>
        %dma_start3A_238 = arith.constant 0 : i32
        %dma_start3A_239 = tpu.memref_slice %arg10[%add3A_3, %dma_start3A_238] : memref<5120x128xf32, #tpu.memory_space<vmem_shared>> -> memref<32x128xf32, #tpu.memory_space<vmem_shared>>
        tpu.enqueue_dma source(%arg8 : memref<32x128xf32, #tpu.memory_space<vmem>>) target(%dma_start3A_239 : memref<32x128xf32, #tpu.memory_space<vmem_shared>>) target_semaphore(%run_scoped3A : memref<!tpu.dma_semaphore, #tpu.memory_space<semaphore_mem>>)
        %dma_wait3A = arith.constant 0 : i32
        %dma_wait3A_240 = tpu.memref_slice %arg10[%add3A_3, %dma_wait3A] : memref<5120x128xf32, #tpu.memory_space<vmem_shared>> -> memref<32x128xf32, #tpu.memory_space<vmem_shared>>
        %dma_wait3A_241 = arith.constant 0 : i32
        %dma_wait3A_242 = tpu.memref_slice %arg10[%add3A_3, %dma_wait3A_241] : memref<5120x128xf32, #tpu.memory_space<vmem_shared>> -> memref<32x128xf32, #tpu.memory_space<vmem_shared>>
        tpu.wait_dma2 semaphore(%run_scoped3A : memref<!tpu.dma_semaphore, #tpu.memory_space<semaphore_mem>>) src(%arg8 : memref<32x128xf32, #tpu.memory_space<vmem>>) dst(%dma_wait3A_242 : memref<32x128xf32, #tpu.memory_space<vmem_shared>>)
        tpu.yield
      }) : () -> ()
    } else {
    }
    %not3A = arith.constant true
    %not3A_9 = arith.xori %le3A_7, %not3A : i1
    %add3A_10 = arith.addi %mul3A_0, %add3A_3 : i32
    %lt3A = arith.constant 10000 : i32
    %lt3A_11 = arith.cmpi slt, %add3A_10, %lt3A : i32
    %and3A = arith.andi %not3A_9, %lt3A_11 : i1
    %convert_element_type3A_12 = arith.extui %and3A : i1 to i32
    %cond3A_13 = arith.constant 0 : i32
    %cond3A_14 = arith.cmpi ne, %convert_element_type3A_12, %cond3A_13 : i32
    scf.if %cond3A_14 {
      %add3A_236 = arith.addi %mul3A_0, %add3A_3 : i32
      "tpu.region"() ({
        %run_scoped3A = tpu.sem_alloc : memref<!tpu.dma_semaphore, #tpu.memory_space<semaphore_mem>>
        %dma_start3A = arith.constant 0 : i32
        %dma_start3A_237 = arith.constant 0 : i32
        %dma_start3A_238 = tpu.memref_slice %arg8[%dma_start3A, %dma_start3A_237] : memref<32x128xf32, #tpu.memory_space<vmem>> -> memref<16x128xf32, #tpu.memory_space<vmem>>
        %dma_start3A_239 = arith.constant 0 : i32
        %dma_start3A_240 = tpu.memref_slice %arg2[%add3A_236, %dma_start3A_239] : memref<10000x128xf32, #tpu.memory_space<hbm>> -> memref<16x128xf32, #tpu.memory_space<hbm>>
        %dma_start3A_241 = arith.constant 0 : i32
        %dma_start3A_242 = arith.constant 0 : i32
        %dma_start3A_243 = tpu.memref_slice %arg8[%dma_start3A_241, %dma_start3A_242] : memref<32x128xf32, #tpu.memory_space<vmem>> -> memref<16x128xf32, #tpu.memory_space<vmem>>
        %dma_start3A_244 = arith.constant 0 : i32
        %dma_start3A_245 = tpu.memref_slice %arg2[%add3A_236, %dma_start3A_244] : memref<10000x128xf32, #tpu.memory_space<hbm>> -> memref<16x128xf32, #tpu.memory_space<hbm>>
        tpu.enqueue_dma source(%dma_start3A_245 : memref<16x128xf32, #tpu.memory_space<hbm>>) target(%dma_start3A_243 : memref<16x128xf32, #tpu.memory_space<vmem>>) target_semaphore(%run_scoped3A : memref<!tpu.dma_semaphore, #tpu.memory_space<semaphore_mem>>)
        %dma_wait3A = arith.constant 0 : i32
        %dma_wait3A_246 = arith.constant 0 : i32
        %dma_wait3A_247 = tpu.memref_slice %arg8[%dma_wait3A, %dma_wait3A_246] : memref<32x128xf32, #tpu.memory_space<vmem>> -> memref<16x128xf32, #tpu.memory_space<vmem>>
        %dma_wait3A_248 = arith.constant 0 : i32
        %dma_wait3A_249 = tpu.memref_slice %arg2[%add3A_236, %dma_wait3A_248] : memref<10000x128xf32, #tpu.memory_space<hbm>> -> memref<16x128xf32, #tpu.memory_space<hbm>>
        %dma_wait3A_250 = arith.constant 0 : i32
        %dma_wait3A_251 = arith.constant 0 : i32
        %dma_wait3A_252 = tpu.memref_slice %arg8[%dma_wait3A_250, %dma_wait3A_251] : memref<32x128xf32, #tpu.memory_space<vmem>> -> memref<16x128xf32, #tpu.memory_space<vmem>>
        %dma_wait3A_253 = arith.constant 0 : i32
        %dma_wait3A_254 = tpu.memref_slice %arg2[%add3A_236, %dma_wait3A_253] : memref<10000x128xf32, #tpu.memory_space<hbm>> -> memref<16x128xf32, #tpu.memory_space<hbm>>
        tpu.wait_dma2 semaphore(%run_scoped3A : memref<!tpu.dma_semaphore, #tpu.memory_space<semaphore_mem>>) src(%dma_wait3A_254 : memref<16x128xf32, #tpu.memory_space<hbm>>) dst(%dma_wait3A_252 : memref<16x128xf32, #tpu.memory_space<vmem>>)
        tpu.yield
      }) : () -> ()
      "tpu.region"() ({
        %run_scoped3A = tpu.sem_alloc : memref<!tpu.dma_semaphore, #tpu.memory_space<semaphore_mem>>
        %dma_start3A = arith.constant 0 : i32
        %dma_start3A_237 = arith.constant 0 : i32
        %dma_start3A_238 = tpu.memref_slice %arg8[%dma_start3A, %dma_start3A_237] : memref<32x128xf32, #tpu.memory_space<vmem>> -> memref<16x128xf32, #tpu.memory_space<vmem>>
        %dma_start3A_239 = arith.constant 0 : i32
        %dma_start3A_240 = tpu.memref_slice %arg10[%add3A_3, %dma_start3A_239] : memref<5120x128xf32, #tpu.memory_space<vmem_shared>> -> memref<16x128xf32, #tpu.memory_space<vmem_shared>>
        %dma_start3A_241 = arith.constant 0 : i32
        %dma_start3A_242 = tpu.memref_slice %arg10[%add3A_3, %dma_start3A_241] : memref<5120x128xf32, #tpu.memory_space<vmem_shared>> -> memref<16x128xf32, #tpu.memory_space<vmem_shared>>
        %dma_start3A_243 = arith.constant 0 : i32
        %dma_start3A_244 = arith.constant 0 : i32
        %dma_start3A_245 = tpu.memref_slice %arg8[%dma_start3A_243, %dma_start3A_244] : memref<32x128xf32, #tpu.memory_space<vmem>> -> memref<16x128xf32, #tpu.memory_space<vmem>>
        tpu.enqueue_dma source(%dma_start3A_245 : memref<16x128xf32, #tpu.memory_space<vmem>>) target(%dma_start3A_242 : memref<16x128xf32, #tpu.memory_space<vmem_shared>>) target_semaphore(%run_scoped3A : memref<!tpu.dma_semaphore, #tpu.memory_space<semaphore_mem>>)
        %dma_wait3A = arith.constant 0 : i32
        %dma_wait3A_246 = arith.constant 0 : i32
        %dma_wait3A_247 = tpu.memref_slice %arg8[%dma_wait3A, %dma_wait3A_246] : memref<32x128xf32, #tpu.memory_space<vmem>> -> memref<16x128xf32, #tpu.memory_space<vmem>>
        %dma_wait3A_248 = arith.constant 0 : i32
        %dma_wait3A_249 = tpu.memref_slice %arg10[%add3A_3, %dma_wait3A_248] : memref<5120x128xf32, #tpu.memory_space<vmem_shared>> -> memref<16x128xf32, #tpu.memory_space<vmem_shared>>
        %dma_wait3A_250 = arith.constant 0 : i32
        %dma_wait3A_251 = tpu.memref_slice %arg10[%add3A_3, %dma_wait3A_250] : memref<5120x128xf32, #tpu.memory_space<vmem_shared>> -> memref<16x128xf32, #tpu.memory_space<vmem_shared>>
        %dma_wait3A_252 = arith.constant 0 : i32
        %dma_wait3A_253 = arith.constant 0 : i32
        %dma_wait3A_254 = tpu.memref_slice %arg8[%dma_wait3A_252, %dma_wait3A_253] : memref<32x128xf32, #tpu.memory_space<vmem>> -> memref<16x128xf32, #tpu.memory_space<vmem>>
        tpu.wait_dma2 semaphore(%run_scoped3A : memref<!tpu.dma_semaphore, #tpu.memory_space<semaphore_mem>>) src(%dma_wait3A_254 : memref<16x128xf32, #tpu.memory_space<vmem>>) dst(%dma_wait3A_251 : memref<16x128xf32, #tpu.memory_space<vmem_shared>>)
        tpu.yield
      }) : () -> ()
    } else {
    }
    %mul3A_15 = arith.constant 320 : i32
    %mul3A_16 = arith.muli %arg1, %mul3A_15 : i32
    %add3A_17 = arith.constant 32 : i32
    %add3A_18 = arith.addi %mul3A_16, %add3A_17 : i32
    %add3A_19 = arith.addi %mul3A_0, %add3A_18 : i32
    %add3A_20 = arith.constant 32 : i32
    %add3A_21 = arith.addi %add3A_19, %add3A_20 : i32
    %le3A_22 = arith.constant 10000 : i32
    %le3A_23 = arith.cmpi sle, %add3A_21, %le3A_22 : i32
    %convert_element_type3A_24 = arith.extui %le3A_23 : i1 to i32
    %cond3A_25 = arith.constant 0 : i32
    %cond3A_26 = arith.cmpi ne, %convert_element_type3A_24, %cond3A_25 : i32
    scf.if %cond3A_26 {
      %add3A_236 = arith.addi %mul3A_0, %add3A_18 : i32
      "tpu.region"() ({
        %run_scoped3A = tpu.sem_alloc : memref<!tpu.dma_semaphore, #tpu.memory_space<semaphore_mem>>
        %dma_start3A = arith.constant 0 : i32
        %dma_start3A_237 = tpu.memref_slice %arg2[%add3A_236, %dma_start3A] : memref<10000x128xf32, #tpu.memory_space<hbm>> -> memref<32x128xf32, #tpu.memory_space<hbm>>
        %dma_start3A_238 = arith.constant 0 : i32
        %dma_start3A_239 = tpu.memref_slice %arg2[%add3A_236, %dma_start3A_238] : memref<10000x128xf32, #tpu.memory_space<hbm>> -> memref<32x128xf32, #tpu.memory_space<hbm>>
        tpu.enqueue_dma source(%dma_start3A_239 : memref<32x128xf32, #tpu.memory_space<hbm>>) target(%arg8 : memref<32x128xf32, #tpu.memory_space<vmem>>) target_semaphore(%run_scoped3A : memref<!tpu.dma_semaphore, #tpu.memory_space<semaphore_mem>>)
        %dma_wait3A = arith.constant 0 : i32
        %dma_wait3A_240 = tpu.memref_slice %arg2[%add3A_236, %dma_wait3A] : memref<10000x128xf32, #tpu.memory_space<hbm>> -> memref<32x128xf32, #tpu.memory_space<hbm>>
        %dma_wait3A_241 = arith.constant 0 : i32
        %dma_wait3A_242 = tpu.memref_slice %arg2[%add3A_236, %dma_wait3A_241] : memref<10000x128xf32, #tpu.memory_space<hbm>> -> memref<32x128xf32, #tpu.memory_space<hbm>>
        tpu.wait_dma2 semaphore(%run_scoped3A : memref<!tpu.dma_semaphore, #tpu.memory_space<semaphore_mem>>) src(%dma_wait3A_242 : memref<32x128xf32, #tpu.memory_space<hbm>>) dst(%arg8 : memref<32x128xf32, #tpu.memory_space<vmem>>)
        tpu.yield
      }) : () -> ()
      "tpu.region"() ({
        %run_scoped3A = tpu.sem_alloc : memref<!tpu.dma_semaphore, #tpu.memory_space<semaphore_mem>>
        %dma_start3A = arith.constant 0 : i32
        %dma_start3A_237 = tpu.memref_slice %arg10[%add3A_18, %dma_start3A] : memref<5120x128xf32, #tpu.memory_space<vmem_shared>> -> memref<32x128xf32, #tpu.memory_space<vmem_shared>>
        %dma_start3A_238 = arith.constant 0 : i32
        %dma_start3A_239 = tpu.memref_slice %arg10[%add3A_18, %dma_start3A_238] : memref<5120x128xf32, #tpu.memory_space<vmem_shared>> -> memref<32x128xf32, #tpu.memory_space<vmem_shared>>
        tpu.enqueue_dma source(%arg8 : memref<32x128xf32, #tpu.memory_space<vmem>>) target(%dma_start3A_239 : memref<32x128xf32, #tpu.memory_space<vmem_shared>>) target_semaphore(%run_scoped3A : memref<!tpu.dma_semaphore, #tpu.memory_space<semaphore_mem>>)
        %dma_wait3A = arith.constant 0 : i32
        %dma_wait3A_240 = tpu.memref_slice %arg10[%add3A_18, %dma_wait3A] : memref<5120x128xf32, #tpu.memory_space<vmem_shared>> -> memref<32x128xf32, #tpu.memory_space<vmem_shared>>
        %dma_wait3A_241 = arith.constant 0 : i32
        %dma_wait3A_242 = tpu.memref_slice %arg10[%add3A_18, %dma_wait3A_241] : memref<5120x128xf32, #tpu.memory_space<vmem_shared>> -> memref<32x128xf32, #tpu.memory_space<vmem_shared>>
        tpu.wait_dma2 semaphore(%run_scoped3A : memref<!tpu.dma_semaphore, #tpu.memory_space<semaphore_mem>>) src(%arg8 : memref<32x128xf32, #tpu.memory_space<vmem>>) dst(%dma_wait3A_242 : memref<32x128xf32, #tpu.memory_space<vmem_shared>>)
        tpu.yield
      }) : () -> ()
    } else {
    }
    %not3A_27 = arith.constant true
    %not3A_28 = arith.xori %le3A_23, %not3A_27 : i1
    %add3A_29 = arith.addi %mul3A_0, %add3A_18 : i32
    %lt3A_30 = arith.constant 10000 : i32
    %lt3A_31 = arith.cmpi slt, %add3A_29, %lt3A_30 : i32
    %and3A_32 = arith.andi %not3A_28, %lt3A_31 : i1
    %convert_element_type3A_33 = arith.extui %and3A_32 : i1 to i32
    %cond3A_34 = arith.constant 0 : i32
    %cond3A_35 = arith.cmpi ne, %convert_element_type3A_33, %cond3A_34 : i32
    scf.if %cond3A_35 {
      %add3A_236 = arith.addi %mul3A_0, %add3A_18 : i32
      "tpu.region"() ({
        %run_scoped3A = tpu.sem_alloc : memref<!tpu.dma_semaphore, #tpu.memory_space<semaphore_mem>>
        %dma_start3A = arith.constant 0 : i32
        %dma_start3A_237 = arith.constant 0 : i32
        %dma_start3A_238 = tpu.memref_slice %arg8[%dma_start3A, %dma_start3A_237] : memref<32x128xf32, #tpu.memory_space<vmem>> -> memref<16x128xf32, #tpu.memory_space<vmem>>
        %dma_start3A_239 = arith.constant 0 : i32
        %dma_start3A_240 = tpu.memref_slice %arg2[%add3A_236, %dma_start3A_239] : memref<10000x128xf32, #tpu.memory_space<hbm>> -> memref<16x128xf32, #tpu.memory_space<hbm>>
        %dma_start3A_241 = arith.constant 0 : i32
        %dma_start3A_242 = arith.constant 0 : i32
        %dma_start3A_243 = tpu.memref_slice %arg8[%dma_start3A_241, %dma_start3A_242] : memref<32x128xf32, #tpu.memory_space<vmem>> -> memref<16x128xf32, #tpu.memory_space<vmem>>
        %dma_start3A_244 = arith.constant 0 : i32
        %dma_start3A_245 = tpu.memref_slice %arg2[%add3A_236, %dma_start3A_244] : memref<10000x128xf32, #tpu.memory_space<hbm>> -> memref<16x128xf32, #tpu.memory_space<hbm>>
        tpu.enqueue_dma source(%dma_start3A_245 : memref<16x128xf32, #tpu.memory_space<hbm>>) target(%dma_start3A_243 : memref<16x128xf32, #tpu.memory_space<vmem>>) target_semaphore(%run_scoped3A : memref<!tpu.dma_semaphore, #tpu.memory_space<semaphore_mem>>)
        %dma_wait3A = arith.constant 0 : i32
        %dma_wait3A_246 = arith.constant 0 : i32
        %dma_wait3A_247 = tpu.memref_slice %arg8[%dma_wait3A, %dma_wait3A_246] : memref<32x128xf32, #tpu.memory_space<vmem>> -> memref<16x128xf32, #tpu.memory_space<vmem>>
        %dma_wait3A_248 = arith.constant 0 : i32
        %dma_wait3A_249 = tpu.memref_slice %arg2[%add3A_236, %dma_wait3A_248] : memref<10000x128xf32, #tpu.memory_space<hbm>> -> memref<16x128xf32, #tpu.memory_space<hbm>>
        %dma_wait3A_250 = arith.constant 0 : i32
        %dma_wait3A_251 = arith.constant 0 : i32
        %dma_wait3A_252 = tpu.memref_slice %arg8[%dma_wait3A_250, %dma_wait3A_251] : memref<32x128xf32, #tpu.memory_space<vmem>> -> memref<16x128xf32, #tpu.memory_space<vmem>>
        %dma_wait3A_253 = arith.constant 0 : i32
        %dma_wait3A_254 = tpu.memref_slice %arg2[%add3A_236, %dma_wait3A_253] : memref<10000x128xf32, #tpu.memory_space<hbm>> -> memref<16x128xf32, #tpu.memory_space<hbm>>
        tpu.wait_dma2 semaphore(%run_scoped3A : memref<!tpu.dma_semaphore, #tpu.memory_space<semaphore_mem>>) src(%dma_wait3A_254 : memref<16x128xf32, #tpu.memory_space<hbm>>) dst(%dma_wait3A_252 : memref<16x128xf32, #tpu.memory_space<vmem>>)
        tpu.yield
      }) : () -> ()
      "tpu.region"() ({
        %run_scoped3A = tpu.sem_alloc : memref<!tpu.dma_semaphore, #tpu.memory_space<semaphore_mem>>
        %dma_start3A = arith.constant 0 : i32
        %dma_start3A_237 = arith.constant 0 : i32
        %dma_start3A_238 = tpu.memref_slice %arg8[%dma_start3A, %dma_start3A_237] : memref<32x128xf32, #tpu.memory_space<vmem>> -> memref<16x128xf32, #tpu.memory_space<vmem>>
        %dma_start3A_239 = arith.constant 0 : i32
        %dma_start3A_240 = tpu.memref_slice %arg10[%add3A_18, %dma_start3A_239] : memref<5120x128xf32, #tpu.memory_space<vmem_shared>> -> memref<16x128xf32, #tpu.memory_space<vmem_shared>>
        %dma_start3A_241 = arith.constant 0 : i32
        %dma_start3A_242 = tpu.memref_slice %arg10[%add3A_18, %dma_start3A_241] : memref<5120x128xf32, #tpu.memory_space<vmem_shared>> -> memref<16x128xf32, #tpu.memory_space<vmem_shared>>
        %dma_start3A_243 = arith.constant 0 : i32
        %dma_start3A_244 = arith.constant 0 : i32
        %dma_start3A_245 = tpu.memref_slice %arg8[%dma_start3A_243, %dma_start3A_244] : memref<32x128xf32, #tpu.memory_space<vmem>> -> memref<16x128xf32, #tpu.memory_space<vmem>>
        tpu.enqueue_dma source(%dma_start3A_245 : memref<16x128xf32, #tpu.memory_space<vmem>>) target(%dma_start3A_242 : memref<16x128xf32, #tpu.memory_space<vmem_shared>>) target_semaphore(%run_scoped3A : memref<!tpu.dma_semaphore, #tpu.memory_space<semaphore_mem>>)
        %dma_wait3A = arith.constant 0 : i32
        %dma_wait3A_246 = arith.constant 0 : i32
        %dma_wait3A_247 = tpu.memref_slice %arg8[%dma_wait3A, %dma_wait3A_246] : memref<32x128xf32, #tpu.memory_space<vmem>> -> memref<16x128xf32, #tpu.memory_space<vmem>>
        %dma_wait3A_248 = arith.constant 0 : i32
        %dma_wait3A_249 = tpu.memref_slice %arg10[%add3A_18, %dma_wait3A_248] : memref<5120x128xf32, #tpu.memory_space<vmem_shared>> -> memref<16x128xf32, #tpu.memory_space<vmem_shared>>
        %dma_wait3A_250 = arith.constant 0 : i32
        %dma_wait3A_251 = tpu.memref_slice %arg10[%add3A_18, %dma_wait3A_250] : memref<5120x128xf32, #tpu.memory_space<vmem_shared>> -> memref<16x128xf32, #tpu.memory_space<vmem_shared>>
        %dma_wait3A_252 = arith.constant 0 : i32
        %dma_wait3A_253 = arith.constant 0 : i32
        %dma_wait3A_254 = tpu.memref_slice %arg8[%dma_wait3A_252, %dma_wait3A_253] : memref<32x128xf32, #tpu.memory_space<vmem>> -> memref<16x128xf32, #tpu.memory_space<vmem>>
        tpu.wait_dma2 semaphore(%run_scoped3A : memref<!tpu.dma_semaphore, #tpu.memory_space<semaphore_mem>>) src(%dma_wait3A_254 : memref<16x128xf32, #tpu.memory_space<vmem>>) dst(%dma_wait3A_251 : memref<16x128xf32, #tpu.memory_space<vmem_shared>>)
        tpu.yield
      }) : () -> ()
    } else {
    }
    %mul3A_36 = arith.constant 320 : i32
    %mul3A_37 = arith.muli %arg1, %mul3A_36 : i32
    %add3A_38 = arith.constant 64 : i32
    %add3A_39 = arith.addi %mul3A_37, %add3A_38 : i32
    %add3A_40 = arith.addi %mul3A_0, %add3A_39 : i32
    %add3A_41 = arith.constant 32 : i32
    %add3A_42 = arith.addi %add3A_40, %add3A_41 : i32
    %le3A_43 = arith.constant 10000 : i32
    %le3A_44 = arith.cmpi sle, %add3A_42, %le3A_43 : i32
    %convert_element_type3A_45 = arith.extui %le3A_44 : i1 to i32
    %cond3A_46 = arith.constant 0 : i32
    %cond3A_47 = arith.cmpi ne, %convert_element_type3A_45, %cond3A_46 : i32
    scf.if %cond3A_47 {
      %add3A_236 = arith.addi %mul3A_0, %add3A_39 : i32
      "tpu.region"() ({
        %run_scoped3A = tpu.sem_alloc : memref<!tpu.dma_semaphore, #tpu.memory_space<semaphore_mem>>
        %dma_start3A = arith.constant 0 : i32
        %dma_start3A_237 = tpu.memref_slice %arg2[%add3A_236, %dma_start3A] : memref<10000x128xf32, #tpu.memory_space<hbm>> -> memref<32x128xf32, #tpu.memory_space<hbm>>
        %dma_start3A_238 = arith.constant 0 : i32
        %dma_start3A_239 = tpu.memref_slice %arg2[%add3A_236, %dma_start3A_238] : memref<10000x128xf32, #tpu.memory_space<hbm>> -> memref<32x128xf32, #tpu.memory_space<hbm>>
        tpu.enqueue_dma source(%dma_start3A_239 : memref<32x128xf32, #tpu.memory_space<hbm>>) target(%arg8 : memref<32x128xf32, #tpu.memory_space<vmem>>) target_semaphore(%run_scoped3A : memref<!tpu.dma_semaphore, #tpu.memory_space<semaphore_mem>>)
        %dma_wait3A = arith.constant 0 : i32
        %dma_wait3A_240 = tpu.memref_slice %arg2[%add3A_236, %dma_wait3A] : memref<10000x128xf32, #tpu.memory_space<hbm>> -> memref<32x128xf32, #tpu.memory_space<hbm>>
        %dma_wait3A_241 = arith.constant 0 : i32
        %dma_wait3A_242 = tpu.memref_slice %arg2[%add3A_236, %dma_wait3A_241] : memref<10000x128xf32, #tpu.memory_space<hbm>> -> memref<32x128xf32, #tpu.memory_space<hbm>>
        tpu.wait_dma2 semaphore(%run_scoped3A : memref<!tpu.dma_semaphore, #tpu.memory_space<semaphore_mem>>) src(%dma_wait3A_242 : memref<32x128xf32, #tpu.memory_space<hbm>>) dst(%arg8 : memref<32x128xf32, #tpu.memory_space<vmem>>)
        tpu.yield
      }) : () -> ()
      "tpu.region"() ({
        %run_scoped3A = tpu.sem_alloc : memref<!tpu.dma_semaphore, #tpu.memory_space<semaphore_mem>>
        %dma_start3A = arith.constant 0 : i32
        %dma_start3A_237 = tpu.memref_slice %arg10[%add3A_39, %dma_start3A] : memref<5120x128xf32, #tpu.memory_space<vmem_shared>> -> memref<32x128xf32, #tpu.memory_space<vmem_shared>>
        %dma_start3A_238 = arith.constant 0 : i32
        %dma_start3A_239 = tpu.memref_slice %arg10[%add3A_39, %dma_start3A_238] : memref<5120x128xf32, #tpu.memory_space<vmem_shared>> -> memref<32x128xf32, #tpu.memory_space<vmem_shared>>
        tpu.enqueue_dma source(%arg8 : memref<32x128xf32, #tpu.memory_space<vmem>>) target(%dma_start3A_239 : memref<32x128xf32, #tpu.memory_space<vmem_shared>>) target_semaphore(%run_scoped3A : memref<!tpu.dma_semaphore, #tpu.memory_space<semaphore_mem>>)
        %dma_wait3A = arith.constant 0 : i32
        %dma_wait3A_240 = tpu.memref_slice %arg10[%add3A_39, %dma_wait3A] : memref<5120x128xf32, #tpu.memory_space<vmem_shared>> -> memref<32x128xf32, #tpu.memory_space<vmem_shared>>
        %dma_wait3A_241 = arith.constant 0 : i32
        %dma_wait3A_242 = tpu.memref_slice %arg10[%add3A_39, %dma_wait3A_241] : memref<5120x128xf32, #tpu.memory_space<vmem_shared>> -> memref<32x128xf32, #tpu.memory_space<vmem_shared>>
        tpu.wait_dma2 semaphore(%run_scoped3A : memref<!tpu.dma_semaphore, #tpu.memory_space<semaphore_mem>>) src(%arg8 : memref<32x128xf32, #tpu.memory_space<vmem>>) dst(%dma_wait3A_242 : memref<32x128xf32, #tpu.memory_space<vmem_shared>>)
        tpu.yield
      }) : () -> ()
    } else {
    }
    %not3A_48 = arith.constant true
    %not3A_49 = arith.xori %le3A_44, %not3A_48 : i1
    %add3A_50 = arith.addi %mul3A_0, %add3A_39 : i32
    %lt3A_51 = arith.constant 10000 : i32
    %lt3A_52 = arith.cmpi slt, %add3A_50, %lt3A_51 : i32
    %and3A_53 = arith.andi %not3A_49, %lt3A_52 : i1
    %convert_element_type3A_54 = arith.extui %and3A_53 : i1 to i32
    %cond3A_55 = arith.constant 0 : i32
    %cond3A_56 = arith.cmpi ne, %convert_element_type3A_54, %cond3A_55 : i32
    scf.if %cond3A_56 {
      %add3A_236 = arith.addi %mul3A_0, %add3A_39 : i32
      "tpu.region"() ({
        %run_scoped3A = tpu.sem_alloc : memref<!tpu.dma_semaphore, #tpu.memory_space<semaphore_mem>>
        %dma_start3A = arith.constant 0 : i32
        %dma_start3A_237 = arith.constant 0 : i32
        %dma_start3A_238 = tpu.memref_slice %arg8[%dma_start3A, %dma_start3A_237] : memref<32x128xf32, #tpu.memory_space<vmem>> -> memref<16x128xf32, #tpu.memory_space<vmem>>
        %dma_start3A_239 = arith.constant 0 : i32
        %dma_start3A_240 = tpu.memref_slice %arg2[%add3A_236, %dma_start3A_239] : memref<10000x128xf32, #tpu.memory_space<hbm>> -> memref<16x128xf32, #tpu.memory_space<hbm>>
        %dma_start3A_241 = arith.constant 0 : i32
        %dma_start3A_242 = arith.constant 0 : i32
        %dma_start3A_243 = tpu.memref_slice %arg8[%dma_start3A_241, %dma_start3A_242] : memref<32x128xf32, #tpu.memory_space<vmem>> -> memref<16x128xf32, #tpu.memory_space<vmem>>
        %dma_start3A_244 = arith.constant 0 : i32
        %dma_start3A_245 = tpu.memref_slice %arg2[%add3A_236, %dma_start3A_244] : memref<10000x128xf32, #tpu.memory_space<hbm>> -> memref<16x128xf32, #tpu.memory_space<hbm>>
        tpu.enqueue_dma source(%dma_start3A_245 : memref<16x128xf32, #tpu.memory_space<hbm>>) target(%dma_start3A_243 : memref<16x128xf32, #tpu.memory_space<vmem>>) target_semaphore(%run_scoped3A : memref<!tpu.dma_semaphore, #tpu.memory_space<semaphore_mem>>)
        %dma_wait3A = arith.constant 0 : i32
        %dma_wait3A_246 = arith.constant 0 : i32
        %dma_wait3A_247 = tpu.memref_slice %arg8[%dma_wait3A, %dma_wait3A_246] : memref<32x128xf32, #tpu.memory_space<vmem>> -> memref<16x128xf32, #tpu.memory_space<vmem>>
        %dma_wait3A_248 = arith.constant 0 : i32
        %dma_wait3A_249 = tpu.memref_slice %arg2[%add3A_236, %dma_wait3A_248] : memref<10000x128xf32, #tpu.memory_space<hbm>> -> memref<16x128xf32, #tpu.memory_space<hbm>>
        %dma_wait3A_250 = arith.constant 0 : i32
        %dma_wait3A_251 = arith.constant 0 : i32
        %dma_wait3A_252 = tpu.memref_slice %arg8[%dma_wait3A_250, %dma_wait3A_251] : memref<32x128xf32, #tpu.memory_space<vmem>> -> memref<16x128xf32, #tpu.memory_space<vmem>>
        %dma_wait3A_253 = arith.constant 0 : i32
        %dma_wait3A_254 = tpu.memref_slice %arg2[%add3A_236, %dma_wait3A_253] : memref<10000x128xf32, #tpu.memory_space<hbm>> -> memref<16x128xf32, #tpu.memory_space<hbm>>
        tpu.wait_dma2 semaphore(%run_scoped3A : memref<!tpu.dma_semaphore, #tpu.memory_space<semaphore_mem>>) src(%dma_wait3A_254 : memref<16x128xf32, #tpu.memory_space<hbm>>) dst(%dma_wait3A_252 : memref<16x128xf32, #tpu.memory_space<vmem>>)
        tpu.yield
      }) : () -> ()
      "tpu.region"() ({
        %run_scoped3A = tpu.sem_alloc : memref<!tpu.dma_semaphore, #tpu.memory_space<semaphore_mem>>
        %dma_start3A = arith.constant 0 : i32
        %dma_start3A_237 = arith.constant 0 : i32
        %dma_start3A_238 = tpu.memref_slice %arg8[%dma_start3A, %dma_start3A_237] : memref<32x128xf32, #tpu.memory_space<vmem>> -> memref<16x128xf32, #tpu.memory_space<vmem>>
        %dma_start3A_239 = arith.constant 0 : i32
        %dma_start3A_240 = tpu.memref_slice %arg10[%add3A_39, %dma_start3A_239] : memref<5120x128xf32, #tpu.memory_space<vmem_shared>> -> memref<16x128xf32, #tpu.memory_space<vmem_shared>>
        %dma_start3A_241 = arith.constant 0 : i32
        %dma_start3A_242 = tpu.memref_slice %arg10[%add3A_39, %dma_start3A_241] : memref<5120x128xf32, #tpu.memory_space<vmem_shared>> -> memref<16x128xf32, #tpu.memory_space<vmem_shared>>
        %dma_start3A_243 = arith.constant 0 : i32
        %dma_start3A_244 = arith.constant 0 : i32
        %dma_start3A_245 = tpu.memref_slice %arg8[%dma_start3A_243, %dma_start3A_244] : memref<32x128xf32, #tpu.memory_space<vmem>> -> memref<16x128xf32, #tpu.memory_space<vmem>>
        tpu.enqueue_dma source(%dma_start3A_245 : memref<16x128xf32, #tpu.memory_space<vmem>>) target(%dma_start3A_242 : memref<16x128xf32, #tpu.memory_space<vmem_shared>>) target_semaphore(%run_scoped3A : memref<!tpu.dma_semaphore, #tpu.memory_space<semaphore_mem>>)
        %dma_wait3A = arith.constant 0 : i32
        %dma_wait3A_246 = arith.constant 0 : i32
        %dma_wait3A_247 = tpu.memref_slice %arg8[%dma_wait3A, %dma_wait3A_246] : memref<32x128xf32, #tpu.memory_space<vmem>> -> memref<16x128xf32, #tpu.memory_space<vmem>>
        %dma_wait3A_248 = arith.constant 0 : i32
        %dma_wait3A_249 = tpu.memref_slice %arg10[%add3A_39, %dma_wait3A_248] : memref<5120x128xf32, #tpu.memory_space<vmem_shared>> -> memref<16x128xf32, #tpu.memory_space<vmem_shared>>
        %dma_wait3A_250 = arith.constant 0 : i32
        %dma_wait3A_251 = tpu.memref_slice %arg10[%add3A_39, %dma_wait3A_250] : memref<5120x128xf32, #tpu.memory_space<vmem_shared>> -> memref<16x128xf32, #tpu.memory_space<vmem_shared>>
        %dma_wait3A_252 = arith.constant 0 : i32
        %dma_wait3A_253 = arith.constant 0 : i32
        %dma_wait3A_254 = tpu.memref_slice %arg8[%dma_wait3A_252, %dma_wait3A_253] : memref<32x128xf32, #tpu.memory_space<vmem>> -> memref<16x128xf32, #tpu.memory_space<vmem>>
        tpu.wait_dma2 semaphore(%run_scoped3A : memref<!tpu.dma_semaphore, #tpu.memory_space<semaphore_mem>>) src(%dma_wait3A_254 : memref<16x128xf32, #tpu.memory_space<vmem>>) dst(%dma_wait3A_251 : memref<16x128xf32, #tpu.memory_space<vmem_shared>>)
        tpu.yield
      }) : () -> ()
    } else {
    }
    %mul3A_57 = arith.constant 320 : i32
    %mul3A_58 = arith.muli %arg1, %mul3A_57 : i32
    %add3A_59 = arith.constant 96 : i32
    %add3A_60 = arith.addi %mul3A_58, %add3A_59 : i32
    %add3A_61 = arith.addi %mul3A_0, %add3A_60 : i32
    %add3A_62 = arith.constant 32 : i32
    %add3A_63 = arith.addi %add3A_61, %add3A_62 : i32
    %le3A_64 = arith.constant 10000 : i32
    %le3A_65 = arith.cmpi sle, %add3A_63, %le3A_64 : i32
    %convert_element_type3A_66 = arith.extui %le3A_65 : i1 to i32
    %cond3A_67 = arith.constant 0 : i32
    %cond3A_68 = arith.cmpi ne, %convert_element_type3A_66, %cond3A_67 : i32
    scf.if %cond3A_68 {
      %add3A_236 = arith.addi %mul3A_0, %add3A_60 : i32
      "tpu.region"() ({
        %run_scoped3A = tpu.sem_alloc : memref<!tpu.dma_semaphore, #tpu.memory_space<semaphore_mem>>
        %dma_start3A = arith.constant 0 : i32
        %dma_start3A_237 = tpu.memref_slice %arg2[%add3A_236, %dma_start3A] : memref<10000x128xf32, #tpu.memory_space<hbm>> -> memref<32x128xf32, #tpu.memory_space<hbm>>
        %dma_start3A_238 = arith.constant 0 : i32
        %dma_start3A_239 = tpu.memref_slice %arg2[%add3A_236, %dma_start3A_238] : memref<10000x128xf32, #tpu.memory_space<hbm>> -> memref<32x128xf32, #tpu.memory_space<hbm>>
        tpu.enqueue_dma source(%dma_start3A_239 : memref<32x128xf32, #tpu.memory_space<hbm>>) target(%arg8 : memref<32x128xf32, #tpu.memory_space<vmem>>) target_semaphore(%run_scoped3A : memref<!tpu.dma_semaphore, #tpu.memory_space<semaphore_mem>>)
        %dma_wait3A = arith.constant 0 : i32
        %dma_wait3A_240 = tpu.memref_slice %arg2[%add3A_236, %dma_wait3A] : memref<10000x128xf32, #tpu.memory_space<hbm>> -> memref<32x128xf32, #tpu.memory_space<hbm>>
        %dma_wait3A_241 = arith.constant 0 : i32
        %dma_wait3A_242 = tpu.memref_slice %arg2[%add3A_236, %dma_wait3A_241] : memref<10000x128xf32, #tpu.memory_space<hbm>> -> memref<32x128xf32, #tpu.memory_space<hbm>>
        tpu.wait_dma2 semaphore(%run_scoped3A : memref<!tpu.dma_semaphore, #tpu.memory_space<semaphore_mem>>) src(%dma_wait3A_242 : memref<32x128xf32, #tpu.memory_space<hbm>>) dst(%arg8 : memref<32x128xf32, #tpu.memory_space<vmem>>)
        tpu.yield
      }) : () -> ()
      "tpu.region"() ({
        %run_scoped3A = tpu.sem_alloc : memref<!tpu.dma_semaphore, #tpu.memory_space<semaphore_mem>>
        %dma_start3A = arith.constant 0 : i32
        %dma_start3A_237 = tpu.memref_slice %arg10[%add3A_60, %dma_start3A] : memref<5120x128xf32, #tpu.memory_space<vmem_shared>> -> memref<32x128xf32, #tpu.memory_space<vmem_shared>>
        %dma_start3A_238 = arith.constant 0 : i32
        %dma_start3A_239 = tpu.memref_slice %arg10[%add3A_60, %dma_start3A_238] : memref<5120x128xf32, #tpu.memory_space<vmem_shared>> -> memref<32x128xf32, #tpu.memory_space<vmem_shared>>
        tpu.enqueue_dma source(%arg8 : memref<32x128xf32, #tpu.memory_space<vmem>>) target(%dma_start3A_239 : memref<32x128xf32, #tpu.memory_space<vmem_shared>>) target_semaphore(%run_scoped3A : memref<!tpu.dma_semaphore, #tpu.memory_space<semaphore_mem>>)
        %dma_wait3A = arith.constant 0 : i32
        %dma_wait3A_240 = tpu.memref_slice %arg10[%add3A_60, %dma_wait3A] : memref<5120x128xf32, #tpu.memory_space<vmem_shared>> -> memref<32x128xf32, #tpu.memory_space<vmem_shared>>
        %dma_wait3A_241 = arith.constant 0 : i32
        %dma_wait3A_242 = tpu.memref_slice %arg10[%add3A_60, %dma_wait3A_241] : memref<5120x128xf32, #tpu.memory_space<vmem_shared>> -> memref<32x128xf32, #tpu.memory_space<vmem_shared>>
        tpu.wait_dma2 semaphore(%run_scoped3A : memref<!tpu.dma_semaphore, #tpu.memory_space<semaphore_mem>>) src(%arg8 : memref<32x128xf32, #tpu.memory_space<vmem>>) dst(%dma_wait3A_242 : memref<32x128xf32, #tpu.memory_space<vmem_shared>>)
        tpu.yield
      }) : () -> ()
    } else {
    }
    %not3A_69 = arith.constant true
    %not3A_70 = arith.xori %le3A_65, %not3A_69 : i1
    %add3A_71 = arith.addi %mul3A_0, %add3A_60 : i32
    %lt3A_72 = arith.constant 10000 : i32
    %lt3A_73 = arith.cmpi slt, %add3A_71, %lt3A_72 : i32
    %and3A_74 = arith.andi %not3A_70, %lt3A_73 : i1
    %convert_element_type3A_75 = arith.extui %and3A_74 : i1 to i32
    %cond3A_76 = arith.constant 0 : i32
    %cond3A_77 = arith.cmpi ne, %convert_element_type3A_75, %cond3A_76 : i32
    scf.if %cond3A_77 {
      %add3A_236 = arith.addi %mul3A_0, %add3A_60 : i32
      "tpu.region"() ({
        %run_scoped3A = tpu.sem_alloc : memref<!tpu.dma_semaphore, #tpu.memory_space<semaphore_mem>>
        %dma_start3A = arith.constant 0 : i32
        %dma_start3A_237 = arith.constant 0 : i32
        %dma_start3A_238 = tpu.memref_slice %arg8[%dma_start3A, %dma_start3A_237] : memref<32x128xf32, #tpu.memory_space<vmem>> -> memref<16x128xf32, #tpu.memory_space<vmem>>
        %dma_start3A_239 = arith.constant 0 : i32
        %dma_start3A_240 = tpu.memref_slice %arg2[%add3A_236, %dma_start3A_239] : memref<10000x128xf32, #tpu.memory_space<hbm>> -> memref<16x128xf32, #tpu.memory_space<hbm>>
        %dma_start3A_241 = arith.constant 0 : i32
        %dma_start3A_242 = arith.constant 0 : i32
        %dma_start3A_243 = tpu.memref_slice %arg8[%dma_start3A_241, %dma_start3A_242] : memref<32x128xf32, #tpu.memory_space<vmem>> -> memref<16x128xf32, #tpu.memory_space<vmem>>
        %dma_start3A_244 = arith.constant 0 : i32
        %dma_start3A_245 = tpu.memref_slice %arg2[%add3A_236, %dma_start3A_244] : memref<10000x128xf32, #tpu.memory_space<hbm>> -> memref<16x128xf32, #tpu.memory_space<hbm>>
        tpu.enqueue_dma source(%dma_start3A_245 : memref<16x128xf32, #tpu.memory_space<hbm>>) target(%dma_start3A_243 : memref<16x128xf32, #tpu.memory_space<vmem>>) target_semaphore(%run_scoped3A : memref<!tpu.dma_semaphore, #tpu.memory_space<semaphore_mem>>)
        %dma_wait3A = arith.constant 0 : i32
        %dma_wait3A_246 = arith.constant 0 : i32
        %dma_wait3A_247 = tpu.memref_slice %arg8[%dma_wait3A, %dma_wait3A_246] : memref<32x128xf32, #tpu.memory_space<vmem>> -> memref<16x128xf32, #tpu.memory_space<vmem>>
        %dma_wait3A_248 = arith.constant 0 : i32
        %dma_wait3A_249 = tpu.memref_slice %arg2[%add3A_236, %dma_wait3A_248] : memref<10000x128xf32, #tpu.memory_space<hbm>> -> memref<16x128xf32, #tpu.memory_space<hbm>>
        %dma_wait3A_250 = arith.constant 0 : i32
        %dma_wait3A_251 = arith.constant 0 : i32
        %dma_wait3A_252 = tpu.memref_slice %arg8[%dma_wait3A_250, %dma_wait3A_251] : memref<32x128xf32, #tpu.memory_space<vmem>> -> memref<16x128xf32, #tpu.memory_space<vmem>>
        %dma_wait3A_253 = arith.constant 0 : i32
        %dma_wait3A_254 = tpu.memref_slice %arg2[%add3A_236, %dma_wait3A_253] : memref<10000x128xf32, #tpu.memory_space<hbm>> -> memref<16x128xf32, #tpu.memory_space<hbm>>
        tpu.wait_dma2 semaphore(%run_scoped3A : memref<!tpu.dma_semaphore, #tpu.memory_space<semaphore_mem>>) src(%dma_wait3A_254 : memref<16x128xf32, #tpu.memory_space<hbm>>) dst(%dma_wait3A_252 : memref<16x128xf32, #tpu.memory_space<vmem>>)
        tpu.yield
      }) : () -> ()
      "tpu.region"() ({
        %run_scoped3A = tpu.sem_alloc : memref<!tpu.dma_semaphore, #tpu.memory_space<semaphore_mem>>
        %dma_start3A = arith.constant 0 : i32
        %dma_start3A_237 = arith.constant 0 : i32
        %dma_start3A_238 = tpu.memref_slice %arg8[%dma_start3A, %dma_start3A_237] : memref<32x128xf32, #tpu.memory_space<vmem>> -> memref<16x128xf32, #tpu.memory_space<vmem>>
        %dma_start3A_239 = arith.constant 0 : i32
        %dma_start3A_240 = tpu.memref_slice %arg10[%add3A_60, %dma_start3A_239] : memref<5120x128xf32, #tpu.memory_space<vmem_shared>> -> memref<16x128xf32, #tpu.memory_space<vmem_shared>>
        %dma_start3A_241 = arith.constant 0 : i32
        %dma_start3A_242 = tpu.memref_slice %arg10[%add3A_60, %dma_start3A_241] : memref<5120x128xf32, #tpu.memory_space<vmem_shared>> -> memref<16x128xf32, #tpu.memory_space<vmem_shared>>
        %dma_start3A_243 = arith.constant 0 : i32
        %dma_start3A_244 = arith.constant 0 : i32
        %dma_start3A_245 = tpu.memref_slice %arg8[%dma_start3A_243, %dma_start3A_244] : memref<32x128xf32, #tpu.memory_space<vmem>> -> memref<16x128xf32, #tpu.memory_space<vmem>>
        tpu.enqueue_dma source(%dma_start3A_245 : memref<16x128xf32, #tpu.memory_space<vmem>>) target(%dma_start3A_242 : memref<16x128xf32, #tpu.memory_space<vmem_shared>>) target_semaphore(%run_scoped3A : memref<!tpu.dma_semaphore, #tpu.memory_space<semaphore_mem>>)
        %dma_wait3A = arith.constant 0 : i32
        %dma_wait3A_246 = arith.constant 0 : i32
        %dma_wait3A_247 = tpu.memref_slice %arg8[%dma_wait3A, %dma_wait3A_246] : memref<32x128xf32, #tpu.memory_space<vmem>> -> memref<16x128xf32, #tpu.memory_space<vmem>>
        %dma_wait3A_248 = arith.constant 0 : i32
        %dma_wait3A_249 = tpu.memref_slice %arg10[%add3A_60, %dma_wait3A_248] : memref<5120x128xf32, #tpu.memory_space<vmem_shared>> -> memref<16x128xf32, #tpu.memory_space<vmem_shared>>
        %dma_wait3A_250 = arith.constant 0 : i32
        %dma_wait3A_251 = tpu.memref_slice %arg10[%add3A_60, %dma_wait3A_250] : memref<5120x128xf32, #tpu.memory_space<vmem_shared>> -> memref<16x128xf32, #tpu.memory_space<vmem_shared>>
        %dma_wait3A_252 = arith.constant 0 : i32
        %dma_wait3A_253 = arith.constant 0 : i32
        %dma_wait3A_254 = tpu.memref_slice %arg8[%dma_wait3A_252, %dma_wait3A_253] : memref<32x128xf32, #tpu.memory_space<vmem>> -> memref<16x128xf32, #tpu.memory_space<vmem>>
        tpu.wait_dma2 semaphore(%run_scoped3A : memref<!tpu.dma_semaphore, #tpu.memory_space<semaphore_mem>>) src(%dma_wait3A_254 : memref<16x128xf32, #tpu.memory_space<vmem>>) dst(%dma_wait3A_251 : memref<16x128xf32, #tpu.memory_space<vmem_shared>>)
        tpu.yield
      }) : () -> ()
    } else {
    }
    %mul3A_78 = arith.constant 320 : i32
    %mul3A_79 = arith.muli %arg1, %mul3A_78 : i32
    %add3A_80 = arith.constant 128 : i32
    %add3A_81 = arith.addi %mul3A_79, %add3A_80 : i32
    %add3A_82 = arith.addi %mul3A_0, %add3A_81 : i32
    %add3A_83 = arith.constant 32 : i32
    %add3A_84 = arith.addi %add3A_82, %add3A_83 : i32
    %le3A_85 = arith.constant 10000 : i32
    %le3A_86 = arith.cmpi sle, %add3A_84, %le3A_85 : i32
    %convert_element_type3A_87 = arith.extui %le3A_86 : i1 to i32
    %cond3A_88 = arith.constant 0 : i32
    %cond3A_89 = arith.cmpi ne, %convert_element_type3A_87, %cond3A_88 : i32
    scf.if %cond3A_89 {
      %add3A_236 = arith.addi %mul3A_0, %add3A_81 : i32
      "tpu.region"() ({
        %run_scoped3A = tpu.sem_alloc : memref<!tpu.dma_semaphore, #tpu.memory_space<semaphore_mem>>
        %dma_start3A = arith.constant 0 : i32
        %dma_start3A_237 = tpu.memref_slice %arg2[%add3A_236, %dma_start3A] : memref<10000x128xf32, #tpu.memory_space<hbm>> -> memref<32x128xf32, #tpu.memory_space<hbm>>
        %dma_start3A_238 = arith.constant 0 : i32
        %dma_start3A_239 = tpu.memref_slice %arg2[%add3A_236, %dma_start3A_238] : memref<10000x128xf32, #tpu.memory_space<hbm>> -> memref<32x128xf32, #tpu.memory_space<hbm>>
        tpu.enqueue_dma source(%dma_start3A_239 : memref<32x128xf32, #tpu.memory_space<hbm>>) target(%arg8 : memref<32x128xf32, #tpu.memory_space<vmem>>) target_semaphore(%run_scoped3A : memref<!tpu.dma_semaphore, #tpu.memory_space<semaphore_mem>>)
        %dma_wait3A = arith.constant 0 : i32
        %dma_wait3A_240 = tpu.memref_slice %arg2[%add3A_236, %dma_wait3A] : memref<10000x128xf32, #tpu.memory_space<hbm>> -> memref<32x128xf32, #tpu.memory_space<hbm>>
        %dma_wait3A_241 = arith.constant 0 : i32
        %dma_wait3A_242 = tpu.memref_slice %arg2[%add3A_236, %dma_wait3A_241] : memref<10000x128xf32, #tpu.memory_space<hbm>> -> memref<32x128xf32, #tpu.memory_space<hbm>>
        tpu.wait_dma2 semaphore(%run_scoped3A : memref<!tpu.dma_semaphore, #tpu.memory_space<semaphore_mem>>) src(%dma_wait3A_242 : memref<32x128xf32, #tpu.memory_space<hbm>>) dst(%arg8 : memref<32x128xf32, #tpu.memory_space<vmem>>)
        tpu.yield
      }) : () -> ()
      "tpu.region"() ({
        %run_scoped3A = tpu.sem_alloc : memref<!tpu.dma_semaphore, #tpu.memory_space<semaphore_mem>>
        %dma_start3A = arith.constant 0 : i32
        %dma_start3A_237 = tpu.memref_slice %arg10[%add3A_81, %dma_start3A] : memref<5120x128xf32, #tpu.memory_space<vmem_shared>> -> memref<32x128xf32, #tpu.memory_space<vmem_shared>>
        %dma_start3A_238 = arith.constant 0 : i32
        %dma_start3A_239 = tpu.memref_slice %arg10[%add3A_81, %dma_start3A_238] : memref<5120x128xf32, #tpu.memory_space<vmem_shared>> -> memref<32x128xf32, #tpu.memory_space<vmem_shared>>
        tpu.enqueue_dma source(%arg8 : memref<32x128xf32, #tpu.memory_space<vmem>>) target(%dma_start3A_239 : memref<32x128xf32, #tpu.memory_space<vmem_shared>>) target_semaphore(%run_scoped3A : memref<!tpu.dma_semaphore, #tpu.memory_space<semaphore_mem>>)
        %dma_wait3A = arith.constant 0 : i32
        %dma_wait3A_240 = tpu.memref_slice %arg10[%add3A_81, %dma_wait3A] : memref<5120x128xf32, #tpu.memory_space<vmem_shared>> -> memref<32x128xf32, #tpu.memory_space<vmem_shared>>
        %dma_wait3A_241 = arith.constant 0 : i32
        %dma_wait3A_242 = tpu.memref_slice %arg10[%add3A_81, %dma_wait3A_241] : memref<5120x128xf32, #tpu.memory_space<vmem_shared>> -> memref<32x128xf32, #tpu.memory_space<vmem_shared>>
        tpu.wait_dma2 semaphore(%run_scoped3A : memref<!tpu.dma_semaphore, #tpu.memory_space<semaphore_mem>>) src(%arg8 : memref<32x128xf32, #tpu.memory_space<vmem>>) dst(%dma_wait3A_242 : memref<32x128xf32, #tpu.memory_space<vmem_shared>>)
        tpu.yield
      }) : () -> ()
    } else {
    }
    %not3A_90 = arith.constant true
    %not3A_91 = arith.xori %le3A_86, %not3A_90 : i1
    %add3A_92 = arith.addi %mul3A_0, %add3A_81 : i32
    %lt3A_93 = arith.constant 10000 : i32
    %lt3A_94 = arith.cmpi slt, %add3A_92, %lt3A_93 : i32
    %and3A_95 = arith.andi %not3A_91, %lt3A_94 : i1
    %convert_element_type3A_96 = arith.extui %and3A_95 : i1 to i32
    %cond3A_97 = arith.constant 0 : i32
    %cond3A_98 = arith.cmpi ne, %convert_element_type3A_96, %cond3A_97 : i32
    scf.if %cond3A_98 {
      %add3A_236 = arith.addi %mul3A_0, %add3A_81 : i32
      "tpu.region"() ({
        %run_scoped3A = tpu.sem_alloc : memref<!tpu.dma_semaphore, #tpu.memory_space<semaphore_mem>>
        %dma_start3A = arith.constant 0 : i32
        %dma_start3A_237 = arith.constant 0 : i32
        %dma_start3A_238 = tpu.memref_slice %arg8[%dma_start3A, %dma_start3A_237] : memref<32x128xf32, #tpu.memory_space<vmem>> -> memref<16x128xf32, #tpu.memory_space<vmem>>
        %dma_start3A_239 = arith.constant 0 : i32
        %dma_start3A_240 = tpu.memref_slice %arg2[%add3A_236, %dma_start3A_239] : memref<10000x128xf32, #tpu.memory_space<hbm>> -> memref<16x128xf32, #tpu.memory_space<hbm>>
        %dma_start3A_241 = arith.constant 0 : i32
        %dma_start3A_242 = arith.constant 0 : i32
        %dma_start3A_243 = tpu.memref_slice %arg8[%dma_start3A_241, %dma_start3A_242] : memref<32x128xf32, #tpu.memory_space<vmem>> -> memref<16x128xf32, #tpu.memory_space<vmem>>
        %dma_start3A_244 = arith.constant 0 : i32
        %dma_start3A_245 = tpu.memref_slice %arg2[%add3A_236, %dma_start3A_244] : memref<10000x128xf32, #tpu.memory_space<hbm>> -> memref<16x128xf32, #tpu.memory_space<hbm>>
        tpu.enqueue_dma source(%dma_start3A_245 : memref<16x128xf32, #tpu.memory_space<hbm>>) target(%dma_start3A_243 : memref<16x128xf32, #tpu.memory_space<vmem>>) target_semaphore(%run_scoped3A : memref<!tpu.dma_semaphore, #tpu.memory_space<semaphore_mem>>)
        %dma_wait3A = arith.constant 0 : i32
        %dma_wait3A_246 = arith.constant 0 : i32
        %dma_wait3A_247 = tpu.memref_slice %arg8[%dma_wait3A, %dma_wait3A_246] : memref<32x128xf32, #tpu.memory_space<vmem>> -> memref<16x128xf32, #tpu.memory_space<vmem>>
        %dma_wait3A_248 = arith.constant 0 : i32
        %dma_wait3A_249 = tpu.memref_slice %arg2[%add3A_236, %dma_wait3A_248] : memref<10000x128xf32, #tpu.memory_space<hbm>> -> memref<16x128xf32, #tpu.memory_space<hbm>>
        %dma_wait3A_250 = arith.constant 0 : i32
        %dma_wait3A_251 = arith.constant 0 : i32
        %dma_wait3A_252 = tpu.memref_slice %arg8[%dma_wait3A_250, %dma_wait3A_251] : memref<32x128xf32, #tpu.memory_space<vmem>> -> memref<16x128xf32, #tpu.memory_space<vmem>>
        %dma_wait3A_253 = arith.constant 0 : i32
        %dma_wait3A_254 = tpu.memref_slice %arg2[%add3A_236, %dma_wait3A_253] : memref<10000x128xf32, #tpu.memory_space<hbm>> -> memref<16x128xf32, #tpu.memory_space<hbm>>
        tpu.wait_dma2 semaphore(%run_scoped3A : memref<!tpu.dma_semaphore, #tpu.memory_space<semaphore_mem>>) src(%dma_wait3A_254 : memref<16x128xf32, #tpu.memory_space<hbm>>) dst(%dma_wait3A_252 : memref<16x128xf32, #tpu.memory_space<vmem>>)
        tpu.yield
      }) : () -> ()
      "tpu.region"() ({
        %run_scoped3A = tpu.sem_alloc : memref<!tpu.dma_semaphore, #tpu.memory_space<semaphore_mem>>
        %dma_start3A = arith.constant 0 : i32
        %dma_start3A_237 = arith.constant 0 : i32
        %dma_start3A_238 = tpu.memref_slice %arg8[%dma_start3A, %dma_start3A_237] : memref<32x128xf32, #tpu.memory_space<vmem>> -> memref<16x128xf32, #tpu.memory_space<vmem>>
        %dma_start3A_239 = arith.constant 0 : i32
        %dma_start3A_240 = tpu.memref_slice %arg10[%add3A_81, %dma_start3A_239] : memref<5120x128xf32, #tpu.memory_space<vmem_shared>> -> memref<16x128xf32, #tpu.memory_space<vmem_shared>>
        %dma_start3A_241 = arith.constant 0 : i32
        %dma_start3A_242 = tpu.memref_slice %arg10[%add3A_81, %dma_start3A_241] : memref<5120x128xf32, #tpu.memory_space<vmem_shared>> -> memref<16x128xf32, #tpu.memory_space<vmem_shared>>
        %dma_start3A_243 = arith.constant 0 : i32
        %dma_start3A_244 = arith.constant 0 : i32
        %dma_start3A_245 = tpu.memref_slice %arg8[%dma_start3A_243, %dma_start3A_244] : memref<32x128xf32, #tpu.memory_space<vmem>> -> memref<16x128xf32, #tpu.memory_space<vmem>>
        tpu.enqueue_dma source(%dma_start3A_245 : memref<16x128xf32, #tpu.memory_space<vmem>>) target(%dma_start3A_242 : memref<16x128xf32, #tpu.memory_space<vmem_shared>>) target_semaphore(%run_scoped3A : memref<!tpu.dma_semaphore, #tpu.memory_space<semaphore_mem>>)
        %dma_wait3A = arith.constant 0 : i32
        %dma_wait3A_246 = arith.constant 0 : i32
        %dma_wait3A_247 = tpu.memref_slice %arg8[%dma_wait3A, %dma_wait3A_246] : memref<32x128xf32, #tpu.memory_space<vmem>> -> memref<16x128xf32, #tpu.memory_space<vmem>>
        %dma_wait3A_248 = arith.constant 0 : i32
        %dma_wait3A_249 = tpu.memref_slice %arg10[%add3A_81, %dma_wait3A_248] : memref<5120x128xf32, #tpu.memory_space<vmem_shared>> -> memref<16x128xf32, #tpu.memory_space<vmem_shared>>
        %dma_wait3A_250 = arith.constant 0 : i32
        %dma_wait3A_251 = tpu.memref_slice %arg10[%add3A_81, %dma_wait3A_250] : memref<5120x128xf32, #tpu.memory_space<vmem_shared>> -> memref<16x128xf32, #tpu.memory_space<vmem_shared>>
        %dma_wait3A_252 = arith.constant 0 : i32
        %dma_wait3A_253 = arith.constant 0 : i32
        %dma_wait3A_254 = tpu.memref_slice %arg8[%dma_wait3A_252, %dma_wait3A_253] : memref<32x128xf32, #tpu.memory_space<vmem>> -> memref<16x128xf32, #tpu.memory_space<vmem>>
        tpu.wait_dma2 semaphore(%run_scoped3A : memref<!tpu.dma_semaphore, #tpu.memory_space<semaphore_mem>>) src(%dma_wait3A_254 : memref<16x128xf32, #tpu.memory_space<vmem>>) dst(%dma_wait3A_251 : memref<16x128xf32, #tpu.memory_space<vmem_shared>>)
        tpu.yield
      }) : () -> ()
    } else {
    }
    %mul3A_99 = arith.constant 320 : i32
    %mul3A_100 = arith.muli %arg1, %mul3A_99 : i32
    %add3A_101 = arith.constant 160 : i32
    %add3A_102 = arith.addi %mul3A_100, %add3A_101 : i32
    %add3A_103 = arith.addi %mul3A_0, %add3A_102 : i32
    %add3A_104 = arith.constant 32 : i32
    %add3A_105 = arith.addi %add3A_103, %add3A_104 : i32
    %le3A_106 = arith.constant 10000 : i32
    %le3A_107 = arith.cmpi sle, %add3A_105, %le3A_106 : i32
    %convert_element_type3A_108 = arith.extui %le3A_107 : i1 to i32
    %cond3A_109 = arith.constant 0 : i32
    %cond3A_110 = arith.cmpi ne, %convert_element_type3A_108, %cond3A_109 : i32
    scf.if %cond3A_110 {
      %add3A_236 = arith.addi %mul3A_0, %add3A_102 : i32
      "tpu.region"() ({
        %run_scoped3A = tpu.sem_alloc : memref<!tpu.dma_semaphore, #tpu.memory_space<semaphore_mem>>
        %dma_start3A = arith.constant 0 : i32
        %dma_start3A_237 = tpu.memref_slice %arg2[%add3A_236, %dma_start3A] : memref<10000x128xf32, #tpu.memory_space<hbm>> -> memref<32x128xf32, #tpu.memory_space<hbm>>
        %dma_start3A_238 = arith.constant 0 : i32
        %dma_start3A_239 = tpu.memref_slice %arg2[%add3A_236, %dma_start3A_238] : memref<10000x128xf32, #tpu.memory_space<hbm>> -> memref<32x128xf32, #tpu.memory_space<hbm>>
        tpu.enqueue_dma source(%dma_start3A_239 : memref<32x128xf32, #tpu.memory_space<hbm>>) target(%arg8 : memref<32x128xf32, #tpu.memory_space<vmem>>) target_semaphore(%run_scoped3A : memref<!tpu.dma_semaphore, #tpu.memory_space<semaphore_mem>>)
        %dma_wait3A = arith.constant 0 : i32
        %dma_wait3A_240 = tpu.memref_slice %arg2[%add3A_236, %dma_wait3A] : memref<10000x128xf32, #tpu.memory_space<hbm>> -> memref<32x128xf32, #tpu.memory_space<hbm>>
        %dma_wait3A_241 = arith.constant 0 : i32
        %dma_wait3A_242 = tpu.memref_slice %arg2[%add3A_236, %dma_wait3A_241] : memref<10000x128xf32, #tpu.memory_space<hbm>> -> memref<32x128xf32, #tpu.memory_space<hbm>>
        tpu.wait_dma2 semaphore(%run_scoped3A : memref<!tpu.dma_semaphore, #tpu.memory_space<semaphore_mem>>) src(%dma_wait3A_242 : memref<32x128xf32, #tpu.memory_space<hbm>>) dst(%arg8 : memref<32x128xf32, #tpu.memory_space<vmem>>)
        tpu.yield
      }) : () -> ()
      "tpu.region"() ({
        %run_scoped3A = tpu.sem_alloc : memref<!tpu.dma_semaphore, #tpu.memory_space<semaphore_mem>>
        %dma_start3A = arith.constant 0 : i32
        %dma_start3A_237 = tpu.memref_slice %arg10[%add3A_102, %dma_start3A] : memref<5120x128xf32, #tpu.memory_space<vmem_shared>> -> memref<32x128xf32, #tpu.memory_space<vmem_shared>>
        %dma_start3A_238 = arith.constant 0 : i32
        %dma_start3A_239 = tpu.memref_slice %arg10[%add3A_102, %dma_start3A_238] : memref<5120x128xf32, #tpu.memory_space<vmem_shared>> -> memref<32x128xf32, #tpu.memory_space<vmem_shared>>
        tpu.enqueue_dma source(%arg8 : memref<32x128xf32, #tpu.memory_space<vmem>>) target(%dma_start3A_239 : memref<32x128xf32, #tpu.memory_space<vmem_shared>>) target_semaphore(%run_scoped3A : memref<!tpu.dma_semaphore, #tpu.memory_space<semaphore_mem>>)
        %dma_wait3A = arith.constant 0 : i32
        %dma_wait3A_240 = tpu.memref_slice %arg10[%add3A_102, %dma_wait3A] : memref<5120x128xf32, #tpu.memory_space<vmem_shared>> -> memref<32x128xf32, #tpu.memory_space<vmem_shared>>
        %dma_wait3A_241 = arith.constant 0 : i32
        %dma_wait3A_242 = tpu.memref_slice %arg10[%add3A_102, %dma_wait3A_241] : memref<5120x128xf32, #tpu.memory_space<vmem_shared>> -> memref<32x128xf32, #tpu.memory_space<vmem_shared>>
        tpu.wait_dma2 semaphore(%run_scoped3A : memref<!tpu.dma_semaphore, #tpu.memory_space<semaphore_mem>>) src(%arg8 : memref<32x128xf32, #tpu.memory_space<vmem>>) dst(%dma_wait3A_242 : memref<32x128xf32, #tpu.memory_space<vmem_shared>>)
        tpu.yield
      }) : () -> ()
    } else {
    }
    %not3A_111 = arith.constant true
    %not3A_112 = arith.xori %le3A_107, %not3A_111 : i1
    %add3A_113 = arith.addi %mul3A_0, %add3A_102 : i32
    %lt3A_114 = arith.constant 10000 : i32
    %lt3A_115 = arith.cmpi slt, %add3A_113, %lt3A_114 : i32
    %and3A_116 = arith.andi %not3A_112, %lt3A_115 : i1
    %convert_element_type3A_117 = arith.extui %and3A_116 : i1 to i32
    %cond3A_118 = arith.constant 0 : i32
    %cond3A_119 = arith.cmpi ne, %convert_element_type3A_117, %cond3A_118 : i32
    scf.if %cond3A_119 {
      %add3A_236 = arith.addi %mul3A_0, %add3A_102 : i32
      "tpu.region"() ({
        %run_scoped3A = tpu.sem_alloc : memref<!tpu.dma_semaphore, #tpu.memory_space<semaphore_mem>>
        %dma_start3A = arith.constant 0 : i32
        %dma_start3A_237 = arith.constant 0 : i32
        %dma_start3A_238 = tpu.memref_slice %arg8[%dma_start3A, %dma_start3A_237] : memref<32x128xf32, #tpu.memory_space<vmem>> -> memref<16x128xf32, #tpu.memory_space<vmem>>
        %dma_start3A_239 = arith.constant 0 : i32
        %dma_start3A_240 = tpu.memref_slice %arg2[%add3A_236, %dma_start3A_239] : memref<10000x128xf32, #tpu.memory_space<hbm>> -> memref<16x128xf32, #tpu.memory_space<hbm>>
        %dma_start3A_241 = arith.constant 0 : i32
        %dma_start3A_242 = arith.constant 0 : i32
        %dma_start3A_243 = tpu.memref_slice %arg8[%dma_start3A_241, %dma_start3A_242] : memref<32x128xf32, #tpu.memory_space<vmem>> -> memref<16x128xf32, #tpu.memory_space<vmem>>
        %dma_start3A_244 = arith.constant 0 : i32
        %dma_start3A_245 = tpu.memref_slice %arg2[%add3A_236, %dma_start3A_244] : memref<10000x128xf32, #tpu.memory_space<hbm>> -> memref<16x128xf32, #tpu.memory_space<hbm>>
        tpu.enqueue_dma source(%dma_start3A_245 : memref<16x128xf32, #tpu.memory_space<hbm>>) target(%dma_start3A_243 : memref<16x128xf32, #tpu.memory_space<vmem>>) target_semaphore(%run_scoped3A : memref<!tpu.dma_semaphore, #tpu.memory_space<semaphore_mem>>)
        %dma_wait3A = arith.constant 0 : i32
        %dma_wait3A_246 = arith.constant 0 : i32
        %dma_wait3A_247 = tpu.memref_slice %arg8[%dma_wait3A, %dma_wait3A_246] : memref<32x128xf32, #tpu.memory_space<vmem>> -> memref<16x128xf32, #tpu.memory_space<vmem>>
        %dma_wait3A_248 = arith.constant 0 : i32
        %dma_wait3A_249 = tpu.memref_slice %arg2[%add3A_236, %dma_wait3A_248] : memref<10000x128xf32, #tpu.memory_space<hbm>> -> memref<16x128xf32, #tpu.memory_space<hbm>>
        %dma_wait3A_250 = arith.constant 0 : i32
        %dma_wait3A_251 = arith.constant 0 : i32
        %dma_wait3A_252 = tpu.memref_slice %arg8[%dma_wait3A_250, %dma_wait3A_251] : memref<32x128xf32, #tpu.memory_space<vmem>> -> memref<16x128xf32, #tpu.memory_space<vmem>>
        %dma_wait3A_253 = arith.constant 0 : i32
        %dma_wait3A_254 = tpu.memref_slice %arg2[%add3A_236, %dma_wait3A_253] : memref<10000x128xf32, #tpu.memory_space<hbm>> -> memref<16x128xf32, #tpu.memory_space<hbm>>
        tpu.wait_dma2 semaphore(%run_scoped3A : memref<!tpu.dma_semaphore, #tpu.memory_space<semaphore_mem>>) src(%dma_wait3A_254 : memref<16x128xf32, #tpu.memory_space<hbm>>) dst(%dma_wait3A_252 : memref<16x128xf32, #tpu.memory_space<vmem>>)
        tpu.yield
      }) : () -> ()
      "tpu.region"() ({
        %run_scoped3A = tpu.sem_alloc : memref<!tpu.dma_semaphore, #tpu.memory_space<semaphore_mem>>
        %dma_start3A = arith.constant 0 : i32
        %dma_start3A_237 = arith.constant 0 : i32
        %dma_start3A_238 = tpu.memref_slice %arg8[%dma_start3A, %dma_start3A_237] : memref<32x128xf32, #tpu.memory_space<vmem>> -> memref<16x128xf32, #tpu.memory_space<vmem>>
        %dma_start3A_239 = arith.constant 0 : i32
        %dma_start3A_240 = tpu.memref_slice %arg10[%add3A_102, %dma_start3A_239] : memref<5120x128xf32, #tpu.memory_space<vmem_shared>> -> memref<16x128xf32, #tpu.memory_space<vmem_shared>>
        %dma_start3A_241 = arith.constant 0 : i32
        %dma_start3A_242 = tpu.memref_slice %arg10[%add3A_102, %dma_start3A_241] : memref<5120x128xf32, #tpu.memory_space<vmem_shared>> -> memref<16x128xf32, #tpu.memory_space<vmem_shared>>
        %dma_start3A_243 = arith.constant 0 : i32
        %dma_start3A_244 = arith.constant 0 : i32
        %dma_start3A_245 = tpu.memref_slice %arg8[%dma_start3A_243, %dma_start3A_244] : memref<32x128xf32, #tpu.memory_space<vmem>> -> memref<16x128xf32, #tpu.memory_space<vmem>>
        tpu.enqueue_dma source(%dma_start3A_245 : memref<16x128xf32, #tpu.memory_space<vmem>>) target(%dma_start3A_242 : memref<16x128xf32, #tpu.memory_space<vmem_shared>>) target_semaphore(%run_scoped3A : memref<!tpu.dma_semaphore, #tpu.memory_space<semaphore_mem>>)
        %dma_wait3A = arith.constant 0 : i32
        %dma_wait3A_246 = arith.constant 0 : i32
        %dma_wait3A_247 = tpu.memref_slice %arg8[%dma_wait3A, %dma_wait3A_246] : memref<32x128xf32, #tpu.memory_space<vmem>> -> memref<16x128xf32, #tpu.memory_space<vmem>>
        %dma_wait3A_248 = arith.constant 0 : i32
        %dma_wait3A_249 = tpu.memref_slice %arg10[%add3A_102, %dma_wait3A_248] : memref<5120x128xf32, #tpu.memory_space<vmem_shared>> -> memref<16x128xf32, #tpu.memory_space<vmem_shared>>
        %dma_wait3A_250 = arith.constant 0 : i32
        %dma_wait3A_251 = tpu.memref_slice %arg10[%add3A_102, %dma_wait3A_250] : memref<5120x128xf32, #tpu.memory_space<vmem_shared>> -> memref<16x128xf32, #tpu.memory_space<vmem_shared>>
        %dma_wait3A_252 = arith.constant 0 : i32
        %dma_wait3A_253 = arith.constant 0 : i32
        %dma_wait3A_254 = tpu.memref_slice %arg8[%dma_wait3A_252, %dma_wait3A_253] : memref<32x128xf32, #tpu.memory_space<vmem>> -> memref<16x128xf32, #tpu.memory_space<vmem>>
        tpu.wait_dma2 semaphore(%run_scoped3A : memref<!tpu.dma_semaphore, #tpu.memory_space<semaphore_mem>>) src(%dma_wait3A_254 : memref<16x128xf32, #tpu.memory_space<vmem>>) dst(%dma_wait3A_251 : memref<16x128xf32, #tpu.memory_space<vmem_shared>>)
        tpu.yield
      }) : () -> ()
    } else {
    }
    %mul3A_120 = arith.constant 320 : i32
    %mul3A_121 = arith.muli %arg1, %mul3A_120 : i32
    %add3A_122 = arith.constant 192 : i32
    %add3A_123 = arith.addi %mul3A_121, %add3A_122 : i32
    %add3A_124 = arith.addi %mul3A_0, %add3A_123 : i32
    %add3A_125 = arith.constant 32 : i32
    %add3A_126 = arith.addi %add3A_124, %add3A_125 : i32
    %le3A_127 = arith.constant 10000 : i32
    %le3A_128 = arith.cmpi sle, %add3A_126, %le3A_127 : i32
    %convert_element_type3A_129 = arith.extui %le3A_128 : i1 to i32
    %cond3A_130 = arith.constant 0 : i32
    %cond3A_131 = arith.cmpi ne, %convert_element_type3A_129, %cond3A_130 : i32
    scf.if %cond3A_131 {
      %add3A_236 = arith.addi %mul3A_0, %add3A_123 : i32
      "tpu.region"() ({
        %run_scoped3A = tpu.sem_alloc : memref<!tpu.dma_semaphore, #tpu.memory_space<semaphore_mem>>
        %dma_start3A = arith.constant 0 : i32
        %dma_start3A_237 = tpu.memref_slice %arg2[%add3A_236, %dma_start3A] : memref<10000x128xf32, #tpu.memory_space<hbm>> -> memref<32x128xf32, #tpu.memory_space<hbm>>
        %dma_start3A_238 = arith.constant 0 : i32
        %dma_start3A_239 = tpu.memref_slice %arg2[%add3A_236, %dma_start3A_238] : memref<10000x128xf32, #tpu.memory_space<hbm>> -> memref<32x128xf32, #tpu.memory_space<hbm>>
        tpu.enqueue_dma source(%dma_start3A_239 : memref<32x128xf32, #tpu.memory_space<hbm>>) target(%arg8 : memref<32x128xf32, #tpu.memory_space<vmem>>) target_semaphore(%run_scoped3A : memref<!tpu.dma_semaphore, #tpu.memory_space<semaphore_mem>>)
        %dma_wait3A = arith.constant 0 : i32
        %dma_wait3A_240 = tpu.memref_slice %arg2[%add3A_236, %dma_wait3A] : memref<10000x128xf32, #tpu.memory_space<hbm>> -> memref<32x128xf32, #tpu.memory_space<hbm>>
        %dma_wait3A_241 = arith.constant 0 : i32
        %dma_wait3A_242 = tpu.memref_slice %arg2[%add3A_236, %dma_wait3A_241] : memref<10000x128xf32, #tpu.memory_space<hbm>> -> memref<32x128xf32, #tpu.memory_space<hbm>>
        tpu.wait_dma2 semaphore(%run_scoped3A : memref<!tpu.dma_semaphore, #tpu.memory_space<semaphore_mem>>) src(%dma_wait3A_242 : memref<32x128xf32, #tpu.memory_space<hbm>>) dst(%arg8 : memref<32x128xf32, #tpu.memory_space<vmem>>)
        tpu.yield
      }) : () -> ()
      "tpu.region"() ({
        %run_scoped3A = tpu.sem_alloc : memref<!tpu.dma_semaphore, #tpu.memory_space<semaphore_mem>>
        %dma_start3A = arith.constant 0 : i32
        %dma_start3A_237 = tpu.memref_slice %arg10[%add3A_123, %dma_start3A] : memref<5120x128xf32, #tpu.memory_space<vmem_shared>> -> memref<32x128xf32, #tpu.memory_space<vmem_shared>>
        %dma_start3A_238 = arith.constant 0 : i32
        %dma_start3A_239 = tpu.memref_slice %arg10[%add3A_123, %dma_start3A_238] : memref<5120x128xf32, #tpu.memory_space<vmem_shared>> -> memref<32x128xf32, #tpu.memory_space<vmem_shared>>
        tpu.enqueue_dma source(%arg8 : memref<32x128xf32, #tpu.memory_space<vmem>>) target(%dma_start3A_239 : memref<32x128xf32, #tpu.memory_space<vmem_shared>>) target_semaphore(%run_scoped3A : memref<!tpu.dma_semaphore, #tpu.memory_space<semaphore_mem>>)
        %dma_wait3A = arith.constant 0 : i32
        %dma_wait3A_240 = tpu.memref_slice %arg10[%add3A_123, %dma_wait3A] : memref<5120x128xf32, #tpu.memory_space<vmem_shared>> -> memref<32x128xf32, #tpu.memory_space<vmem_shared>>
        %dma_wait3A_241 = arith.constant 0 : i32
        %dma_wait3A_242 = tpu.memref_slice %arg10[%add3A_123, %dma_wait3A_241] : memref<5120x128xf32, #tpu.memory_space<vmem_shared>> -> memref<32x128xf32, #tpu.memory_space<vmem_shared>>
        tpu.wait_dma2 semaphore(%run_scoped3A : memref<!tpu.dma_semaphore, #tpu.memory_space<semaphore_mem>>) src(%arg8 : memref<32x128xf32, #tpu.memory_space<vmem>>) dst(%dma_wait3A_242 : memref<32x128xf32, #tpu.memory_space<vmem_shared>>)
        tpu.yield
      }) : () -> ()
    } else {
    }
    %not3A_132 = arith.constant true
    %not3A_133 = arith.xori %le3A_128, %not3A_132 : i1
    %add3A_134 = arith.addi %mul3A_0, %add3A_123 : i32
    %lt3A_135 = arith.constant 10000 : i32
    %lt3A_136 = arith.cmpi slt, %add3A_134, %lt3A_135 : i32
    %and3A_137 = arith.andi %not3A_133, %lt3A_136 : i1
    %convert_element_type3A_138 = arith.extui %and3A_137 : i1 to i32
    %cond3A_139 = arith.constant 0 : i32
    %cond3A_140 = arith.cmpi ne, %convert_element_type3A_138, %cond3A_139 : i32
    scf.if %cond3A_140 {
      %add3A_236 = arith.addi %mul3A_0, %add3A_123 : i32
      "tpu.region"() ({
        %run_scoped3A = tpu.sem_alloc : memref<!tpu.dma_semaphore, #tpu.memory_space<semaphore_mem>>
        %dma_start3A = arith.constant 0 : i32
        %dma_start3A_237 = arith.constant 0 : i32
        %dma_start3A_238 = tpu.memref_slice %arg8[%dma_start3A, %dma_start3A_237] : memref<32x128xf32, #tpu.memory_space<vmem>> -> memref<16x128xf32, #tpu.memory_space<vmem>>
        %dma_start3A_239 = arith.constant 0 : i32
        %dma_start3A_240 = tpu.memref_slice %arg2[%add3A_236, %dma_start3A_239] : memref<10000x128xf32, #tpu.memory_space<hbm>> -> memref<16x128xf32, #tpu.memory_space<hbm>>
        %dma_start3A_241 = arith.constant 0 : i32
        %dma_start3A_242 = arith.constant 0 : i32
        %dma_start3A_243 = tpu.memref_slice %arg8[%dma_start3A_241, %dma_start3A_242] : memref<32x128xf32, #tpu.memory_space<vmem>> -> memref<16x128xf32, #tpu.memory_space<vmem>>
        %dma_start3A_244 = arith.constant 0 : i32
        %dma_start3A_245 = tpu.memref_slice %arg2[%add3A_236, %dma_start3A_244] : memref<10000x128xf32, #tpu.memory_space<hbm>> -> memref<16x128xf32, #tpu.memory_space<hbm>>
        tpu.enqueue_dma source(%dma_start3A_245 : memref<16x128xf32, #tpu.memory_space<hbm>>) target(%dma_start3A_243 : memref<16x128xf32, #tpu.memory_space<vmem>>) target_semaphore(%run_scoped3A : memref<!tpu.dma_semaphore, #tpu.memory_space<semaphore_mem>>)
        %dma_wait3A = arith.constant 0 : i32
        %dma_wait3A_246 = arith.constant 0 : i32
        %dma_wait3A_247 = tpu.memref_slice %arg8[%dma_wait3A, %dma_wait3A_246] : memref<32x128xf32, #tpu.memory_space<vmem>> -> memref<16x128xf32, #tpu.memory_space<vmem>>
        %dma_wait3A_248 = arith.constant 0 : i32
        %dma_wait3A_249 = tpu.memref_slice %arg2[%add3A_236, %dma_wait3A_248] : memref<10000x128xf32, #tpu.memory_space<hbm>> -> memref<16x128xf32, #tpu.memory_space<hbm>>
        %dma_wait3A_250 = arith.constant 0 : i32
        %dma_wait3A_251 = arith.constant 0 : i32
        %dma_wait3A_252 = tpu.memref_slice %arg8[%dma_wait3A_250, %dma_wait3A_251] : memref<32x128xf32, #tpu.memory_space<vmem>> -> memref<16x128xf32, #tpu.memory_space<vmem>>
        %dma_wait3A_253 = arith.constant 0 : i32
        %dma_wait3A_254 = tpu.memref_slice %arg2[%add3A_236, %dma_wait3A_253] : memref<10000x128xf32, #tpu.memory_space<hbm>> -> memref<16x128xf32, #tpu.memory_space<hbm>>
        tpu.wait_dma2 semaphore(%run_scoped3A : memref<!tpu.dma_semaphore, #tpu.memory_space<semaphore_mem>>) src(%dma_wait3A_254 : memref<16x128xf32, #tpu.memory_space<hbm>>) dst(%dma_wait3A_252 : memref<16x128xf32, #tpu.memory_space<vmem>>)
        tpu.yield
      }) : () -> ()
      "tpu.region"() ({
        %run_scoped3A = tpu.sem_alloc : memref<!tpu.dma_semaphore, #tpu.memory_space<semaphore_mem>>
        %dma_start3A = arith.constant 0 : i32
        %dma_start3A_237 = arith.constant 0 : i32
        %dma_start3A_238 = tpu.memref_slice %arg8[%dma_start3A, %dma_start3A_237] : memref<32x128xf32, #tpu.memory_space<vmem>> -> memref<16x128xf32, #tpu.memory_space<vmem>>
        %dma_start3A_239 = arith.constant 0 : i32
        %dma_start3A_240 = tpu.memref_slice %arg10[%add3A_123, %dma_start3A_239] : memref<5120x128xf32, #tpu.memory_space<vmem_shared>> -> memref<16x128xf32, #tpu.memory_space<vmem_shared>>
        %dma_start3A_241 = arith.constant 0 : i32
        %dma_start3A_242 = tpu.memref_slice %arg10[%add3A_123, %dma_start3A_241] : memref<5120x128xf32, #tpu.memory_space<vmem_shared>> -> memref<16x128xf32, #tpu.memory_space<vmem_shared>>
        %dma_start3A_243 = arith.constant 0 : i32
        %dma_start3A_244 = arith.constant 0 : i32
        %dma_start3A_245 = tpu.memref_slice %arg8[%dma_start3A_243, %dma_start3A_244] : memref<32x128xf32, #tpu.memory_space<vmem>> -> memref<16x128xf32, #tpu.memory_space<vmem>>
        tpu.enqueue_dma source(%dma_start3A_245 : memref<16x128xf32, #tpu.memory_space<vmem>>) target(%dma_start3A_242 : memref<16x128xf32, #tpu.memory_space<vmem_shared>>) target_semaphore(%run_scoped3A : memref<!tpu.dma_semaphore, #tpu.memory_space<semaphore_mem>>)
        %dma_wait3A = arith.constant 0 : i32
        %dma_wait3A_246 = arith.constant 0 : i32
        %dma_wait3A_247 = tpu.memref_slice %arg8[%dma_wait3A, %dma_wait3A_246] : memref<32x128xf32, #tpu.memory_space<vmem>> -> memref<16x128xf32, #tpu.memory_space<vmem>>
        %dma_wait3A_248 = arith.constant 0 : i32
        %dma_wait3A_249 = tpu.memref_slice %arg10[%add3A_123, %dma_wait3A_248] : memref<5120x128xf32, #tpu.memory_space<vmem_shared>> -> memref<16x128xf32, #tpu.memory_space<vmem_shared>>
        %dma_wait3A_250 = arith.constant 0 : i32
        %dma_wait3A_251 = tpu.memref_slice %arg10[%add3A_123, %dma_wait3A_250] : memref<5120x128xf32, #tpu.memory_space<vmem_shared>> -> memref<16x128xf32, #tpu.memory_space<vmem_shared>>
        %dma_wait3A_252 = arith.constant 0 : i32
        %dma_wait3A_253 = arith.constant 0 : i32
        %dma_wait3A_254 = tpu.memref_slice %arg8[%dma_wait3A_252, %dma_wait3A_253] : memref<32x128xf32, #tpu.memory_space<vmem>> -> memref<16x128xf32, #tpu.memory_space<vmem>>
        tpu.wait_dma2 semaphore(%run_scoped3A : memref<!tpu.dma_semaphore, #tpu.memory_space<semaphore_mem>>) src(%dma_wait3A_254 : memref<16x128xf32, #tpu.memory_space<vmem>>) dst(%dma_wait3A_251 : memref<16x128xf32, #tpu.memory_space<vmem_shared>>)
        tpu.yield
      }) : () -> ()
    } else {
    }
    %mul3A_141 = arith.constant 320 : i32
    %mul3A_142 = arith.muli %arg1, %mul3A_141 : i32
    %add3A_143 = arith.constant 224 : i32
    %add3A_144 = arith.addi %mul3A_142, %add3A_143 : i32
    %add3A_145 = arith.addi %mul3A_0, %add3A_144 : i32
    %add3A_146 = arith.constant 32 : i32
    %add3A_147 = arith.addi %add3A_145, %add3A_146 : i32
    %le3A_148 = arith.constant 10000 : i32
    %le3A_149 = arith.cmpi sle, %add3A_147, %le3A_148 : i32
    %convert_element_type3A_150 = arith.extui %le3A_149 : i1 to i32
    %cond3A_151 = arith.constant 0 : i32
    %cond3A_152 = arith.cmpi ne, %convert_element_type3A_150, %cond3A_151 : i32
    scf.if %cond3A_152 {
      %add3A_236 = arith.addi %mul3A_0, %add3A_144 : i32
      "tpu.region"() ({
        %run_scoped3A = tpu.sem_alloc : memref<!tpu.dma_semaphore, #tpu.memory_space<semaphore_mem>>
        %dma_start3A = arith.constant 0 : i32
        %dma_start3A_237 = tpu.memref_slice %arg2[%add3A_236, %dma_start3A] : memref<10000x128xf32, #tpu.memory_space<hbm>> -> memref<32x128xf32, #tpu.memory_space<hbm>>
        %dma_start3A_238 = arith.constant 0 : i32
        %dma_start3A_239 = tpu.memref_slice %arg2[%add3A_236, %dma_start3A_238] : memref<10000x128xf32, #tpu.memory_space<hbm>> -> memref<32x128xf32, #tpu.memory_space<hbm>>
        tpu.enqueue_dma source(%dma_start3A_239 : memref<32x128xf32, #tpu.memory_space<hbm>>) target(%arg8 : memref<32x128xf32, #tpu.memory_space<vmem>>) target_semaphore(%run_scoped3A : memref<!tpu.dma_semaphore, #tpu.memory_space<semaphore_mem>>)
        %dma_wait3A = arith.constant 0 : i32
        %dma_wait3A_240 = tpu.memref_slice %arg2[%add3A_236, %dma_wait3A] : memref<10000x128xf32, #tpu.memory_space<hbm>> -> memref<32x128xf32, #tpu.memory_space<hbm>>
        %dma_wait3A_241 = arith.constant 0 : i32
        %dma_wait3A_242 = tpu.memref_slice %arg2[%add3A_236, %dma_wait3A_241] : memref<10000x128xf32, #tpu.memory_space<hbm>> -> memref<32x128xf32, #tpu.memory_space<hbm>>
        tpu.wait_dma2 semaphore(%run_scoped3A : memref<!tpu.dma_semaphore, #tpu.memory_space<semaphore_mem>>) src(%dma_wait3A_242 : memref<32x128xf32, #tpu.memory_space<hbm>>) dst(%arg8 : memref<32x128xf32, #tpu.memory_space<vmem>>)
        tpu.yield
      }) : () -> ()
      "tpu.region"() ({
        %run_scoped3A = tpu.sem_alloc : memref<!tpu.dma_semaphore, #tpu.memory_space<semaphore_mem>>
        %dma_start3A = arith.constant 0 : i32
        %dma_start3A_237 = tpu.memref_slice %arg10[%add3A_144, %dma_start3A] : memref<5120x128xf32, #tpu.memory_space<vmem_shared>> -> memref<32x128xf32, #tpu.memory_space<vmem_shared>>
        %dma_start3A_238 = arith.constant 0 : i32
        %dma_start3A_239 = tpu.memref_slice %arg10[%add3A_144, %dma_start3A_238] : memref<5120x128xf32, #tpu.memory_space<vmem_shared>> -> memref<32x128xf32, #tpu.memory_space<vmem_shared>>
        tpu.enqueue_dma source(%arg8 : memref<32x128xf32, #tpu.memory_space<vmem>>) target(%dma_start3A_239 : memref<32x128xf32, #tpu.memory_space<vmem_shared>>) target_semaphore(%run_scoped3A : memref<!tpu.dma_semaphore, #tpu.memory_space<semaphore_mem>>)
        %dma_wait3A = arith.constant 0 : i32
        %dma_wait3A_240 = tpu.memref_slice %arg10[%add3A_144, %dma_wait3A] : memref<5120x128xf32, #tpu.memory_space<vmem_shared>> -> memref<32x128xf32, #tpu.memory_space<vmem_shared>>
        %dma_wait3A_241 = arith.constant 0 : i32
        %dma_wait3A_242 = tpu.memref_slice %arg10[%add3A_144, %dma_wait3A_241] : memref<5120x128xf32, #tpu.memory_space<vmem_shared>> -> memref<32x128xf32, #tpu.memory_space<vmem_shared>>
        tpu.wait_dma2 semaphore(%run_scoped3A : memref<!tpu.dma_semaphore, #tpu.memory_space<semaphore_mem>>) src(%arg8 : memref<32x128xf32, #tpu.memory_space<vmem>>) dst(%dma_wait3A_242 : memref<32x128xf32, #tpu.memory_space<vmem_shared>>)
        tpu.yield
      }) : () -> ()
    } else {
    }
    %not3A_153 = arith.constant true
    %not3A_154 = arith.xori %le3A_149, %not3A_153 : i1
    %add3A_155 = arith.addi %mul3A_0, %add3A_144 : i32
    %lt3A_156 = arith.constant 10000 : i32
    %lt3A_157 = arith.cmpi slt, %add3A_155, %lt3A_156 : i32
    %and3A_158 = arith.andi %not3A_154, %lt3A_157 : i1
    %convert_element_type3A_159 = arith.extui %and3A_158 : i1 to i32
    %cond3A_160 = arith.constant 0 : i32
    %cond3A_161 = arith.cmpi ne, %convert_element_type3A_159, %cond3A_160 : i32
    scf.if %cond3A_161 {
      %add3A_236 = arith.addi %mul3A_0, %add3A_144 : i32
      "tpu.region"() ({
        %run_scoped3A = tpu.sem_alloc : memref<!tpu.dma_semaphore, #tpu.memory_space<semaphore_mem>>
        %dma_start3A = arith.constant 0 : i32
        %dma_start3A_237 = arith.constant 0 : i32
        %dma_start3A_238 = tpu.memref_slice %arg8[%dma_start3A, %dma_start3A_237] : memref<32x128xf32, #tpu.memory_space<vmem>> -> memref<16x128xf32, #tpu.memory_space<vmem>>
        %dma_start3A_239 = arith.constant 0 : i32
        %dma_start3A_240 = tpu.memref_slice %arg2[%add3A_236, %dma_start3A_239] : memref<10000x128xf32, #tpu.memory_space<hbm>> -> memref<16x128xf32, #tpu.memory_space<hbm>>
        %dma_start3A_241 = arith.constant 0 : i32
        %dma_start3A_242 = arith.constant 0 : i32
        %dma_start3A_243 = tpu.memref_slice %arg8[%dma_start3A_241, %dma_start3A_242] : memref<32x128xf32, #tpu.memory_space<vmem>> -> memref<16x128xf32, #tpu.memory_space<vmem>>
        %dma_start3A_244 = arith.constant 0 : i32
        %dma_start3A_245 = tpu.memref_slice %arg2[%add3A_236, %dma_start3A_244] : memref<10000x128xf32, #tpu.memory_space<hbm>> -> memref<16x128xf32, #tpu.memory_space<hbm>>
        tpu.enqueue_dma source(%dma_start3A_245 : memref<16x128xf32, #tpu.memory_space<hbm>>) target(%dma_start3A_243 : memref<16x128xf32, #tpu.memory_space<vmem>>) target_semaphore(%run_scoped3A : memref<!tpu.dma_semaphore, #tpu.memory_space<semaphore_mem>>)
        %dma_wait3A = arith.constant 0 : i32
        %dma_wait3A_246 = arith.constant 0 : i32
        %dma_wait3A_247 = tpu.memref_slice %arg8[%dma_wait3A, %dma_wait3A_246] : memref<32x128xf32, #tpu.memory_space<vmem>> -> memref<16x128xf32, #tpu.memory_space<vmem>>
        %dma_wait3A_248 = arith.constant 0 : i32
        %dma_wait3A_249 = tpu.memref_slice %arg2[%add3A_236, %dma_wait3A_248] : memref<10000x128xf32, #tpu.memory_space<hbm>> -> memref<16x128xf32, #tpu.memory_space<hbm>>
        %dma_wait3A_250 = arith.constant 0 : i32
        %dma_wait3A_251 = arith.constant 0 : i32
        %dma_wait3A_252 = tpu.memref_slice %arg8[%dma_wait3A_250, %dma_wait3A_251] : memref<32x128xf32, #tpu.memory_space<vmem>> -> memref<16x128xf32, #tpu.memory_space<vmem>>
        %dma_wait3A_253 = arith.constant 0 : i32
        %dma_wait3A_254 = tpu.memref_slice %arg2[%add3A_236, %dma_wait3A_253] : memref<10000x128xf32, #tpu.memory_space<hbm>> -> memref<16x128xf32, #tpu.memory_space<hbm>>
        tpu.wait_dma2 semaphore(%run_scoped3A : memref<!tpu.dma_semaphore, #tpu.memory_space<semaphore_mem>>) src(%dma_wait3A_254 : memref<16x128xf32, #tpu.memory_space<hbm>>) dst(%dma_wait3A_252 : memref<16x128xf32, #tpu.memory_space<vmem>>)
        tpu.yield
      }) : () -> ()
      "tpu.region"() ({
        %run_scoped3A = tpu.sem_alloc : memref<!tpu.dma_semaphore, #tpu.memory_space<semaphore_mem>>
        %dma_start3A = arith.constant 0 : i32
        %dma_start3A_237 = arith.constant 0 : i32
        %dma_start3A_238 = tpu.memref_slice %arg8[%dma_start3A, %dma_start3A_237] : memref<32x128xf32, #tpu.memory_space<vmem>> -> memref<16x128xf32, #tpu.memory_space<vmem>>
        %dma_start3A_239 = arith.constant 0 : i32
        %dma_start3A_240 = tpu.memref_slice %arg10[%add3A_144, %dma_start3A_239] : memref<5120x128xf32, #tpu.memory_space<vmem_shared>> -> memref<16x128xf32, #tpu.memory_space<vmem_shared>>
        %dma_start3A_241 = arith.constant 0 : i32
        %dma_start3A_242 = tpu.memref_slice %arg10[%add3A_144, %dma_start3A_241] : memref<5120x128xf32, #tpu.memory_space<vmem_shared>> -> memref<16x128xf32, #tpu.memory_space<vmem_shared>>
        %dma_start3A_243 = arith.constant 0 : i32
        %dma_start3A_244 = arith.constant 0 : i32
        %dma_start3A_245 = tpu.memref_slice %arg8[%dma_start3A_243, %dma_start3A_244] : memref<32x128xf32, #tpu.memory_space<vmem>> -> memref<16x128xf32, #tpu.memory_space<vmem>>
        tpu.enqueue_dma source(%dma_start3A_245 : memref<16x128xf32, #tpu.memory_space<vmem>>) target(%dma_start3A_242 : memref<16x128xf32, #tpu.memory_space<vmem_shared>>) target_semaphore(%run_scoped3A : memref<!tpu.dma_semaphore, #tpu.memory_space<semaphore_mem>>)
        %dma_wait3A = arith.constant 0 : i32
        %dma_wait3A_246 = arith.constant 0 : i32
        %dma_wait3A_247 = tpu.memref_slice %arg8[%dma_wait3A, %dma_wait3A_246] : memref<32x128xf32, #tpu.memory_space<vmem>> -> memref<16x128xf32, #tpu.memory_space<vmem>>
        %dma_wait3A_248 = arith.constant 0 : i32
        %dma_wait3A_249 = tpu.memref_slice %arg10[%add3A_144, %dma_wait3A_248] : memref<5120x128xf32, #tpu.memory_space<vmem_shared>> -> memref<16x128xf32, #tpu.memory_space<vmem_shared>>
        %dma_wait3A_250 = arith.constant 0 : i32
        %dma_wait3A_251 = tpu.memref_slice %arg10[%add3A_144, %dma_wait3A_250] : memref<5120x128xf32, #tpu.memory_space<vmem_shared>> -> memref<16x128xf32, #tpu.memory_space<vmem_shared>>
        %dma_wait3A_252 = arith.constant 0 : i32
        %dma_wait3A_253 = arith.constant 0 : i32
        %dma_wait3A_254 = tpu.memref_slice %arg8[%dma_wait3A_252, %dma_wait3A_253] : memref<32x128xf32, #tpu.memory_space<vmem>> -> memref<16x128xf32, #tpu.memory_space<vmem>>
        tpu.wait_dma2 semaphore(%run_scoped3A : memref<!tpu.dma_semaphore, #tpu.memory_space<semaphore_mem>>) src(%dma_wait3A_254 : memref<16x128xf32, #tpu.memory_space<vmem>>) dst(%dma_wait3A_251 : memref<16x128xf32, #tpu.memory_space<vmem_shared>>)
        tpu.yield
      }) : () -> ()
    } else {
    }
    %mul3A_162 = arith.constant 320 : i32
    %mul3A_163 = arith.muli %arg1, %mul3A_162 : i32
    %add3A_164 = arith.constant 256 : i32
    %add3A_165 = arith.addi %mul3A_163, %add3A_164 : i32
    %add3A_166 = arith.addi %mul3A_0, %add3A_165 : i32
    %add3A_167 = arith.constant 32 : i32
    %add3A_168 = arith.addi %add3A_166, %add3A_167 : i32
    %le3A_169 = arith.constant 10000 : i32
    %le3A_170 = arith.cmpi sle, %add3A_168, %le3A_169 : i32
    %convert_element_type3A_171 = arith.extui %le3A_170 : i1 to i32
    %cond3A_172 = arith.constant 0 : i32
    %cond3A_173 = arith.cmpi ne, %convert_element_type3A_171, %cond3A_172 : i32
    scf.if %cond3A_173 {
      %add3A_236 = arith.addi %mul3A_0, %add3A_165 : i32
      "tpu.region"() ({
        %run_scoped3A = tpu.sem_alloc : memref<!tpu.dma_semaphore, #tpu.memory_space<semaphore_mem>>
        %dma_start3A = arith.constant 0 : i32
        %dma_start3A_237 = tpu.memref_slice %arg2[%add3A_236, %dma_start3A] : memref<10000x128xf32, #tpu.memory_space<hbm>> -> memref<32x128xf32, #tpu.memory_space<hbm>>
        %dma_start3A_238 = arith.constant 0 : i32
        %dma_start3A_239 = tpu.memref_slice %arg2[%add3A_236, %dma_start3A_238] : memref<10000x128xf32, #tpu.memory_space<hbm>> -> memref<32x128xf32, #tpu.memory_space<hbm>>
        tpu.enqueue_dma source(%dma_start3A_239 : memref<32x128xf32, #tpu.memory_space<hbm>>) target(%arg8 : memref<32x128xf32, #tpu.memory_space<vmem>>) target_semaphore(%run_scoped3A : memref<!tpu.dma_semaphore, #tpu.memory_space<semaphore_mem>>)
        %dma_wait3A = arith.constant 0 : i32
        %dma_wait3A_240 = tpu.memref_slice %arg2[%add3A_236, %dma_wait3A] : memref<10000x128xf32, #tpu.memory_space<hbm>> -> memref<32x128xf32, #tpu.memory_space<hbm>>
        %dma_wait3A_241 = arith.constant 0 : i32
        %dma_wait3A_242 = tpu.memref_slice %arg2[%add3A_236, %dma_wait3A_241] : memref<10000x128xf32, #tpu.memory_space<hbm>> -> memref<32x128xf32, #tpu.memory_space<hbm>>
        tpu.wait_dma2 semaphore(%run_scoped3A : memref<!tpu.dma_semaphore, #tpu.memory_space<semaphore_mem>>) src(%dma_wait3A_242 : memref<32x128xf32, #tpu.memory_space<hbm>>) dst(%arg8 : memref<32x128xf32, #tpu.memory_space<vmem>>)
        tpu.yield
      }) : () -> ()
      "tpu.region"() ({
        %run_scoped3A = tpu.sem_alloc : memref<!tpu.dma_semaphore, #tpu.memory_space<semaphore_mem>>
        %dma_start3A = arith.constant 0 : i32
        %dma_start3A_237 = tpu.memref_slice %arg10[%add3A_165, %dma_start3A] : memref<5120x128xf32, #tpu.memory_space<vmem_shared>> -> memref<32x128xf32, #tpu.memory_space<vmem_shared>>
        %dma_start3A_238 = arith.constant 0 : i32
        %dma_start3A_239 = tpu.memref_slice %arg10[%add3A_165, %dma_start3A_238] : memref<5120x128xf32, #tpu.memory_space<vmem_shared>> -> memref<32x128xf32, #tpu.memory_space<vmem_shared>>
        tpu.enqueue_dma source(%arg8 : memref<32x128xf32, #tpu.memory_space<vmem>>) target(%dma_start3A_239 : memref<32x128xf32, #tpu.memory_space<vmem_shared>>) target_semaphore(%run_scoped3A : memref<!tpu.dma_semaphore, #tpu.memory_space<semaphore_mem>>)
        %dma_wait3A = arith.constant 0 : i32
        %dma_wait3A_240 = tpu.memref_slice %arg10[%add3A_165, %dma_wait3A] : memref<5120x128xf32, #tpu.memory_space<vmem_shared>> -> memref<32x128xf32, #tpu.memory_space<vmem_shared>>
        %dma_wait3A_241 = arith.constant 0 : i32
        %dma_wait3A_242 = tpu.memref_slice %arg10[%add3A_165, %dma_wait3A_241] : memref<5120x128xf32, #tpu.memory_space<vmem_shared>> -> memref<32x128xf32, #tpu.memory_space<vmem_shared>>
        tpu.wait_dma2 semaphore(%run_scoped3A : memref<!tpu.dma_semaphore, #tpu.memory_space<semaphore_mem>>) src(%arg8 : memref<32x128xf32, #tpu.memory_space<vmem>>) dst(%dma_wait3A_242 : memref<32x128xf32, #tpu.memory_space<vmem_shared>>)
        tpu.yield
      }) : () -> ()
    } else {
    }
    %not3A_174 = arith.constant true
    %not3A_175 = arith.xori %le3A_170, %not3A_174 : i1
    %add3A_176 = arith.addi %mul3A_0, %add3A_165 : i32
    %lt3A_177 = arith.constant 10000 : i32
    %lt3A_178 = arith.cmpi slt, %add3A_176, %lt3A_177 : i32
    %and3A_179 = arith.andi %not3A_175, %lt3A_178 : i1
    %convert_element_type3A_180 = arith.extui %and3A_179 : i1 to i32
    %cond3A_181 = arith.constant 0 : i32
    %cond3A_182 = arith.cmpi ne, %convert_element_type3A_180, %cond3A_181 : i32
    scf.if %cond3A_182 {
      %add3A_236 = arith.addi %mul3A_0, %add3A_165 : i32
      "tpu.region"() ({
        %run_scoped3A = tpu.sem_alloc : memref<!tpu.dma_semaphore, #tpu.memory_space<semaphore_mem>>
        %dma_start3A = arith.constant 0 : i32
        %dma_start3A_237 = arith.constant 0 : i32
        %dma_start3A_238 = tpu.memref_slice %arg8[%dma_start3A, %dma_start3A_237] : memref<32x128xf32, #tpu.memory_space<vmem>> -> memref<16x128xf32, #tpu.memory_space<vmem>>
        %dma_start3A_239 = arith.constant 0 : i32
        %dma_start3A_240 = tpu.memref_slice %arg2[%add3A_236, %dma_start3A_239] : memref<10000x128xf32, #tpu.memory_space<hbm>> -> memref<16x128xf32, #tpu.memory_space<hbm>>
        %dma_start3A_241 = arith.constant 0 : i32
        %dma_start3A_242 = arith.constant 0 : i32
        %dma_start3A_243 = tpu.memref_slice %arg8[%dma_start3A_241, %dma_start3A_242] : memref<32x128xf32, #tpu.memory_space<vmem>> -> memref<16x128xf32, #tpu.memory_space<vmem>>
        %dma_start3A_244 = arith.constant 0 : i32
        %dma_start3A_245 = tpu.memref_slice %arg2[%add3A_236, %dma_start3A_244] : memref<10000x128xf32, #tpu.memory_space<hbm>> -> memref<16x128xf32, #tpu.memory_space<hbm>>
        tpu.enqueue_dma source(%dma_start3A_245 : memref<16x128xf32, #tpu.memory_space<hbm>>) target(%dma_start3A_243 : memref<16x128xf32, #tpu.memory_space<vmem>>) target_semaphore(%run_scoped3A : memref<!tpu.dma_semaphore, #tpu.memory_space<semaphore_mem>>)
        %dma_wait3A = arith.constant 0 : i32
        %dma_wait3A_246 = arith.constant 0 : i32
        %dma_wait3A_247 = tpu.memref_slice %arg8[%dma_wait3A, %dma_wait3A_246] : memref<32x128xf32, #tpu.memory_space<vmem>> -> memref<16x128xf32, #tpu.memory_space<vmem>>
        %dma_wait3A_248 = arith.constant 0 : i32
        %dma_wait3A_249 = tpu.memref_slice %arg2[%add3A_236, %dma_wait3A_248] : memref<10000x128xf32, #tpu.memory_space<hbm>> -> memref<16x128xf32, #tpu.memory_space<hbm>>
        %dma_wait3A_250 = arith.constant 0 : i32
        %dma_wait3A_251 = arith.constant 0 : i32
        %dma_wait3A_252 = tpu.memref_slice %arg8[%dma_wait3A_250, %dma_wait3A_251] : memref<32x128xf32, #tpu.memory_space<vmem>> -> memref<16x128xf32, #tpu.memory_space<vmem>>
        %dma_wait3A_253 = arith.constant 0 : i32
        %dma_wait3A_254 = tpu.memref_slice %arg2[%add3A_236, %dma_wait3A_253] : memref<10000x128xf32, #tpu.memory_space<hbm>> -> memref<16x128xf32, #tpu.memory_space<hbm>>
        tpu.wait_dma2 semaphore(%run_scoped3A : memref<!tpu.dma_semaphore, #tpu.memory_space<semaphore_mem>>) src(%dma_wait3A_254 : memref<16x128xf32, #tpu.memory_space<hbm>>) dst(%dma_wait3A_252 : memref<16x128xf32, #tpu.memory_space<vmem>>)
        tpu.yield
      }) : () -> ()
      "tpu.region"() ({
        %run_scoped3A = tpu.sem_alloc : memref<!tpu.dma_semaphore, #tpu.memory_space<semaphore_mem>>
        %dma_start3A = arith.constant 0 : i32
        %dma_start3A_237 = arith.constant 0 : i32
        %dma_start3A_238 = tpu.memref_slice %arg8[%dma_start3A, %dma_start3A_237] : memref<32x128xf32, #tpu.memory_space<vmem>> -> memref<16x128xf32, #tpu.memory_space<vmem>>
        %dma_start3A_239 = arith.constant 0 : i32
        %dma_start3A_240 = tpu.memref_slice %arg10[%add3A_165, %dma_start3A_239] : memref<5120x128xf32, #tpu.memory_space<vmem_shared>> -> memref<16x128xf32, #tpu.memory_space<vmem_shared>>
        %dma_start3A_241 = arith.constant 0 : i32
        %dma_start3A_242 = tpu.memref_slice %arg10[%add3A_165, %dma_start3A_241] : memref<5120x128xf32, #tpu.memory_space<vmem_shared>> -> memref<16x128xf32, #tpu.memory_space<vmem_shared>>
        %dma_start3A_243 = arith.constant 0 : i32
        %dma_start3A_244 = arith.constant 0 : i32
        %dma_start3A_245 = tpu.memref_slice %arg8[%dma_start3A_243, %dma_start3A_244] : memref<32x128xf32, #tpu.memory_space<vmem>> -> memref<16x128xf32, #tpu.memory_space<vmem>>
        tpu.enqueue_dma source(%dma_start3A_245 : memref<16x128xf32, #tpu.memory_space<vmem>>) target(%dma_start3A_242 : memref<16x128xf32, #tpu.memory_space<vmem_shared>>) target_semaphore(%run_scoped3A : memref<!tpu.dma_semaphore, #tpu.memory_space<semaphore_mem>>)
        %dma_wait3A = arith.constant 0 : i32
        %dma_wait3A_246 = arith.constant 0 : i32
        %dma_wait3A_247 = tpu.memref_slice %arg8[%dma_wait3A, %dma_wait3A_246] : memref<32x128xf32, #tpu.memory_space<vmem>> -> memref<16x128xf32, #tpu.memory_space<vmem>>
        %dma_wait3A_248 = arith.constant 0 : i32
        %dma_wait3A_249 = tpu.memref_slice %arg10[%add3A_165, %dma_wait3A_248] : memref<5120x128xf32, #tpu.memory_space<vmem_shared>> -> memref<16x128xf32, #tpu.memory_space<vmem_shared>>
        %dma_wait3A_250 = arith.constant 0 : i32
        %dma_wait3A_251 = tpu.memref_slice %arg10[%add3A_165, %dma_wait3A_250] : memref<5120x128xf32, #tpu.memory_space<vmem_shared>> -> memref<16x128xf32, #tpu.memory_space<vmem_shared>>
        %dma_wait3A_252 = arith.constant 0 : i32
        %dma_wait3A_253 = arith.constant 0 : i32
        %dma_wait3A_254 = tpu.memref_slice %arg8[%dma_wait3A_252, %dma_wait3A_253] : memref<32x128xf32, #tpu.memory_space<vmem>> -> memref<16x128xf32, #tpu.memory_space<vmem>>
        tpu.wait_dma2 semaphore(%run_scoped3A : memref<!tpu.dma_semaphore, #tpu.memory_space<semaphore_mem>>) src(%dma_wait3A_254 : memref<16x128xf32, #tpu.memory_space<vmem>>) dst(%dma_wait3A_251 : memref<16x128xf32, #tpu.memory_space<vmem_shared>>)
        tpu.yield
      }) : () -> ()
    } else {
    }
    %mul3A_183 = arith.constant 320 : i32
    %mul3A_184 = arith.muli %arg1, %mul3A_183 : i32
    %add3A_185 = arith.constant 288 : i32
    %add3A_186 = arith.addi %mul3A_184, %add3A_185 : i32
    %add3A_187 = arith.addi %mul3A_0, %add3A_186 : i32
    %add3A_188 = arith.constant 32 : i32
    %add3A_189 = arith.addi %add3A_187, %add3A_188 : i32
    %le3A_190 = arith.constant 10000 : i32
    %le3A_191 = arith.cmpi sle, %add3A_189, %le3A_190 : i32
    %convert_element_type3A_192 = arith.extui %le3A_191 : i1 to i32
    %cond3A_193 = arith.constant 0 : i32
    %cond3A_194 = arith.cmpi ne, %convert_element_type3A_192, %cond3A_193 : i32
    scf.if %cond3A_194 {
      %add3A_236 = arith.addi %mul3A_0, %add3A_186 : i32
      "tpu.region"() ({
        %run_scoped3A = tpu.sem_alloc : memref<!tpu.dma_semaphore, #tpu.memory_space<semaphore_mem>>
        %dma_start3A = arith.constant 0 : i32
        %dma_start3A_237 = tpu.memref_slice %arg2[%add3A_236, %dma_start3A] : memref<10000x128xf32, #tpu.memory_space<hbm>> -> memref<32x128xf32, #tpu.memory_space<hbm>>
        %dma_start3A_238 = arith.constant 0 : i32
        %dma_start3A_239 = tpu.memref_slice %arg2[%add3A_236, %dma_start3A_238] : memref<10000x128xf32, #tpu.memory_space<hbm>> -> memref<32x128xf32, #tpu.memory_space<hbm>>
        tpu.enqueue_dma source(%dma_start3A_239 : memref<32x128xf32, #tpu.memory_space<hbm>>) target(%arg8 : memref<32x128xf32, #tpu.memory_space<vmem>>) target_semaphore(%run_scoped3A : memref<!tpu.dma_semaphore, #tpu.memory_space<semaphore_mem>>)
        %dma_wait3A = arith.constant 0 : i32
        %dma_wait3A_240 = tpu.memref_slice %arg2[%add3A_236, %dma_wait3A] : memref<10000x128xf32, #tpu.memory_space<hbm>> -> memref<32x128xf32, #tpu.memory_space<hbm>>
        %dma_wait3A_241 = arith.constant 0 : i32
        %dma_wait3A_242 = tpu.memref_slice %arg2[%add3A_236, %dma_wait3A_241] : memref<10000x128xf32, #tpu.memory_space<hbm>> -> memref<32x128xf32, #tpu.memory_space<hbm>>
        tpu.wait_dma2 semaphore(%run_scoped3A : memref<!tpu.dma_semaphore, #tpu.memory_space<semaphore_mem>>) src(%dma_wait3A_242 : memref<32x128xf32, #tpu.memory_space<hbm>>) dst(%arg8 : memref<32x128xf32, #tpu.memory_space<vmem>>)
        tpu.yield
      }) : () -> ()
      "tpu.region"() ({
        %run_scoped3A = tpu.sem_alloc : memref<!tpu.dma_semaphore, #tpu.memory_space<semaphore_mem>>
        %dma_start3A = arith.constant 0 : i32
        %dma_start3A_237 = tpu.memref_slice %arg10[%add3A_186, %dma_start3A] : memref<5120x128xf32, #tpu.memory_space<vmem_shared>> -> memref<32x128xf32, #tpu.memory_space<vmem_shared>>
        %dma_start3A_238 = arith.constant 0 : i32
        %dma_start3A_239 = tpu.memref_slice %arg10[%add3A_186, %dma_start3A_238] : memref<5120x128xf32, #tpu.memory_space<vmem_shared>> -> memref<32x128xf32, #tpu.memory_space<vmem_shared>>
        tpu.enqueue_dma source(%arg8 : memref<32x128xf32, #tpu.memory_space<vmem>>) target(%dma_start3A_239 : memref<32x128xf32, #tpu.memory_space<vmem_shared>>) target_semaphore(%run_scoped3A : memref<!tpu.dma_semaphore, #tpu.memory_space<semaphore_mem>>)
        %dma_wait3A = arith.constant 0 : i32
        %dma_wait3A_240 = tpu.memref_slice %arg10[%add3A_186, %dma_wait3A] : memref<5120x128xf32, #tpu.memory_space<vmem_shared>> -> memref<32x128xf32, #tpu.memory_space<vmem_shared>>
        %dma_wait3A_241 = arith.constant 0 : i32
        %dma_wait3A_242 = tpu.memref_slice %arg10[%add3A_186, %dma_wait3A_241] : memref<5120x128xf32, #tpu.memory_space<vmem_shared>> -> memref<32x128xf32, #tpu.memory_space<vmem_shared>>
        tpu.wait_dma2 semaphore(%run_scoped3A : memref<!tpu.dma_semaphore, #tpu.memory_space<semaphore_mem>>) src(%arg8 : memref<32x128xf32, #tpu.memory_space<vmem>>) dst(%dma_wait3A_242 : memref<32x128xf32, #tpu.memory_space<vmem_shared>>)
        tpu.yield
      }) : () -> ()
    } else {
    }
    %not3A_195 = arith.constant true
    %not3A_196 = arith.xori %le3A_191, %not3A_195 : i1
    %add3A_197 = arith.addi %mul3A_0, %add3A_186 : i32
    %lt3A_198 = arith.constant 10000 : i32
    %lt3A_199 = arith.cmpi slt, %add3A_197, %lt3A_198 : i32
    %and3A_200 = arith.andi %not3A_196, %lt3A_199 : i1
    %convert_element_type3A_201 = arith.extui %and3A_200 : i1 to i32
    %cond3A_202 = arith.constant 0 : i32
    %cond3A_203 = arith.cmpi ne, %convert_element_type3A_201, %cond3A_202 : i32
    scf.if %cond3A_203 {
      %add3A_236 = arith.addi %mul3A_0, %add3A_186 : i32
      "tpu.region"() ({
        %run_scoped3A = tpu.sem_alloc : memref<!tpu.dma_semaphore, #tpu.memory_space<semaphore_mem>>
        %dma_start3A = arith.constant 0 : i32
        %dma_start3A_237 = arith.constant 0 : i32
        %dma_start3A_238 = tpu.memref_slice %arg8[%dma_start3A, %dma_start3A_237] : memref<32x128xf32, #tpu.memory_space<vmem>> -> memref<16x128xf32, #tpu.memory_space<vmem>>
        %dma_start3A_239 = arith.constant 0 : i32
        %dma_start3A_240 = tpu.memref_slice %arg2[%add3A_236, %dma_start3A_239] : memref<10000x128xf32, #tpu.memory_space<hbm>> -> memref<16x128xf32, #tpu.memory_space<hbm>>
        %dma_start3A_241 = arith.constant 0 : i32
        %dma_start3A_242 = arith.constant 0 : i32
        %dma_start3A_243 = tpu.memref_slice %arg8[%dma_start3A_241, %dma_start3A_242] : memref<32x128xf32, #tpu.memory_space<vmem>> -> memref<16x128xf32, #tpu.memory_space<vmem>>
        %dma_start3A_244 = arith.constant 0 : i32
        %dma_start3A_245 = tpu.memref_slice %arg2[%add3A_236, %dma_start3A_244] : memref<10000x128xf32, #tpu.memory_space<hbm>> -> memref<16x128xf32, #tpu.memory_space<hbm>>
        tpu.enqueue_dma source(%dma_start3A_245 : memref<16x128xf32, #tpu.memory_space<hbm>>) target(%dma_start3A_243 : memref<16x128xf32, #tpu.memory_space<vmem>>) target_semaphore(%run_scoped3A : memref<!tpu.dma_semaphore, #tpu.memory_space<semaphore_mem>>)
        %dma_wait3A = arith.constant 0 : i32
        %dma_wait3A_246 = arith.constant 0 : i32
        %dma_wait3A_247 = tpu.memref_slice %arg8[%dma_wait3A, %dma_wait3A_246] : memref<32x128xf32, #tpu.memory_space<vmem>> -> memref<16x128xf32, #tpu.memory_space<vmem>>
        %dma_wait3A_248 = arith.constant 0 : i32
        %dma_wait3A_249 = tpu.memref_slice %arg2[%add3A_236, %dma_wait3A_248] : memref<10000x128xf32, #tpu.memory_space<hbm>> -> memref<16x128xf32, #tpu.memory_space<hbm>>
        %dma_wait3A_250 = arith.constant 0 : i32
        %dma_wait3A_251 = arith.constant 0 : i32
        %dma_wait3A_252 = tpu.memref_slice %arg8[%dma_wait3A_250, %dma_wait3A_251] : memref<32x128xf32, #tpu.memory_space<vmem>> -> memref<16x128xf32, #tpu.memory_space<vmem>>
        %dma_wait3A_253 = arith.constant 0 : i32
        %dma_wait3A_254 = tpu.memref_slice %arg2[%add3A_236, %dma_wait3A_253] : memref<10000x128xf32, #tpu.memory_space<hbm>> -> memref<16x128xf32, #tpu.memory_space<hbm>>
        tpu.wait_dma2 semaphore(%run_scoped3A : memref<!tpu.dma_semaphore, #tpu.memory_space<semaphore_mem>>) src(%dma_wait3A_254 : memref<16x128xf32, #tpu.memory_space<hbm>>) dst(%dma_wait3A_252 : memref<16x128xf32, #tpu.memory_space<vmem>>)
        tpu.yield
      }) : () -> ()
      "tpu.region"() ({
        %run_scoped3A = tpu.sem_alloc : memref<!tpu.dma_semaphore, #tpu.memory_space<semaphore_mem>>
        %dma_start3A = arith.constant 0 : i32
        %dma_start3A_237 = arith.constant 0 : i32
        %dma_start3A_238 = tpu.memref_slice %arg8[%dma_start3A, %dma_start3A_237] : memref<32x128xf32, #tpu.memory_space<vmem>> -> memref<16x128xf32, #tpu.memory_space<vmem>>
        %dma_start3A_239 = arith.constant 0 : i32
        %dma_start3A_240 = tpu.memref_slice %arg10[%add3A_186, %dma_start3A_239] : memref<5120x128xf32, #tpu.memory_space<vmem_shared>> -> memref<16x128xf32, #tpu.memory_space<vmem_shared>>
        %dma_start3A_241 = arith.constant 0 : i32
        %dma_start3A_242 = tpu.memref_slice %arg10[%add3A_186, %dma_start3A_241] : memref<5120x128xf32, #tpu.memory_space<vmem_shared>> -> memref<16x128xf32, #tpu.memory_space<vmem_shared>>
        %dma_start3A_243 = arith.constant 0 : i32
        %dma_start3A_244 = arith.constant 0 : i32
        %dma_start3A_245 = tpu.memref_slice %arg8[%dma_start3A_243, %dma_start3A_244] : memref<32x128xf32, #tpu.memory_space<vmem>> -> memref<16x128xf32, #tpu.memory_space<vmem>>
        tpu.enqueue_dma source(%dma_start3A_245 : memref<16x128xf32, #tpu.memory_space<vmem>>) target(%dma_start3A_242 : memref<16x128xf32, #tpu.memory_space<vmem_shared>>) target_semaphore(%run_scoped3A : memref<!tpu.dma_semaphore, #tpu.memory_space<semaphore_mem>>)
        %dma_wait3A = arith.constant 0 : i32
        %dma_wait3A_246 = arith.constant 0 : i32
        %dma_wait3A_247 = tpu.memref_slice %arg8[%dma_wait3A, %dma_wait3A_246] : memref<32x128xf32, #tpu.memory_space<vmem>> -> memref<16x128xf32, #tpu.memory_space<vmem>>
        %dma_wait3A_248 = arith.constant 0 : i32
        %dma_wait3A_249 = tpu.memref_slice %arg10[%add3A_186, %dma_wait3A_248] : memref<5120x128xf32, #tpu.memory_space<vmem_shared>> -> memref<16x128xf32, #tpu.memory_space<vmem_shared>>
        %dma_wait3A_250 = arith.constant 0 : i32
        %dma_wait3A_251 = tpu.memref_slice %arg10[%add3A_186, %dma_wait3A_250] : memref<5120x128xf32, #tpu.memory_space<vmem_shared>> -> memref<16x128xf32, #tpu.memory_space<vmem_shared>>
        %dma_wait3A_252 = arith.constant 0 : i32
        %dma_wait3A_253 = arith.constant 0 : i32
        %dma_wait3A_254 = tpu.memref_slice %arg8[%dma_wait3A_252, %dma_wait3A_253] : memref<32x128xf32, #tpu.memory_space<vmem>> -> memref<16x128xf32, #tpu.memory_space<vmem>>
        tpu.wait_dma2 semaphore(%run_scoped3A : memref<!tpu.dma_semaphore, #tpu.memory_space<semaphore_mem>>) src(%dma_wait3A_254 : memref<16x128xf32, #tpu.memory_space<vmem>>) dst(%dma_wait3A_251 : memref<16x128xf32, #tpu.memory_space<vmem_shared>>)
        tpu.yield
      }) : () -> ()
    } else {
    }
    %broadcast_in_dim3A = arith.constant 0.000000e+00 : f32
    %broadcast_in_dim3A_204 = vector.broadcast %broadcast_in_dim3A : f32 to vector<16xf32>
    %scan3A = arith.constant 0 : i32
    %scan3A_205 = arith.constant 0 : i32
    %scan3A_206 = arith.constant 32 : i32
    %scan3A_207 = arith.addi %scan3A_205, %scan3A_206 : i32
    %scan3A_208 = arith.constant 1 : i32
    scf.for %scan3A_236 = %scan3A_205 to %scan3A_207 step %scan3A_208  : i32 {
      %swap3A = arith.index_cast %scan3A_236 : i32 to index
      %swap3A_237 = arith.constant 0 : index
      %swap3A_238 = tpu.vector_load %arg8[%swap3A, %swap3A_237] {strides = array<i32>} : memref<32x128xf32, #tpu.memory_space<vmem>>, vector<1x16xf32>,
      %swap3A_239 = vector.shape_cast %swap3A_238 : vector<1x16xf32> to vector<16xf32>
      %swap3A_240 = vector.shape_cast %broadcast_in_dim3A_204 : vector<16xf32> to vector<1x16xf32>
      tpu.vector_store %arg8[%swap3A, %swap3A_237], %swap3A_240 {strides = array<i32>} : memref<32x128xf32, #tpu.memory_space<vmem>>, vector<1x16xf32>,
      %swap3A_241 = arith.index_cast %scan3A_236 : i32 to index
      %swap3A_242 = arith.constant 16 : index
      %swap3A_243 = tpu.vector_load %arg8[%swap3A_241, %swap3A_242] {strides = array<i32>} : memref<32x128xf32, #tpu.memory_space<vmem>>, vector<1x16xf32>,
      %swap3A_244 = vector.shape_cast %swap3A_243 : vector<1x16xf32> to vector<16xf32>
      %swap3A_245 = vector.shape_cast %broadcast_in_dim3A_204 : vector<16xf32> to vector<1x16xf32>
      tpu.vector_store %arg8[%swap3A_241, %swap3A_242], %swap3A_245 {strides = array<i32>} : memref<32x128xf32, #tpu.memory_space<vmem>>, vector<1x16xf32>,
      %swap3A_246 = arith.index_cast %scan3A_236 : i32 to index
      %swap3A_247 = arith.constant 32 : index
      %swap3A_248 = tpu.vector_load %arg8[%swap3A_246, %swap3A_247] {strides = array<i32>} : memref<32x128xf32, #tpu.memory_space<vmem>>, vector<1x16xf32>,
      %swap3A_249 = vector.shape_cast %swap3A_248 : vector<1x16xf32> to vector<16xf32>
      %swap3A_250 = vector.shape_cast %broadcast_in_dim3A_204 : vector<16xf32> to vector<1x16xf32>
      tpu.vector_store %arg8[%swap3A_246, %swap3A_247], %swap3A_250 {strides = array<i32>} : memref<32x128xf32, #tpu.memory_space<vmem>>, vector<1x16xf32>,
      %swap3A_251 = arith.index_cast %scan3A_236 : i32 to index
      %swap3A_252 = arith.constant 48 : index
      %swap3A_253 = tpu.vector_load %arg8[%swap3A_251, %swap3A_252] {strides = array<i32>} : memref<32x128xf32, #tpu.memory_space<vmem>>, vector<1x16xf32>,
      %swap3A_254 = vector.shape_cast %swap3A_253 : vector<1x16xf32> to vector<16xf32>
      %swap3A_255 = vector.shape_cast %broadcast_in_dim3A_204 : vector<16xf32> to vector<1x16xf32>
      tpu.vector_store %arg8[%swap3A_251, %swap3A_252], %swap3A_255 {strides = array<i32>} : memref<32x128xf32, #tpu.memory_space<vmem>>, vector<1x16xf32>,
      %swap3A_256 = arith.index_cast %scan3A_236 : i32 to index
      %swap3A_257 = arith.constant 64 : index
      %swap3A_258 = tpu.vector_load %arg8[%swap3A_256, %swap3A_257] {strides = array<i32>} : memref<32x128xf32, #tpu.memory_space<vmem>>, vector<1x16xf32>,
      %swap3A_259 = vector.shape_cast %swap3A_258 : vector<1x16xf32> to vector<16xf32>
      %swap3A_260 = vector.shape_cast %broadcast_in_dim3A_204 : vector<16xf32> to vector<1x16xf32>
      tpu.vector_store %arg8[%swap3A_256, %swap3A_257], %swap3A_260 {strides = array<i32>} : memref<32x128xf32, #tpu.memory_space<vmem>>, vector<1x16xf32>,
      %swap3A_261 = arith.index_cast %scan3A_236 : i32 to index
      %swap3A_262 = arith.constant 80 : index
      %swap3A_263 = tpu.vector_load %arg8[%swap3A_261, %swap3A_262] {strides = array<i32>} : memref<32x128xf32, #tpu.memory_space<vmem>>, vector<1x16xf32>,
      %swap3A_264 = vector.shape_cast %swap3A_263 : vector<1x16xf32> to vector<16xf32>
      %swap3A_265 = vector.shape_cast %broadcast_in_dim3A_204 : vector<16xf32> to vector<1x16xf32>
      tpu.vector_store %arg8[%swap3A_261, %swap3A_262], %swap3A_265 {strides = array<i32>} : memref<32x128xf32, #tpu.memory_space<vmem>>, vector<1x16xf32>,
      %swap3A_266 = arith.index_cast %scan3A_236 : i32 to index
      %swap3A_267 = arith.constant 96 : index
      %swap3A_268 = tpu.vector_load %arg8[%swap3A_266, %swap3A_267] {strides = array<i32>} : memref<32x128xf32, #tpu.memory_space<vmem>>, vector<1x16xf32>,
      %swap3A_269 = vector.shape_cast %swap3A_268 : vector<1x16xf32> to vector<16xf32>
      %swap3A_270 = vector.shape_cast %broadcast_in_dim3A_204 : vector<16xf32> to vector<1x16xf32>
      tpu.vector_store %arg8[%swap3A_266, %swap3A_267], %swap3A_270 {strides = array<i32>} : memref<32x128xf32, #tpu.memory_space<vmem>>, vector<1x16xf32>,
      %swap3A_271 = arith.index_cast %scan3A_236 : i32 to index
      %swap3A_272 = arith.constant 112 : index
      %swap3A_273 = tpu.vector_load %arg8[%swap3A_271, %swap3A_272] {strides = array<i32>} : memref<32x128xf32, #tpu.memory_space<vmem>>, vector<1x16xf32>,
      %swap3A_274 = vector.shape_cast %swap3A_273 : vector<1x16xf32> to vector<16xf32>
      %swap3A_275 = vector.shape_cast %broadcast_in_dim3A_204 : vector<16xf32> to vector<1x16xf32>
      tpu.vector_store %arg8[%swap3A_271, %swap3A_272], %swap3A_275 {strides = array<i32>} : memref<32x128xf32, #tpu.memory_space<vmem>>, vector<1x16xf32>,
    }
    %scan3A_209 = arith.constant 32 : i32
    %lt3A_210 = arith.constant 15 : i32
    %lt3A_211 = arith.cmpi slt, %arg1, %lt3A_210 : i32
    %convert_element_type3A_212 = arith.extui %lt3A_211 : i1 to i32
    %cond3A_213 = arith.constant 0 : i32
    %cond3A_214 = arith.cmpi ne, %convert_element_type3A_212, %cond3A_213 : i32
    scf.if %cond3A_214 {
      %mul3A_236 = arith.constant 632 : i32
      %mul3A_237 = arith.muli %arg1, %mul3A_236 : i32
      %add3A_238 = arith.constant 0 : i32
      %add3A_239 = arith.addi %mul3A_237, %add3A_238 : i32
      "tpu.region"() ({
        %run_scoped3A = tpu.sem_alloc : memref<!tpu.dma_semaphore, #tpu.memory_space<semaphore_mem>>
        %dma_start3A = arith.constant 0 : i32
        %dma_start3A_316 = tpu.memref_slice %arg11[%add3A_239, %dma_start3A] : memref<10008x128xf32, #tpu.memory_space<vmem_shared>> -> memref<32x128xf32, #tpu.memory_space<vmem_shared>>
        %dma_start3A_317 = arith.constant 0 : i32
        %dma_start3A_318 = tpu.memref_slice %arg11[%add3A_239, %dma_start3A_317] : memref<10008x128xf32, #tpu.memory_space<vmem_shared>> -> memref<32x128xf32, #tpu.memory_space<vmem_shared>>
        tpu.enqueue_dma source(%arg8 : memref<32x128xf32, #tpu.memory_space<vmem>>) target(%dma_start3A_318 : memref<32x128xf32, #tpu.memory_space<vmem_shared>>) target_semaphore(%run_scoped3A : memref<!tpu.dma_semaphore, #tpu.memory_space<semaphore_mem>>)
        %dma_wait3A = arith.constant 0 : i32
        %dma_wait3A_319 = tpu.memref_slice %arg11[%add3A_239, %dma_wait3A] : memref<10008x128xf32, #tpu.memory_space<vmem_shared>> -> memref<32x128xf32, #tpu.memory_space<vmem_shared>>
        %dma_wait3A_320 = arith.constant 0 : i32
        %dma_wait3A_321 = tpu.memref_slice %arg11[%add3A_239, %dma_wait3A_320] : memref<10008x128xf32, #tpu.memory_space<vmem_shared>> -> memref<32x128xf32, #tpu.memory_space<vmem_shared>>
        tpu.wait_dma2 semaphore(%run_scoped3A : memref<!tpu.dma_semaphore, #tpu.memory_space<semaphore_mem>>) src(%arg8 : memref<32x128xf32, #tpu.memory_space<vmem>>) dst(%dma_wait3A_321 : memref<32x128xf32, #tpu.memory_space<vmem_shared>>)
        tpu.yield
      }) : () -> ()
      %mul3A_240 = arith.constant 632 : i32
      %mul3A_241 = arith.muli %arg1, %mul3A_240 : i32
      %add3A_242 = arith.constant 32 : i32
      %add3A_243 = arith.addi %mul3A_241, %add3A_242 : i32
      "tpu.region"() ({
        %run_scoped3A = tpu.sem_alloc : memref<!tpu.dma_semaphore, #tpu.memory_space<semaphore_mem>>
        %dma_start3A = arith.constant 0 : i32
        %dma_start3A_316 = tpu.memref_slice %arg11[%add3A_243, %dma_start3A] : memref<10008x128xf32, #tpu.memory_space<vmem_shared>> -> memref<32x128xf32, #tpu.memory_space<vmem_shared>>
        %dma_start3A_317 = arith.constant 0 : i32
        %dma_start3A_318 = tpu.memref_slice %arg11[%add3A_243, %dma_start3A_317] : memref<10008x128xf32, #tpu.memory_space<vmem_shared>> -> memref<32x128xf32, #tpu.memory_space<vmem_shared>>
        tpu.enqueue_dma source(%arg8 : memref<32x128xf32, #tpu.memory_space<vmem>>) target(%dma_start3A_318 : memref<32x128xf32, #tpu.memory_space<vmem_shared>>) target_semaphore(%run_scoped3A : memref<!tpu.dma_semaphore, #tpu.memory_space<semaphore_mem>>)
        %dma_wait3A = arith.constant 0 : i32
        %dma_wait3A_319 = tpu.memref_slice %arg11[%add3A_243, %dma_wait3A] : memref<10008x128xf32, #tpu.memory_space<vmem_shared>> -> memref<32x128xf32, #tpu.memory_space<vmem_shared>>
        %dma_wait3A_320 = arith.constant 0 : i32
        %dma_wait3A_321 = tpu.memref_slice %arg11[%add3A_243, %dma_wait3A_320] : memref<10008x128xf32, #tpu.memory_space<vmem_shared>> -> memref<32x128xf32, #tpu.memory_space<vmem_shared>>
        tpu.wait_dma2 semaphore(%run_scoped3A : memref<!tpu.dma_semaphore, #tpu.memory_space<semaphore_mem>>) src(%arg8 : memref<32x128xf32, #tpu.memory_space<vmem>>) dst(%dma_wait3A_321 : memref<32x128xf32, #tpu.memory_space<vmem_shared>>)
        tpu.yield
      }) : () -> ()
      %mul3A_244 = arith.constant 632 : i32
      %mul3A_245 = arith.muli %arg1, %mul3A_244 : i32
      %add3A_246 = arith.constant 64 : i32
      %add3A_247 = arith.addi %mul3A_245, %add3A_246 : i32
      "tpu.region"() ({
        %run_scoped3A = tpu.sem_alloc : memref<!tpu.dma_semaphore, #tpu.memory_space<semaphore_mem>>
        %dma_start3A = arith.constant 0 : i32
        %dma_start3A_316 = tpu.memref_slice %arg11[%add3A_247, %dma_start3A] : memref<10008x128xf32, #tpu.memory_space<vmem_shared>> -> memref<32x128xf32, #tpu.memory_space<vmem_shared>>
        %dma_start3A_317 = arith.constant 0 : i32
        %dma_start3A_318 = tpu.memref_slice %arg11[%add3A_247, %dma_start3A_317] : memref<10008x128xf32, #tpu.memory_space<vmem_shared>> -> memref<32x128xf32, #tpu.memory_space<vmem_shared>>
        tpu.enqueue_dma source(%arg8 : memref<32x128xf32, #tpu.memory_space<vmem>>) target(%dma_start3A_318 : memref<32x128xf32, #tpu.memory_space<vmem_shared>>) target_semaphore(%run_scoped3A : memref<!tpu.dma_semaphore, #tpu.memory_space<semaphore_mem>>)
        %dma_wait3A = arith.constant 0 : i32
        %dma_wait3A_319 = tpu.memref_slice %arg11[%add3A_247, %dma_wait3A] : memref<10008x128xf32, #tpu.memory_space<vmem_shared>> -> memref<32x128xf32, #tpu.memory_space<vmem_shared>>
        %dma_wait3A_320 = arith.constant 0 : i32
        %dma_wait3A_321 = tpu.memref_slice %arg11[%add3A_247, %dma_wait3A_320] : memref<10008x128xf32, #tpu.memory_space<vmem_shared>> -> memref<32x128xf32, #tpu.memory_space<vmem_shared>>
        tpu.wait_dma2 semaphore(%run_scoped3A : memref<!tpu.dma_semaphore, #tpu.memory_space<semaphore_mem>>) src(%arg8 : memref<32x128xf32, #tpu.memory_space<vmem>>) dst(%dma_wait3A_321 : memref<32x128xf32, #tpu.memory_space<vmem_shared>>)
        tpu.yield
      }) : () -> ()
      %mul3A_248 = arith.constant 632 : i32
      %mul3A_249 = arith.muli %arg1, %mul3A_248 : i32
      %add3A_250 = arith.constant 96 : i32
      %add3A_251 = arith.addi %mul3A_249, %add3A_250 : i32
      "tpu.region"() ({
        %run_scoped3A = tpu.sem_alloc : memref<!tpu.dma_semaphore, #tpu.memory_space<semaphore_mem>>
        %dma_start3A = arith.constant 0 : i32
        %dma_start3A_316 = tpu.memref_slice %arg11[%add3A_251, %dma_start3A] : memref<10008x128xf32, #tpu.memory_space<vmem_shared>> -> memref<32x128xf32, #tpu.memory_space<vmem_shared>>
        %dma_start3A_317 = arith.constant 0 : i32
        %dma_start3A_318 = tpu.memref_slice %arg11[%add3A_251, %dma_start3A_317] : memref<10008x128xf32, #tpu.memory_space<vmem_shared>> -> memref<32x128xf32, #tpu.memory_space<vmem_shared>>
        tpu.enqueue_dma source(%arg8 : memref<32x128xf32, #tpu.memory_space<vmem>>) target(%dma_start3A_318 : memref<32x128xf32, #tpu.memory_space<vmem_shared>>) target_semaphore(%run_scoped3A : memref<!tpu.dma_semaphore, #tpu.memory_space<semaphore_mem>>)
        %dma_wait3A = arith.constant 0 : i32
        %dma_wait3A_319 = tpu.memref_slice %arg11[%add3A_251, %dma_wait3A] : memref<10008x128xf32, #tpu.memory_space<vmem_shared>> -> memref<32x128xf32, #tpu.memory_space<vmem_shared>>
        %dma_wait3A_320 = arith.constant 0 : i32
        %dma_wait3A_321 = tpu.memref_slice %arg11[%add3A_251, %dma_wait3A_320] : memref<10008x128xf32, #tpu.memory_space<vmem_shared>> -> memref<32x128xf32, #tpu.memory_space<vmem_shared>>
        tpu.wait_dma2 semaphore(%run_scoped3A : memref<!tpu.dma_semaphore, #tpu.memory_space<semaphore_mem>>) src(%arg8 : memref<32x128xf32, #tpu.memory_space<vmem>>) dst(%dma_wait3A_321 : memref<32x128xf32, #tpu.memory_space<vmem_shared>>)
        tpu.yield
      }) : () -> ()
      %mul3A_252 = arith.constant 632 : i32
      %mul3A_253 = arith.muli %arg1, %mul3A_252 : i32
      %add3A_254 = arith.constant 128 : i32
      %add3A_255 = arith.addi %mul3A_253, %add3A_254 : i32
      "tpu.region"() ({
        %run_scoped3A = tpu.sem_alloc : memref<!tpu.dma_semaphore, #tpu.memory_space<semaphore_mem>>
        %dma_start3A = arith.constant 0 : i32
        %dma_start3A_316 = tpu.memref_slice %arg11[%add3A_255, %dma_start3A] : memref<10008x128xf32, #tpu.memory_space<vmem_shared>> -> memref<32x128xf32, #tpu.memory_space<vmem_shared>>
        %dma_start3A_317 = arith.constant 0 : i32
        %dma_start3A_318 = tpu.memref_slice %arg11[%add3A_255, %dma_start3A_317] : memref<10008x128xf32, #tpu.memory_space<vmem_shared>> -> memref<32x128xf32, #tpu.memory_space<vmem_shared>>
        tpu.enqueue_dma source(%arg8 : memref<32x128xf32, #tpu.memory_space<vmem>>) target(%dma_start3A_318 : memref<32x128xf32, #tpu.memory_space<vmem_shared>>) target_semaphore(%run_scoped3A : memref<!tpu.dma_semaphore, #tpu.memory_space<semaphore_mem>>)
        %dma_wait3A = arith.constant 0 : i32
        %dma_wait3A_319 = tpu.memref_slice %arg11[%add3A_255, %dma_wait3A] : memref<10008x128xf32, #tpu.memory_space<vmem_shared>> -> memref<32x128xf32, #tpu.memory_space<vmem_shared>>
        %dma_wait3A_320 = arith.constant 0 : i32
        %dma_wait3A_321 = tpu.memref_slice %arg11[%add3A_255, %dma_wait3A_320] : memref<10008x128xf32, #tpu.memory_space<vmem_shared>> -> memref<32x128xf32, #tpu.memory_space<vmem_shared>>
        tpu.wait_dma2 semaphore(%run_scoped3A : memref<!tpu.dma_semaphore, #tpu.memory_space<semaphore_mem>>) src(%arg8 : memref<32x128xf32, #tpu.memory_space<vmem>>) dst(%dma_wait3A_321 : memref<32x128xf32, #tpu.memory_space<vmem_shared>>)
        tpu.yield
      }) : () -> ()
      %mul3A_256 = arith.constant 632 : i32
      %mul3A_257 = arith.muli %arg1, %mul3A_256 : i32
      %add3A_258 = arith.constant 160 : i32
      %add3A_259 = arith.addi %mul3A_257, %add3A_258 : i32
      "tpu.region"() ({
        %run_scoped3A = tpu.sem_alloc : memref<!tpu.dma_semaphore, #tpu.memory_space<semaphore_mem>>
        %dma_start3A = arith.constant 0 : i32
        %dma_start3A_316 = tpu.memref_slice %arg11[%add3A_259, %dma_start3A] : memref<10008x128xf32, #tpu.memory_space<vmem_shared>> -> memref<32x128xf32, #tpu.memory_space<vmem_shared>>
        %dma_start3A_317 = arith.constant 0 : i32
        %dma_start3A_318 = tpu.memref_slice %arg11[%add3A_259, %dma_start3A_317] : memref<10008x128xf32, #tpu.memory_space<vmem_shared>> -> memref<32x128xf32, #tpu.memory_space<vmem_shared>>
        tpu.enqueue_dma source(%arg8 : memref<32x128xf32, #tpu.memory_space<vmem>>) target(%dma_start3A_318 : memref<32x128xf32, #tpu.memory_space<vmem_shared>>) target_semaphore(%run_scoped3A : memref<!tpu.dma_semaphore, #tpu.memory_space<semaphore_mem>>)
        %dma_wait3A = arith.constant 0 : i32
        %dma_wait3A_319 = tpu.memref_slice %arg11[%add3A_259, %dma_wait3A] : memref<10008x128xf32, #tpu.memory_space<vmem_shared>> -> memref<32x128xf32, #tpu.memory_space<vmem_shared>>
        %dma_wait3A_320 = arith.constant 0 : i32
        %dma_wait3A_321 = tpu.memref_slice %arg11[%add3A_259, %dma_wait3A_320] : memref<10008x128xf32, #tpu.memory_space<vmem_shared>> -> memref<32x128xf32, #tpu.memory_space<vmem_shared>>
        tpu.wait_dma2 semaphore(%run_scoped3A : memref<!tpu.dma_semaphore, #tpu.memory_space<semaphore_mem>>) src(%arg8 : memref<32x128xf32, #tpu.memory_space<vmem>>) dst(%dma_wait3A_321 : memref<32x128xf32, #tpu.memory_space<vmem_shared>>)
        tpu.yield
      }) : () -> ()
      %mul3A_260 = arith.constant 632 : i32
      %mul3A_261 = arith.muli %arg1, %mul3A_260 : i32
      %add3A_262 = arith.constant 192 : i32
      %add3A_263 = arith.addi %mul3A_261, %add3A_262 : i32
      "tpu.region"() ({
        %run_scoped3A = tpu.sem_alloc : memref<!tpu.dma_semaphore, #tpu.memory_space<semaphore_mem>>
        %dma_start3A = arith.constant 0 : i32
        %dma_start3A_316 = tpu.memref_slice %arg11[%add3A_263, %dma_start3A] : memref<10008x128xf32, #tpu.memory_space<vmem_shared>> -> memref<32x128xf32, #tpu.memory_space<vmem_shared>>
        %dma_start3A_317 = arith.constant 0 : i32
        %dma_start3A_318 = tpu.memref_slice %arg11[%add3A_263, %dma_start3A_317] : memref<10008x128xf32, #tpu.memory_space<vmem_shared>> -> memref<32x128xf32, #tpu.memory_space<vmem_shared>>
        tpu.enqueue_dma source(%arg8 : memref<32x128xf32, #tpu.memory_space<vmem>>) target(%dma_start3A_318 : memref<32x128xf32, #tpu.memory_space<vmem_shared>>) target_semaphore(%run_scoped3A : memref<!tpu.dma_semaphore, #tpu.memory_space<semaphore_mem>>)
        %dma_wait3A = arith.constant 0 : i32
        %dma_wait3A_319 = tpu.memref_slice %arg11[%add3A_263, %dma_wait3A] : memref<10008x128xf32, #tpu.memory_space<vmem_shared>> -> memref<32x128xf32, #tpu.memory_space<vmem_shared>>
        %dma_wait3A_320 = arith.constant 0 : i32
        %dma_wait3A_321 = tpu.memref_slice %arg11[%add3A_263, %dma_wait3A_320] : memref<10008x128xf32, #tpu.memory_space<vmem_shared>> -> memref<32x128xf32, #tpu.memory_space<vmem_shared>>
        tpu.wait_dma2 semaphore(%run_scoped3A : memref<!tpu.dma_semaphore, #tpu.memory_space<semaphore_mem>>) src(%arg8 : memref<32x128xf32, #tpu.memory_space<vmem>>) dst(%dma_wait3A_321 : memref<32x128xf32, #tpu.memory_space<vmem_shared>>)
        tpu.yield
      }) : () -> ()
      %mul3A_264 = arith.constant 632 : i32
      %mul3A_265 = arith.muli %arg1, %mul3A_264 : i32
      %add3A_266 = arith.constant 224 : i32
      %add3A_267 = arith.addi %mul3A_265, %add3A_266 : i32
      "tpu.region"() ({
        %run_scoped3A = tpu.sem_alloc : memref<!tpu.dma_semaphore, #tpu.memory_space<semaphore_mem>>
        %dma_start3A = arith.constant 0 : i32
        %dma_start3A_316 = tpu.memref_slice %arg11[%add3A_267, %dma_start3A] : memref<10008x128xf32, #tpu.memory_space<vmem_shared>> -> memref<32x128xf32, #tpu.memory_space<vmem_shared>>
        %dma_start3A_317 = arith.constant 0 : i32
        %dma_start3A_318 = tpu.memref_slice %arg11[%add3A_267, %dma_start3A_317] : memref<10008x128xf32, #tpu.memory_space<vmem_shared>> -> memref<32x128xf32, #tpu.memory_space<vmem_shared>>
        tpu.enqueue_dma source(%arg8 : memref<32x128xf32, #tpu.memory_space<vmem>>) target(%dma_start3A_318 : memref<32x128xf32, #tpu.memory_space<vmem_shared>>) target_semaphore(%run_scoped3A : memref<!tpu.dma_semaphore, #tpu.memory_space<semaphore_mem>>)
        %dma_wait3A = arith.constant 0 : i32
        %dma_wait3A_319 = tpu.memref_slice %arg11[%add3A_267, %dma_wait3A] : memref<10008x128xf32, #tpu.memory_space<vmem_shared>> -> memref<32x128xf32, #tpu.memory_space<vmem_shared>>
        %dma_wait3A_320 = arith.constant 0 : i32
        %dma_wait3A_321 = tpu.memref_slice %arg11[%add3A_267, %dma_wait3A_320] : memref<10008x128xf32, #tpu.memory_space<vmem_shared>> -> memref<32x128xf32, #tpu.memory_space<vmem_shared>>
        tpu.wait_dma2 semaphore(%run_scoped3A : memref<!tpu.dma_semaphore, #tpu.memory_space<semaphore_mem>>) src(%arg8 : memref<32x128xf32, #tpu.memory_space<vmem>>) dst(%dma_wait3A_321 : memref<32x128xf32, #tpu.memory_space<vmem_shared>>)
        tpu.yield
      }) : () -> ()
      %mul3A_268 = arith.constant 632 : i32
      %mul3A_269 = arith.muli %arg1, %mul3A_268 : i32
      %add3A_270 = arith.constant 256 : i32
      %add3A_271 = arith.addi %mul3A_269, %add3A_270 : i32
      "tpu.region"() ({
        %run_scoped3A = tpu.sem_alloc : memref<!tpu.dma_semaphore, #tpu.memory_space<semaphore_mem>>
        %dma_start3A = arith.constant 0 : i32
        %dma_start3A_316 = tpu.memref_slice %arg11[%add3A_271, %dma_start3A] : memref<10008x128xf32, #tpu.memory_space<vmem_shared>> -> memref<32x128xf32, #tpu.memory_space<vmem_shared>>
        %dma_start3A_317 = arith.constant 0 : i32
        %dma_start3A_318 = tpu.memref_slice %arg11[%add3A_271, %dma_start3A_317] : memref<10008x128xf32, #tpu.memory_space<vmem_shared>> -> memref<32x128xf32, #tpu.memory_space<vmem_shared>>
        tpu.enqueue_dma source(%arg8 : memref<32x128xf32, #tpu.memory_space<vmem>>) target(%dma_start3A_318 : memref<32x128xf32, #tpu.memory_space<vmem_shared>>) target_semaphore(%run_scoped3A : memref<!tpu.dma_semaphore, #tpu.memory_space<semaphore_mem>>)
        %dma_wait3A = arith.constant 0 : i32
        %dma_wait3A_319 = tpu.memref_slice %arg11[%add3A_271, %dma_wait3A] : memref<10008x128xf32, #tpu.memory_space<vmem_shared>> -> memref<32x128xf32, #tpu.memory_space<vmem_shared>>
        %dma_wait3A_320 = arith.constant 0 : i32
        %dma_wait3A_321 = tpu.memref_slice %arg11[%add3A_271, %dma_wait3A_320] : memref<10008x128xf32, #tpu.memory_space<vmem_shared>> -> memref<32x128xf32, #tpu.memory_space<vmem_shared>>
        tpu.wait_dma2 semaphore(%run_scoped3A : memref<!tpu.dma_semaphore, #tpu.memory_space<semaphore_mem>>) src(%arg8 : memref<32x128xf32, #tpu.memory_space<vmem>>) dst(%dma_wait3A_321 : memref<32x128xf32, #tpu.memory_space<vmem_shared>>)
        tpu.yield
      }) : () -> ()
      %mul3A_272 = arith.constant 632 : i32
      %mul3A_273 = arith.muli %arg1, %mul3A_272 : i32
      %add3A_274 = arith.constant 288 : i32
      %add3A_275 = arith.addi %mul3A_273, %add3A_274 : i32
      "tpu.region"() ({
        %run_scoped3A = tpu.sem_alloc : memref<!tpu.dma_semaphore, #tpu.memory_space<semaphore_mem>>
        %dma_start3A = arith.constant 0 : i32
        %dma_start3A_316 = tpu.memref_slice %arg11[%add3A_275, %dma_start3A] : memref<10008x128xf32, #tpu.memory_space<vmem_shared>> -> memref<32x128xf32, #tpu.memory_space<vmem_shared>>
        %dma_start3A_317 = arith.constant 0 : i32
        %dma_start3A_318 = tpu.memref_slice %arg11[%add3A_275, %dma_start3A_317] : memref<10008x128xf32, #tpu.memory_space<vmem_shared>> -> memref<32x128xf32, #tpu.memory_space<vmem_shared>>
        tpu.enqueue_dma source(%arg8 : memref<32x128xf32, #tpu.memory_space<vmem>>) target(%dma_start3A_318 : memref<32x128xf32, #tpu.memory_space<vmem_shared>>) target_semaphore(%run_scoped3A : memref<!tpu.dma_semaphore, #tpu.memory_space<semaphore_mem>>)
        %dma_wait3A = arith.constant 0 : i32
        %dma_wait3A_319 = tpu.memref_slice %arg11[%add3A_275, %dma_wait3A] : memref<10008x128xf32, #tpu.memory_space<vmem_shared>> -> memref<32x128xf32, #tpu.memory_space<vmem_shared>>
        %dma_wait3A_320 = arith.constant 0 : i32
        %dma_wait3A_321 = tpu.memref_slice %arg11[%add3A_275, %dma_wait3A_320] : memref<10008x128xf32, #tpu.memory_space<vmem_shared>> -> memref<32x128xf32, #tpu.memory_space<vmem_shared>>
        tpu.wait_dma2 semaphore(%run_scoped3A : memref<!tpu.dma_semaphore, #tpu.memory_space<semaphore_mem>>) src(%arg8 : memref<32x128xf32, #tpu.memory_space<vmem>>) dst(%dma_wait3A_321 : memref<32x128xf32, #tpu.memory_space<vmem_shared>>)
        tpu.yield
      }) : () -> ()
      %mul3A_276 = arith.constant 632 : i32
      %mul3A_277 = arith.muli %arg1, %mul3A_276 : i32
      %add3A_278 = arith.constant 320 : i32
      %add3A_279 = arith.addi %mul3A_277, %add3A_278 : i32
      "tpu.region"() ({
        %run_scoped3A = tpu.sem_alloc : memref<!tpu.dma_semaphore, #tpu.memory_space<semaphore_mem>>
        %dma_start3A = arith.constant 0 : i32
        %dma_start3A_316 = tpu.memref_slice %arg11[%add3A_279, %dma_start3A] : memref<10008x128xf32, #tpu.memory_space<vmem_shared>> -> memref<32x128xf32, #tpu.memory_space<vmem_shared>>
        %dma_start3A_317 = arith.constant 0 : i32
        %dma_start3A_318 = tpu.memref_slice %arg11[%add3A_279, %dma_start3A_317] : memref<10008x128xf32, #tpu.memory_space<vmem_shared>> -> memref<32x128xf32, #tpu.memory_space<vmem_shared>>
        tpu.enqueue_dma source(%arg8 : memref<32x128xf32, #tpu.memory_space<vmem>>) target(%dma_start3A_318 : memref<32x128xf32, #tpu.memory_space<vmem_shared>>) target_semaphore(%run_scoped3A : memref<!tpu.dma_semaphore, #tpu.memory_space<semaphore_mem>>)
        %dma_wait3A = arith.constant 0 : i32
        %dma_wait3A_319 = tpu.memref_slice %arg11[%add3A_279, %dma_wait3A] : memref<10008x128xf32, #tpu.memory_space<vmem_shared>> -> memref<32x128xf32, #tpu.memory_space<vmem_shared>>
        %dma_wait3A_320 = arith.constant 0 : i32
        %dma_wait3A_321 = tpu.memref_slice %arg11[%add3A_279, %dma_wait3A_320] : memref<10008x128xf32, #tpu.memory_space<vmem_shared>> -> memref<32x128xf32, #tpu.memory_space<vmem_shared>>
        tpu.wait_dma2 semaphore(%run_scoped3A : memref<!tpu.dma_semaphore, #tpu.memory_space<semaphore_mem>>) src(%arg8 : memref<32x128xf32, #tpu.memory_space<vmem>>) dst(%dma_wait3A_321 : memref<32x128xf32, #tpu.memory_space<vmem_shared>>)
        tpu.yield
      }) : () -> ()
      %mul3A_280 = arith.constant 632 : i32
      %mul3A_281 = arith.muli %arg1, %mul3A_280 : i32
      %add3A_282 = arith.constant 352 : i32
      %add3A_283 = arith.addi %mul3A_281, %add3A_282 : i32
      "tpu.region"() ({
        %run_scoped3A = tpu.sem_alloc : memref<!tpu.dma_semaphore, #tpu.memory_space<semaphore_mem>>
        %dma_start3A = arith.constant 0 : i32
        %dma_start3A_316 = tpu.memref_slice %arg11[%add3A_283, %dma_start3A] : memref<10008x128xf32, #tpu.memory_space<vmem_shared>> -> memref<32x128xf32, #tpu.memory_space<vmem_shared>>
        %dma_start3A_317 = arith.constant 0 : i32
        %dma_start3A_318 = tpu.memref_slice %arg11[%add3A_283, %dma_start3A_317] : memref<10008x128xf32, #tpu.memory_space<vmem_shared>> -> memref<32x128xf32, #tpu.memory_space<vmem_shared>>
        tpu.enqueue_dma source(%arg8 : memref<32x128xf32, #tpu.memory_space<vmem>>) target(%dma_start3A_318 : memref<32x128xf32, #tpu.memory_space<vmem_shared>>) target_semaphore(%run_scoped3A : memref<!tpu.dma_semaphore, #tpu.memory_space<semaphore_mem>>)
        %dma_wait3A = arith.constant 0 : i32
        %dma_wait3A_319 = tpu.memref_slice %arg11[%add3A_283, %dma_wait3A] : memref<10008x128xf32, #tpu.memory_space<vmem_shared>> -> memref<32x128xf32, #tpu.memory_space<vmem_shared>>
        %dma_wait3A_320 = arith.constant 0 : i32
        %dma_wait3A_321 = tpu.memref_slice %arg11[%add3A_283, %dma_wait3A_320] : memref<10008x128xf32, #tpu.memory_space<vmem_shared>> -> memref<32x128xf32, #tpu.memory_space<vmem_shared>>
        tpu.wait_dma2 semaphore(%run_scoped3A : memref<!tpu.dma_semaphore, #tpu.memory_space<semaphore_mem>>) src(%arg8 : memref<32x128xf32, #tpu.memory_space<vmem>>) dst(%dma_wait3A_321 : memref<32x128xf32, #tpu.memory_space<vmem_shared>>)
        tpu.yield
      }) : () -> ()
      %mul3A_284 = arith.constant 632 : i32
      %mul3A_285 = arith.muli %arg1, %mul3A_284 : i32
      %add3A_286 = arith.constant 384 : i32
      %add3A_287 = arith.addi %mul3A_285, %add3A_286 : i32
      "tpu.region"() ({
        %run_scoped3A = tpu.sem_alloc : memref<!tpu.dma_semaphore, #tpu.memory_space<semaphore_mem>>
        %dma_start3A = arith.constant 0 : i32
        %dma_start3A_316 = tpu.memref_slice %arg11[%add3A_287, %dma_start3A] : memref<10008x128xf32, #tpu.memory_space<vmem_shared>> -> memref<32x128xf32, #tpu.memory_space<vmem_shared>>
        %dma_start3A_317 = arith.constant 0 : i32
        %dma_start3A_318 = tpu.memref_slice %arg11[%add3A_287, %dma_start3A_317] : memref<10008x128xf32, #tpu.memory_space<vmem_shared>> -> memref<32x128xf32, #tpu.memory_space<vmem_shared>>
        tpu.enqueue_dma source(%arg8 : memref<32x128xf32, #tpu.memory_space<vmem>>) target(%dma_start3A_318 : memref<32x128xf32, #tpu.memory_space<vmem_shared>>) target_semaphore(%run_scoped3A : memref<!tpu.dma_semaphore, #tpu.memory_space<semaphore_mem>>)
        %dma_wait3A = arith.constant 0 : i32
        %dma_wait3A_319 = tpu.memref_slice %arg11[%add3A_287, %dma_wait3A] : memref<10008x128xf32, #tpu.memory_space<vmem_shared>> -> memref<32x128xf32, #tpu.memory_space<vmem_shared>>
        %dma_wait3A_320 = arith.constant 0 : i32
        %dma_wait3A_321 = tpu.memref_slice %arg11[%add3A_287, %dma_wait3A_320] : memref<10008x128xf32, #tpu.memory_space<vmem_shared>> -> memref<32x128xf32, #tpu.memory_space<vmem_shared>>
        tpu.wait_dma2 semaphore(%run_scoped3A : memref<!tpu.dma_semaphore, #tpu.memory_space<semaphore_mem>>) src(%arg8 : memref<32x128xf32, #tpu.memory_space<vmem>>) dst(%dma_wait3A_321 : memref<32x128xf32, #tpu.memory_space<vmem_shared>>)
        tpu.yield
      }) : () -> ()
      %mul3A_288 = arith.constant 632 : i32
      %mul3A_289 = arith.muli %arg1, %mul3A_288 : i32
      %add3A_290 = arith.constant 416 : i32
      %add3A_291 = arith.addi %mul3A_289, %add3A_290 : i32
      "tpu.region"() ({
        %run_scoped3A = tpu.sem_alloc : memref<!tpu.dma_semaphore, #tpu.memory_space<semaphore_mem>>
        %dma_start3A = arith.constant 0 : i32
        %dma_start3A_316 = tpu.memref_slice %arg11[%add3A_291, %dma_start3A] : memref<10008x128xf32, #tpu.memory_space<vmem_shared>> -> memref<32x128xf32, #tpu.memory_space<vmem_shared>>
        %dma_start3A_317 = arith.constant 0 : i32
        %dma_start3A_318 = tpu.memref_slice %arg11[%add3A_291, %dma_start3A_317] : memref<10008x128xf32, #tpu.memory_space<vmem_shared>> -> memref<32x128xf32, #tpu.memory_space<vmem_shared>>
        tpu.enqueue_dma source(%arg8 : memref<32x128xf32, #tpu.memory_space<vmem>>) target(%dma_start3A_318 : memref<32x128xf32, #tpu.memory_space<vmem_shared>>) target_semaphore(%run_scoped3A : memref<!tpu.dma_semaphore, #tpu.memory_space<semaphore_mem>>)
        %dma_wait3A = arith.constant 0 : i32
        %dma_wait3A_319 = tpu.memref_slice %arg11[%add3A_291, %dma_wait3A] : memref<10008x128xf32, #tpu.memory_space<vmem_shared>> -> memref<32x128xf32, #tpu.memory_space<vmem_shared>>
        %dma_wait3A_320 = arith.constant 0 : i32
        %dma_wait3A_321 = tpu.memref_slice %arg11[%add3A_291, %dma_wait3A_320] : memref<10008x128xf32, #tpu.memory_space<vmem_shared>> -> memref<32x128xf32, #tpu.memory_space<vmem_shared>>
        tpu.wait_dma2 semaphore(%run_scoped3A : memref<!tpu.dma_semaphore, #tpu.memory_space<semaphore_mem>>) src(%arg8 : memref<32x128xf32, #tpu.memory_space<vmem>>) dst(%dma_wait3A_321 : memref<32x128xf32, #tpu.memory_space<vmem_shared>>)
        tpu.yield
      }) : () -> ()
      %mul3A_292 = arith.constant 632 : i32
      %mul3A_293 = arith.muli %arg1, %mul3A_292 : i32
      %add3A_294 = arith.constant 448 : i32
      %add3A_295 = arith.addi %mul3A_293, %add3A_294 : i32
      "tpu.region"() ({
        %run_scoped3A = tpu.sem_alloc : memref<!tpu.dma_semaphore, #tpu.memory_space<semaphore_mem>>
        %dma_start3A = arith.constant 0 : i32
        %dma_start3A_316 = tpu.memref_slice %arg11[%add3A_295, %dma_start3A] : memref<10008x128xf32, #tpu.memory_space<vmem_shared>> -> memref<32x128xf32, #tpu.memory_space<vmem_shared>>
        %dma_start3A_317 = arith.constant 0 : i32
        %dma_start3A_318 = tpu.memref_slice %arg11[%add3A_295, %dma_start3A_317] : memref<10008x128xf32, #tpu.memory_space<vmem_shared>> -> memref<32x128xf32, #tpu.memory_space<vmem_shared>>
        tpu.enqueue_dma source(%arg8 : memref<32x128xf32, #tpu.memory_space<vmem>>) target(%dma_start3A_318 : memref<32x128xf32, #tpu.memory_space<vmem_shared>>) target_semaphore(%run_scoped3A : memref<!tpu.dma_semaphore, #tpu.memory_space<semaphore_mem>>)
        %dma_wait3A = arith.constant 0 : i32
        %dma_wait3A_319 = tpu.memref_slice %arg11[%add3A_295, %dma_wait3A] : memref<10008x128xf32, #tpu.memory_space<vmem_shared>> -> memref<32x128xf32, #tpu.memory_space<vmem_shared>>
        %dma_wait3A_320 = arith.constant 0 : i32
        %dma_wait3A_321 = tpu.memref_slice %arg11[%add3A_295, %dma_wait3A_320] : memref<10008x128xf32, #tpu.memory_space<vmem_shared>> -> memref<32x128xf32, #tpu.memory_space<vmem_shared>>
        tpu.wait_dma2 semaphore(%run_scoped3A : memref<!tpu.dma_semaphore, #tpu.memory_space<semaphore_mem>>) src(%arg8 : memref<32x128xf32, #tpu.memory_space<vmem>>) dst(%dma_wait3A_321 : memref<32x128xf32, #tpu.memory_space<vmem_shared>>)
        tpu.yield
      }) : () -> ()
      %mul3A_296 = arith.constant 632 : i32
      %mul3A_297 = arith.muli %arg1, %mul3A_296 : i32
      %add3A_298 = arith.constant 480 : i32
      %add3A_299 = arith.addi %mul3A_297, %add3A_298 : i32
      "tpu.region"() ({
        %run_scoped3A = tpu.sem_alloc : memref<!tpu.dma_semaphore, #tpu.memory_space<semaphore_mem>>
        %dma_start3A = arith.constant 0 : i32
        %dma_start3A_316 = tpu.memref_slice %arg11[%add3A_299, %dma_start3A] : memref<10008x128xf32, #tpu.memory_space<vmem_shared>> -> memref<32x128xf32, #tpu.memory_space<vmem_shared>>
        %dma_start3A_317 = arith.constant 0 : i32
        %dma_start3A_318 = tpu.memref_slice %arg11[%add3A_299, %dma_start3A_317] : memref<10008x128xf32, #tpu.memory_space<vmem_shared>> -> memref<32x128xf32, #tpu.memory_space<vmem_shared>>
        tpu.enqueue_dma source(%arg8 : memref<32x128xf32, #tpu.memory_space<vmem>>) target(%dma_start3A_318 : memref<32x128xf32, #tpu.memory_space<vmem_shared>>) target_semaphore(%run_scoped3A : memref<!tpu.dma_semaphore, #tpu.memory_space<semaphore_mem>>)
        %dma_wait3A = arith.constant 0 : i32
        %dma_wait3A_319 = tpu.memref_slice %arg11[%add3A_299, %dma_wait3A] : memref<10008x128xf32, #tpu.memory_space<vmem_shared>> -> memref<32x128xf32, #tpu.memory_space<vmem_shared>>
        %dma_wait3A_320 = arith.constant 0 : i32
        %dma_wait3A_321 = tpu.memref_slice %arg11[%add3A_299, %dma_wait3A_320] : memref<10008x128xf32, #tpu.memory_space<vmem_shared>> -> memref<32x128xf32, #tpu.memory_space<vmem_shared>>
        tpu.wait_dma2 semaphore(%run_scoped3A : memref<!tpu.dma_semaphore, #tpu.memory_space<semaphore_mem>>) src(%arg8 : memref<32x128xf32, #tpu.memory_space<vmem>>) dst(%dma_wait3A_321 : memref<32x128xf32, #tpu.memory_space<vmem_shared>>)
        tpu.yield
      }) : () -> ()
      %mul3A_300 = arith.constant 632 : i32
      %mul3A_301 = arith.muli %arg1, %mul3A_300 : i32
      %add3A_302 = arith.constant 512 : i32
      %add3A_303 = arith.addi %mul3A_301, %add3A_302 : i32
      "tpu.region"() ({
        %run_scoped3A = tpu.sem_alloc : memref<!tpu.dma_semaphore, #tpu.memory_space<semaphore_mem>>
        %dma_start3A = arith.constant 0 : i32
        %dma_start3A_316 = tpu.memref_slice %arg11[%add3A_303, %dma_start3A] : memref<10008x128xf32, #tpu.memory_space<vmem_shared>> -> memref<32x128xf32, #tpu.memory_space<vmem_shared>>
        %dma_start3A_317 = arith.constant 0 : i32
        %dma_start3A_318 = tpu.memref_slice %arg11[%add3A_303, %dma_start3A_317] : memref<10008x128xf32, #tpu.memory_space<vmem_shared>> -> memref<32x128xf32, #tpu.memory_space<vmem_shared>>
        tpu.enqueue_dma source(%arg8 : memref<32x128xf32, #tpu.memory_space<vmem>>) target(%dma_start3A_318 : memref<32x128xf32, #tpu.memory_space<vmem_shared>>) target_semaphore(%run_scoped3A : memref<!tpu.dma_semaphore, #tpu.memory_space<semaphore_mem>>)
        %dma_wait3A = arith.constant 0 : i32
        %dma_wait3A_319 = tpu.memref_slice %arg11[%add3A_303, %dma_wait3A] : memref<10008x128xf32, #tpu.memory_space<vmem_shared>> -> memref<32x128xf32, #tpu.memory_space<vmem_shared>>
        %dma_wait3A_320 = arith.constant 0 : i32
        %dma_wait3A_321 = tpu.memref_slice %arg11[%add3A_303, %dma_wait3A_320] : memref<10008x128xf32, #tpu.memory_space<vmem_shared>> -> memref<32x128xf32, #tpu.memory_space<vmem_shared>>
        tpu.wait_dma2 semaphore(%run_scoped3A : memref<!tpu.dma_semaphore, #tpu.memory_space<semaphore_mem>>) src(%arg8 : memref<32x128xf32, #tpu.memory_space<vmem>>) dst(%dma_wait3A_321 : memref<32x128xf32, #tpu.memory_space<vmem_shared>>)
        tpu.yield
      }) : () -> ()
      %mul3A_304 = arith.constant 632 : i32
      %mul3A_305 = arith.muli %arg1, %mul3A_304 : i32
      %add3A_306 = arith.constant 544 : i32
      %add3A_307 = arith.addi %mul3A_305, %add3A_306 : i32
      "tpu.region"() ({
        %run_scoped3A = tpu.sem_alloc : memref<!tpu.dma_semaphore, #tpu.memory_space<semaphore_mem>>
        %dma_start3A = arith.constant 0 : i32
        %dma_start3A_316 = tpu.memref_slice %arg11[%add3A_307, %dma_start3A] : memref<10008x128xf32, #tpu.memory_space<vmem_shared>> -> memref<32x128xf32, #tpu.memory_space<vmem_shared>>
        %dma_start3A_317 = arith.constant 0 : i32
        %dma_start3A_318 = tpu.memref_slice %arg11[%add3A_307, %dma_start3A_317] : memref<10008x128xf32, #tpu.memory_space<vmem_shared>> -> memref<32x128xf32, #tpu.memory_space<vmem_shared>>
        tpu.enqueue_dma source(%arg8 : memref<32x128xf32, #tpu.memory_space<vmem>>) target(%dma_start3A_318 : memref<32x128xf32, #tpu.memory_space<vmem_shared>>) target_semaphore(%run_scoped3A : memref<!tpu.dma_semaphore, #tpu.memory_space<semaphore_mem>>)
        %dma_wait3A = arith.constant 0 : i32
        %dma_wait3A_319 = tpu.memref_slice %arg11[%add3A_307, %dma_wait3A] : memref<10008x128xf32, #tpu.memory_space<vmem_shared>> -> memref<32x128xf32, #tpu.memory_space<vmem_shared>>
        %dma_wait3A_320 = arith.constant 0 : i32
        %dma_wait3A_321 = tpu.memref_slice %arg11[%add3A_307, %dma_wait3A_320] : memref<10008x128xf32, #tpu.memory_space<vmem_shared>> -> memref<32x128xf32, #tpu.memory_space<vmem_shared>>
        tpu.wait_dma2 semaphore(%run_scoped3A : memref<!tpu.dma_semaphore, #tpu.memory_space<semaphore_mem>>) src(%arg8 : memref<32x128xf32, #tpu.memory_space<vmem>>) dst(%dma_wait3A_321 : memref<32x128xf32, #tpu.memory_space<vmem_shared>>)
        tpu.yield
      }) : () -> ()
      %mul3A_308 = arith.constant 632 : i32
      %mul3A_309 = arith.muli %arg1, %mul3A_308 : i32
      %add3A_310 = arith.constant 576 : i32
      %add3A_311 = arith.addi %mul3A_309, %add3A_310 : i32
      "tpu.region"() ({
        %run_scoped3A = tpu.sem_alloc : memref<!tpu.dma_semaphore, #tpu.memory_space<semaphore_mem>>
        %dma_start3A = arith.constant 0 : i32
        %dma_start3A_316 = tpu.memref_slice %arg11[%add3A_311, %dma_start3A] : memref<10008x128xf32, #tpu.memory_space<vmem_shared>> -> memref<32x128xf32, #tpu.memory_space<vmem_shared>>
        %dma_start3A_317 = arith.constant 0 : i32
        %dma_start3A_318 = tpu.memref_slice %arg11[%add3A_311, %dma_start3A_317] : memref<10008x128xf32, #tpu.memory_space<vmem_shared>> -> memref<32x128xf32, #tpu.memory_space<vmem_shared>>
        tpu.enqueue_dma source(%arg8 : memref<32x128xf32, #tpu.memory_space<vmem>>) target(%dma_start3A_318 : memref<32x128xf32, #tpu.memory_space<vmem_shared>>) target_semaphore(%run_scoped3A : memref<!tpu.dma_semaphore, #tpu.memory_space<semaphore_mem>>)
        %dma_wait3A = arith.constant 0 : i32
        %dma_wait3A_319 = tpu.memref_slice %arg11[%add3A_311, %dma_wait3A] : memref<10008x128xf32, #tpu.memory_space<vmem_shared>> -> memref<32x128xf32, #tpu.memory_space<vmem_shared>>
        %dma_wait3A_320 = arith.constant 0 : i32
        %dma_wait3A_321 = tpu.memref_slice %arg11[%add3A_311, %dma_wait3A_320] : memref<10008x128xf32, #tpu.memory_space<vmem_shared>> -> memref<32x128xf32, #tpu.memory_space<vmem_shared>>
        tpu.wait_dma2 semaphore(%run_scoped3A : memref<!tpu.dma_semaphore, #tpu.memory_space<semaphore_mem>>) src(%arg8 : memref<32x128xf32, #tpu.memory_space<vmem>>) dst(%dma_wait3A_321 : memref<32x128xf32, #tpu.memory_space<vmem_shared>>)
        tpu.yield
      }) : () -> ()
      %mul3A_312 = arith.constant 632 : i32
      %mul3A_313 = arith.muli %arg1, %mul3A_312 : i32
      %add3A_314 = arith.constant 608 : i32
      %add3A_315 = arith.addi %mul3A_313, %add3A_314 : i32
      "tpu.region"() ({
        %run_scoped3A = tpu.sem_alloc : memref<!tpu.dma_semaphore, #tpu.memory_space<semaphore_mem>>
        %dma_start3A = arith.constant 0 : i32
        %dma_start3A_316 = arith.constant 0 : i32
        %dma_start3A_317 = tpu.memref_slice %arg8[%dma_start3A, %dma_start3A_316] : memref<32x128xf32, #tpu.memory_space<vmem>> -> memref<24x128xf32, #tpu.memory_space<vmem>>
        %dma_start3A_318 = arith.constant 0 : i32
        %dma_start3A_319 = tpu.memref_slice %arg11[%add3A_315, %dma_start3A_318] : memref<10008x128xf32, #tpu.memory_space<vmem_shared>> -> memref<24x128xf32, #tpu.memory_space<vmem_shared>>
        %dma_start3A_320 = arith.constant 0 : i32
        %dma_start3A_321 = tpu.memref_slice %arg11[%add3A_315, %dma_start3A_320] : memref<10008x128xf32, #tpu.memory_space<vmem_shared>> -> memref<24x128xf32, #tpu.memory_space<vmem_shared>>
        %dma_start3A_322 = arith.constant 0 : i32
        %dma_start3A_323 = arith.constant 0 : i32
        %dma_start3A_324 = tpu.memref_slice %arg8[%dma_start3A_322, %dma_start3A_323] : memref<32x128xf32, #tpu.memory_space<vmem>> -> memref<24x128xf32, #tpu.memory_space<vmem>>
        tpu.enqueue_dma source(%dma_start3A_324 : memref<24x128xf32, #tpu.memory_space<vmem>>) target(%dma_start3A_321 : memref<24x128xf32, #tpu.memory_space<vmem_shared>>) target_semaphore(%run_scoped3A : memref<!tpu.dma_semaphore, #tpu.memory_space<semaphore_mem>>)
        %dma_wait3A = arith.constant 0 : i32
        %dma_wait3A_325 = arith.constant 0 : i32
        %dma_wait3A_326 = tpu.memref_slice %arg8[%dma_wait3A, %dma_wait3A_325] : memref<32x128xf32, #tpu.memory_space<vmem>> -> memref<24x128xf32, #tpu.memory_space<vmem>>
        %dma_wait3A_327 = arith.constant 0 : i32
        %dma_wait3A_328 = tpu.memref_slice %arg11[%add3A_315, %dma_wait3A_327] : memref<10008x128xf32, #tpu.memory_space<vmem_shared>> -> memref<24x128xf32, #tpu.memory_space<vmem_shared>>
        %dma_wait3A_329 = arith.constant 0 : i32
        %dma_wait3A_330 = tpu.memref_slice %arg11[%add3A_315, %dma_wait3A_329] : memref<10008x128xf32, #tpu.memory_space<vmem_shared>> -> memref<24x128xf32, #tpu.memory_space<vmem_shared>>
        %dma_wait3A_331 = arith.constant 0 : i32
        %dma_wait3A_332 = arith.constant 0 : i32
        %dma_wait3A_333 = tpu.memref_slice %arg8[%dma_wait3A_331, %dma_wait3A_332] : memref<32x128xf32, #tpu.memory_space<vmem>> -> memref<24x128xf32, #tpu.memory_space<vmem>>
        tpu.wait_dma2 semaphore(%run_scoped3A : memref<!tpu.dma_semaphore, #tpu.memory_space<semaphore_mem>>) src(%dma_wait3A_333 : memref<24x128xf32, #tpu.memory_space<vmem>>) dst(%dma_wait3A_330 : memref<24x128xf32, #tpu.memory_space<vmem_shared>>)
        tpu.yield
      }) : () -> ()
    } else {
    }
    %eq3A = arith.constant 15 : i32
    %eq3A_215 = arith.cmpi eq, %arg1, %eq3A : i32
    %convert_element_type3A_216 = arith.extui %eq3A_215 : i1 to i32
    %cond3A_217 = arith.constant 0 : i32
    %cond3A_218 = arith.cmpi ne, %convert_element_type3A_216, %cond3A_217 : i32
    scf.if %cond3A_218 {
      "tpu.region"() ({
        %run_scoped3A = tpu.sem_alloc : memref<!tpu.dma_semaphore, #tpu.memory_space<semaphore_mem>>
        %dma_start3A = arith.constant 9480 : i32
        %dma_start3A_236 = arith.constant 0 : i32
        %dma_start3A_237 = tpu.memref_slice %arg11[%dma_start3A, %dma_start3A_236] : memref<10008x128xf32, #tpu.memory_space<vmem_shared>> -> memref<32x128xf32, #tpu.memory_space<vmem_shared>>
        %dma_start3A_238 = arith.constant 9480 : i32
        %dma_start3A_239 = arith.constant 0 : i32
        %dma_start3A_240 = tpu.memref_slice %arg11[%dma_start3A_238, %dma_start3A_239] : memref<10008x128xf32, #tpu.memory_space<vmem_shared>> -> memref<32x128xf32, #tpu.memory_space<vmem_shared>>
        tpu.enqueue_dma source(%arg8 : memref<32x128xf32, #tpu.memory_space<vmem>>) target(%dma_start3A_240 : memref<32x128xf32, #tpu.memory_space<vmem_shared>>) target_semaphore(%run_scoped3A : memref<!tpu.dma_semaphore, #tpu.memory_space<semaphore_mem>>)
        %dma_wait3A = arith.constant 9480 : i32
        %dma_wait3A_241 = arith.constant 0 : i32
        %dma_wait3A_242 = tpu.memref_slice %arg11[%dma_wait3A, %dma_wait3A_241] : memref<10008x128xf32, #tpu.memory_space<vmem_shared>> -> memref<32x128xf32, #tpu.memory_space<vmem_shared>>
        %dma_wait3A_243 = arith.constant 9480 : i32
        %dma_wait3A_244 = arith.constant 0 : i32
        %dma_wait3A_245 = tpu.memref_slice %arg11[%dma_wait3A_243, %dma_wait3A_244] : memref<10008x128xf32, #tpu.memory_space<vmem_shared>> -> memref<32x128xf32, #tpu.memory_space<vmem_shared>>
        tpu.wait_dma2 semaphore(%run_scoped3A : memref<!tpu.dma_semaphore, #tpu.memory_space<semaphore_mem>>) src(%arg8 : memref<32x128xf32, #tpu.memory_space<vmem>>) dst(%dma_wait3A_245 : memref<32x128xf32, #tpu.memory_space<vmem_shared>>)
        tpu.yield
      }) : () -> ()
      "tpu.region"() ({
        %run_scoped3A = tpu.sem_alloc : memref<!tpu.dma_semaphore, #tpu.memory_space<semaphore_mem>>
        %dma_start3A = arith.constant 9512 : i32
        %dma_start3A_236 = arith.constant 0 : i32
        %dma_start3A_237 = tpu.memref_slice %arg11[%dma_start3A, %dma_start3A_236] : memref<10008x128xf32, #tpu.memory_space<vmem_shared>> -> memref<32x128xf32, #tpu.memory_space<vmem_shared>>
        %dma_start3A_238 = arith.constant 9512 : i32
        %dma_start3A_239 = arith.constant 0 : i32
        %dma_start3A_240 = tpu.memref_slice %arg11[%dma_start3A_238, %dma_start3A_239] : memref<10008x128xf32, #tpu.memory_space<vmem_shared>> -> memref<32x128xf32, #tpu.memory_space<vmem_shared>>
        tpu.enqueue_dma source(%arg8 : memref<32x128xf32, #tpu.memory_space<vmem>>) target(%dma_start3A_240 : memref<32x128xf32, #tpu.memory_space<vmem_shared>>) target_semaphore(%run_scoped3A : memref<!tpu.dma_semaphore, #tpu.memory_space<semaphore_mem>>)
        %dma_wait3A = arith.constant 9512 : i32
        %dma_wait3A_241 = arith.constant 0 : i32
        %dma_wait3A_242 = tpu.memref_slice %arg11[%dma_wait3A, %dma_wait3A_241] : memref<10008x128xf32, #tpu.memory_space<vmem_shared>> -> memref<32x128xf32, #tpu.memory_space<vmem_shared>>
        %dma_wait3A_243 = arith.constant 9512 : i32
        %dma_wait3A_244 = arith.constant 0 : i32
        %dma_wait3A_245 = tpu.memref_slice %arg11[%dma_wait3A_243, %dma_wait3A_244] : memref<10008x128xf32, #tpu.memory_space<vmem_shared>> -> memref<32x128xf32, #tpu.memory_space<vmem_shared>>
        tpu.wait_dma2 semaphore(%run_scoped3A : memref<!tpu.dma_semaphore, #tpu.memory_space<semaphore_mem>>) src(%arg8 : memref<32x128xf32, #tpu.memory_space<vmem>>) dst(%dma_wait3A_245 : memref<32x128xf32, #tpu.memory_space<vmem_shared>>)
        tpu.yield
      }) : () -> ()
      "tpu.region"() ({
        %run_scoped3A = tpu.sem_alloc : memref<!tpu.dma_semaphore, #tpu.memory_space<semaphore_mem>>
        %dma_start3A = arith.constant 9544 : i32
        %dma_start3A_236 = arith.constant 0 : i32
        %dma_start3A_237 = tpu.memref_slice %arg11[%dma_start3A, %dma_start3A_236] : memref<10008x128xf32, #tpu.memory_space<vmem_shared>> -> memref<32x128xf32, #tpu.memory_space<vmem_shared>>
        %dma_start3A_238 = arith.constant 9544 : i32
        %dma_start3A_239 = arith.constant 0 : i32
        %dma_start3A_240 = tpu.memref_slice %arg11[%dma_start3A_238, %dma_start3A_239] : memref<10008x128xf32, #tpu.memory_space<vmem_shared>> -> memref<32x128xf32, #tpu.memory_space<vmem_shared>>
        tpu.enqueue_dma source(%arg8 : memref<32x128xf32, #tpu.memory_space<vmem>>) target(%dma_start3A_240 : memref<32x128xf32, #tpu.memory_space<vmem_shared>>) target_semaphore(%run_scoped3A : memref<!tpu.dma_semaphore, #tpu.memory_space<semaphore_mem>>)
        %dma_wait3A = arith.constant 9544 : i32
        %dma_wait3A_241 = arith.constant 0 : i32
        %dma_wait3A_242 = tpu.memref_slice %arg11[%dma_wait3A, %dma_wait3A_241] : memref<10008x128xf32, #tpu.memory_space<vmem_shared>> -> memref<32x128xf32, #tpu.memory_space<vmem_shared>>
        %dma_wait3A_243 = arith.constant 9544 : i32
        %dma_wait3A_244 = arith.constant 0 : i32
        %dma_wait3A_245 = tpu.memref_slice %arg11[%dma_wait3A_243, %dma_wait3A_244] : memref<10008x128xf32, #tpu.memory_space<vmem_shared>> -> memref<32x128xf32, #tpu.memory_space<vmem_shared>>
        tpu.wait_dma2 semaphore(%run_scoped3A : memref<!tpu.dma_semaphore, #tpu.memory_space<semaphore_mem>>) src(%arg8 : memref<32x128xf32, #tpu.memory_space<vmem>>) dst(%dma_wait3A_245 : memref<32x128xf32, #tpu.memory_space<vmem_shared>>)
        tpu.yield
      }) : () -> ()
      "tpu.region"() ({
        %run_scoped3A = tpu.sem_alloc : memref<!tpu.dma_semaphore, #tpu.memory_space<semaphore_mem>>
        %dma_start3A = arith.constant 9576 : i32
        %dma_start3A_236 = arith.constant 0 : i32
        %dma_start3A_237 = tpu.memref_slice %arg11[%dma_start3A, %dma_start3A_236] : memref<10008x128xf32, #tpu.memory_space<vmem_shared>> -> memref<32x128xf32, #tpu.memory_space<vmem_shared>>
        %dma_start3A_238 = arith.constant 9576 : i32
        %dma_start3A_239 = arith.constant 0 : i32
        %dma_start3A_240 = tpu.memref_slice %arg11[%dma_start3A_238, %dma_start3A_239] : memref<10008x128xf32, #tpu.memory_space<vmem_shared>> -> memref<32x128xf32, #tpu.memory_space<vmem_shared>>
        tpu.enqueue_dma source(%arg8 : memref<32x128xf32, #tpu.memory_space<vmem>>) target(%dma_start3A_240 : memref<32x128xf32, #tpu.memory_space<vmem_shared>>) target_semaphore(%run_scoped3A : memref<!tpu.dma_semaphore, #tpu.memory_space<semaphore_mem>>)
        %dma_wait3A = arith.constant 9576 : i32
        %dma_wait3A_241 = arith.constant 0 : i32
        %dma_wait3A_242 = tpu.memref_slice %arg11[%dma_wait3A, %dma_wait3A_241] : memref<10008x128xf32, #tpu.memory_space<vmem_shared>> -> memref<32x128xf32, #tpu.memory_space<vmem_shared>>
        %dma_wait3A_243 = arith.constant 9576 : i32
        %dma_wait3A_244 = arith.constant 0 : i32
        %dma_wait3A_245 = tpu.memref_slice %arg11[%dma_wait3A_243, %dma_wait3A_244] : memref<10008x128xf32, #tpu.memory_space<vmem_shared>> -> memref<32x128xf32, #tpu.memory_space<vmem_shared>>
        tpu.wait_dma2 semaphore(%run_scoped3A : memref<!tpu.dma_semaphore, #tpu.memory_space<semaphore_mem>>) src(%arg8 : memref<32x128xf32, #tpu.memory_space<vmem>>) dst(%dma_wait3A_245 : memref<32x128xf32, #tpu.memory_space<vmem_shared>>)
        tpu.yield
      }) : () -> ()
      "tpu.region"() ({
        %run_scoped3A = tpu.sem_alloc : memref<!tpu.dma_semaphore, #tpu.memory_space<semaphore_mem>>
        %dma_start3A = arith.constant 9608 : i32
        %dma_start3A_236 = arith.constant 0 : i32
        %dma_start3A_237 = tpu.memref_slice %arg11[%dma_start3A, %dma_start3A_236] : memref<10008x128xf32, #tpu.memory_space<vmem_shared>> -> memref<32x128xf32, #tpu.memory_space<vmem_shared>>
        %dma_start3A_238 = arith.constant 9608 : i32
        %dma_start3A_239 = arith.constant 0 : i32
        %dma_start3A_240 = tpu.memref_slice %arg11[%dma_start3A_238, %dma_start3A_239] : memref<10008x128xf32, #tpu.memory_space<vmem_shared>> -> memref<32x128xf32, #tpu.memory_space<vmem_shared>>
        tpu.enqueue_dma source(%arg8 : memref<32x128xf32, #tpu.memory_space<vmem>>) target(%dma_start3A_240 : memref<32x128xf32, #tpu.memory_space<vmem_shared>>) target_semaphore(%run_scoped3A : memref<!tpu.dma_semaphore, #tpu.memory_space<semaphore_mem>>)
        %dma_wait3A = arith.constant 9608 : i32
        %dma_wait3A_241 = arith.constant 0 : i32
        %dma_wait3A_242 = tpu.memref_slice %arg11[%dma_wait3A, %dma_wait3A_241] : memref<10008x128xf32, #tpu.memory_space<vmem_shared>> -> memref<32x128xf32, #tpu.memory_space<vmem_shared>>
        %dma_wait3A_243 = arith.constant 9608 : i32
        %dma_wait3A_244 = arith.constant 0 : i32
        %dma_wait3A_245 = tpu.memref_slice %arg11[%dma_wait3A_243, %dma_wait3A_244] : memref<10008x128xf32, #tpu.memory_space<vmem_shared>> -> memref<32x128xf32, #tpu.memory_space<vmem_shared>>
        tpu.wait_dma2 semaphore(%run_scoped3A : memref<!tpu.dma_semaphore, #tpu.memory_space<semaphore_mem>>) src(%arg8 : memref<32x128xf32, #tpu.memory_space<vmem>>) dst(%dma_wait3A_245 : memref<32x128xf32, #tpu.memory_space<vmem_shared>>)
        tpu.yield
      }) : () -> ()
      "tpu.region"() ({
        %run_scoped3A = tpu.sem_alloc : memref<!tpu.dma_semaphore, #tpu.memory_space<semaphore_mem>>
        %dma_start3A = arith.constant 9640 : i32
        %dma_start3A_236 = arith.constant 0 : i32
        %dma_start3A_237 = tpu.memref_slice %arg11[%dma_start3A, %dma_start3A_236] : memref<10008x128xf32, #tpu.memory_space<vmem_shared>> -> memref<32x128xf32, #tpu.memory_space<vmem_shared>>
        %dma_start3A_238 = arith.constant 9640 : i32
        %dma_start3A_239 = arith.constant 0 : i32
        %dma_start3A_240 = tpu.memref_slice %arg11[%dma_start3A_238, %dma_start3A_239] : memref<10008x128xf32, #tpu.memory_space<vmem_shared>> -> memref<32x128xf32, #tpu.memory_space<vmem_shared>>
        tpu.enqueue_dma source(%arg8 : memref<32x128xf32, #tpu.memory_space<vmem>>) target(%dma_start3A_240 : memref<32x128xf32, #tpu.memory_space<vmem_shared>>) target_semaphore(%run_scoped3A : memref<!tpu.dma_semaphore, #tpu.memory_space<semaphore_mem>>)
        %dma_wait3A = arith.constant 9640 : i32
        %dma_wait3A_241 = arith.constant 0 : i32
        %dma_wait3A_242 = tpu.memref_slice %arg11[%dma_wait3A, %dma_wait3A_241] : memref<10008x128xf32, #tpu.memory_space<vmem_shared>> -> memref<32x128xf32, #tpu.memory_space<vmem_shared>>
        %dma_wait3A_243 = arith.constant 9640 : i32
        %dma_wait3A_244 = arith.constant 0 : i32
        %dma_wait3A_245 = tpu.memref_slice %arg11[%dma_wait3A_243, %dma_wait3A_244] : memref<10008x128xf32, #tpu.memory_space<vmem_shared>> -> memref<32x128xf32, #tpu.memory_space<vmem_shared>>
        tpu.wait_dma2 semaphore(%run_scoped3A : memref<!tpu.dma_semaphore, #tpu.memory_space<semaphore_mem>>) src(%arg8 : memref<32x128xf32, #tpu.memory_space<vmem>>) dst(%dma_wait3A_245 : memref<32x128xf32, #tpu.memory_space<vmem_shared>>)
        tpu.yield
      }) : () -> ()
      "tpu.region"() ({
        %run_scoped3A = tpu.sem_alloc : memref<!tpu.dma_semaphore, #tpu.memory_space<semaphore_mem>>
        %dma_start3A = arith.constant 9672 : i32
        %dma_start3A_236 = arith.constant 0 : i32
        %dma_start3A_237 = tpu.memref_slice %arg11[%dma_start3A, %dma_start3A_236] : memref<10008x128xf32, #tpu.memory_space<vmem_shared>> -> memref<32x128xf32, #tpu.memory_space<vmem_shared>>
        %dma_start3A_238 = arith.constant 9672 : i32
        %dma_start3A_239 = arith.constant 0 : i32
        %dma_start3A_240 = tpu.memref_slice %arg11[%dma_start3A_238, %dma_start3A_239] : memref<10008x128xf32, #tpu.memory_space<vmem_shared>> -> memref<32x128xf32, #tpu.memory_space<vmem_shared>>
        tpu.enqueue_dma source(%arg8 : memref<32x128xf32, #tpu.memory_space<vmem>>) target(%dma_start3A_240 : memref<32x128xf32, #tpu.memory_space<vmem_shared>>) target_semaphore(%run_scoped3A : memref<!tpu.dma_semaphore, #tpu.memory_space<semaphore_mem>>)
        %dma_wait3A = arith.constant 9672 : i32
        %dma_wait3A_241 = arith.constant 0 : i32
        %dma_wait3A_242 = tpu.memref_slice %arg11[%dma_wait3A, %dma_wait3A_241] : memref<10008x128xf32, #tpu.memory_space<vmem_shared>> -> memref<32x128xf32, #tpu.memory_space<vmem_shared>>
        %dma_wait3A_243 = arith.constant 9672 : i32
        %dma_wait3A_244 = arith.constant 0 : i32
        %dma_wait3A_245 = tpu.memref_slice %arg11[%dma_wait3A_243, %dma_wait3A_244] : memref<10008x128xf32, #tpu.memory_space<vmem_shared>> -> memref<32x128xf32, #tpu.memory_space<vmem_shared>>
        tpu.wait_dma2 semaphore(%run_scoped3A : memref<!tpu.dma_semaphore, #tpu.memory_space<semaphore_mem>>) src(%arg8 : memref<32x128xf32, #tpu.memory_space<vmem>>) dst(%dma_wait3A_245 : memref<32x128xf32, #tpu.memory_space<vmem_shared>>)
        tpu.yield
      }) : () -> ()
      "tpu.region"() ({
        %run_scoped3A = tpu.sem_alloc : memref<!tpu.dma_semaphore, #tpu.memory_space<semaphore_mem>>
        %dma_start3A = arith.constant 9704 : i32
        %dma_start3A_236 = arith.constant 0 : i32
        %dma_start3A_237 = tpu.memref_slice %arg11[%dma_start3A, %dma_start3A_236] : memref<10008x128xf32, #tpu.memory_space<vmem_shared>> -> memref<32x128xf32, #tpu.memory_space<vmem_shared>>
        %dma_start3A_238 = arith.constant 9704 : i32
        %dma_start3A_239 = arith.constant 0 : i32
        %dma_start3A_240 = tpu.memref_slice %arg11[%dma_start3A_238, %dma_start3A_239] : memref<10008x128xf32, #tpu.memory_space<vmem_shared>> -> memref<32x128xf32, #tpu.memory_space<vmem_shared>>
        tpu.enqueue_dma source(%arg8 : memref<32x128xf32, #tpu.memory_space<vmem>>) target(%dma_start3A_240 : memref<32x128xf32, #tpu.memory_space<vmem_shared>>) target_semaphore(%run_scoped3A : memref<!tpu.dma_semaphore, #tpu.memory_space<semaphore_mem>>)
        %dma_wait3A = arith.constant 9704 : i32
        %dma_wait3A_241 = arith.constant 0 : i32
        %dma_wait3A_242 = tpu.memref_slice %arg11[%dma_wait3A, %dma_wait3A_241] : memref<10008x128xf32, #tpu.memory_space<vmem_shared>> -> memref<32x128xf32, #tpu.memory_space<vmem_shared>>
        %dma_wait3A_243 = arith.constant 9704 : i32
        %dma_wait3A_244 = arith.constant 0 : i32
        %dma_wait3A_245 = tpu.memref_slice %arg11[%dma_wait3A_243, %dma_wait3A_244] : memref<10008x128xf32, #tpu.memory_space<vmem_shared>> -> memref<32x128xf32, #tpu.memory_space<vmem_shared>>
        tpu.wait_dma2 semaphore(%run_scoped3A : memref<!tpu.dma_semaphore, #tpu.memory_space<semaphore_mem>>) src(%arg8 : memref<32x128xf32, #tpu.memory_space<vmem>>) dst(%dma_wait3A_245 : memref<32x128xf32, #tpu.memory_space<vmem_shared>>)
        tpu.yield
      }) : () -> ()
      "tpu.region"() ({
        %run_scoped3A = tpu.sem_alloc : memref<!tpu.dma_semaphore, #tpu.memory_space<semaphore_mem>>
        %dma_start3A = arith.constant 9736 : i32
        %dma_start3A_236 = arith.constant 0 : i32
        %dma_start3A_237 = tpu.memref_slice %arg11[%dma_start3A, %dma_start3A_236] : memref<10008x128xf32, #tpu.memory_space<vmem_shared>> -> memref<32x128xf32, #tpu.memory_space<vmem_shared>>
        %dma_start3A_238 = arith.constant 9736 : i32
        %dma_start3A_239 = arith.constant 0 : i32
        %dma_start3A_240 = tpu.memref_slice %arg11[%dma_start3A_238, %dma_start3A_239] : memref<10008x128xf32, #tpu.memory_space<vmem_shared>> -> memref<32x128xf32, #tpu.memory_space<vmem_shared>>
        tpu.enqueue_dma source(%arg8 : memref<32x128xf32, #tpu.memory_space<vmem>>) target(%dma_start3A_240 : memref<32x128xf32, #tpu.memory_space<vmem_shared>>) target_semaphore(%run_scoped3A : memref<!tpu.dma_semaphore, #tpu.memory_space<semaphore_mem>>)
        %dma_wait3A = arith.constant 9736 : i32
        %dma_wait3A_241 = arith.constant 0 : i32
        %dma_wait3A_242 = tpu.memref_slice %arg11[%dma_wait3A, %dma_wait3A_241] : memref<10008x128xf32, #tpu.memory_space<vmem_shared>> -> memref<32x128xf32, #tpu.memory_space<vmem_shared>>
        %dma_wait3A_243 = arith.constant 9736 : i32
        %dma_wait3A_244 = arith.constant 0 : i32
        %dma_wait3A_245 = tpu.memref_slice %arg11[%dma_wait3A_243, %dma_wait3A_244] : memref<10008x128xf32, #tpu.memory_space<vmem_shared>> -> memref<32x128xf32, #tpu.memory_space<vmem_shared>>
        tpu.wait_dma2 semaphore(%run_scoped3A : memref<!tpu.dma_semaphore, #tpu.memory_space<semaphore_mem>>) src(%arg8 : memref<32x128xf32, #tpu.memory_space<vmem>>) dst(%dma_wait3A_245 : memref<32x128xf32, #tpu.memory_space<vmem_shared>>)
        tpu.yield
      }) : () -> ()
      "tpu.region"() ({
        %run_scoped3A = tpu.sem_alloc : memref<!tpu.dma_semaphore, #tpu.memory_space<semaphore_mem>>
        %dma_start3A = arith.constant 9768 : i32
        %dma_start3A_236 = arith.constant 0 : i32
        %dma_start3A_237 = tpu.memref_slice %arg11[%dma_start3A, %dma_start3A_236] : memref<10008x128xf32, #tpu.memory_space<vmem_shared>> -> memref<32x128xf32, #tpu.memory_space<vmem_shared>>
        %dma_start3A_238 = arith.constant 9768 : i32
        %dma_start3A_239 = arith.constant 0 : i32
        %dma_start3A_240 = tpu.memref_slice %arg11[%dma_start3A_238, %dma_start3A_239] : memref<10008x128xf32, #tpu.memory_space<vmem_shared>> -> memref<32x128xf32, #tpu.memory_space<vmem_shared>>
        tpu.enqueue_dma source(%arg8 : memref<32x128xf32, #tpu.memory_space<vmem>>) target(%dma_start3A_240 : memref<32x128xf32, #tpu.memory_space<vmem_shared>>) target_semaphore(%run_scoped3A : memref<!tpu.dma_semaphore, #tpu.memory_space<semaphore_mem>>)
        %dma_wait3A = arith.constant 9768 : i32
        %dma_wait3A_241 = arith.constant 0 : i32
        %dma_wait3A_242 = tpu.memref_slice %arg11[%dma_wait3A, %dma_wait3A_241] : memref<10008x128xf32, #tpu.memory_space<vmem_shared>> -> memref<32x128xf32, #tpu.memory_space<vmem_shared>>
        %dma_wait3A_243 = arith.constant 9768 : i32
        %dma_wait3A_244 = arith.constant 0 : i32
        %dma_wait3A_245 = tpu.memref_slice %arg11[%dma_wait3A_243, %dma_wait3A_244] : memref<10008x128xf32, #tpu.memory_space<vmem_shared>> -> memref<32x128xf32, #tpu.memory_space<vmem_shared>>
        tpu.wait_dma2 semaphore(%run_scoped3A : memref<!tpu.dma_semaphore, #tpu.memory_space<semaphore_mem>>) src(%arg8 : memref<32x128xf32, #tpu.memory_space<vmem>>) dst(%dma_wait3A_245 : memref<32x128xf32, #tpu.memory_space<vmem_shared>>)
        tpu.yield
      }) : () -> ()
      "tpu.region"() ({
        %run_scoped3A = tpu.sem_alloc : memref<!tpu.dma_semaphore, #tpu.memory_space<semaphore_mem>>
        %dma_start3A = arith.constant 9800 : i32
        %dma_start3A_236 = arith.constant 0 : i32
        %dma_start3A_237 = tpu.memref_slice %arg11[%dma_start3A, %dma_start3A_236] : memref<10008x128xf32, #tpu.memory_space<vmem_shared>> -> memref<32x128xf32, #tpu.memory_space<vmem_shared>>
        %dma_start3A_238 = arith.constant 9800 : i32
        %dma_start3A_239 = arith.constant 0 : i32
        %dma_start3A_240 = tpu.memref_slice %arg11[%dma_start3A_238, %dma_start3A_239] : memref<10008x128xf32, #tpu.memory_space<vmem_shared>> -> memref<32x128xf32, #tpu.memory_space<vmem_shared>>
        tpu.enqueue_dma source(%arg8 : memref<32x128xf32, #tpu.memory_space<vmem>>) target(%dma_start3A_240 : memref<32x128xf32, #tpu.memory_space<vmem_shared>>) target_semaphore(%run_scoped3A : memref<!tpu.dma_semaphore, #tpu.memory_space<semaphore_mem>>)
        %dma_wait3A = arith.constant 9800 : i32
        %dma_wait3A_241 = arith.constant 0 : i32
        %dma_wait3A_242 = tpu.memref_slice %arg11[%dma_wait3A, %dma_wait3A_241] : memref<10008x128xf32, #tpu.memory_space<vmem_shared>> -> memref<32x128xf32, #tpu.memory_space<vmem_shared>>
        %dma_wait3A_243 = arith.constant 9800 : i32
        %dma_wait3A_244 = arith.constant 0 : i32
        %dma_wait3A_245 = tpu.memref_slice %arg11[%dma_wait3A_243, %dma_wait3A_244] : memref<10008x128xf32, #tpu.memory_space<vmem_shared>> -> memref<32x128xf32, #tpu.memory_space<vmem_shared>>
        tpu.wait_dma2 semaphore(%run_scoped3A : memref<!tpu.dma_semaphore, #tpu.memory_space<semaphore_mem>>) src(%arg8 : memref<32x128xf32, #tpu.memory_space<vmem>>) dst(%dma_wait3A_245 : memref<32x128xf32, #tpu.memory_space<vmem_shared>>)
        tpu.yield
      }) : () -> ()
      "tpu.region"() ({
        %run_scoped3A = tpu.sem_alloc : memref<!tpu.dma_semaphore, #tpu.memory_space<semaphore_mem>>
        %dma_start3A = arith.constant 9832 : i32
        %dma_start3A_236 = arith.constant 0 : i32
        %dma_start3A_237 = tpu.memref_slice %arg11[%dma_start3A, %dma_start3A_236] : memref<10008x128xf32, #tpu.memory_space<vmem_shared>> -> memref<32x128xf32, #tpu.memory_space<vmem_shared>>
        %dma_start3A_238 = arith.constant 9832 : i32
        %dma_start3A_239 = arith.constant 0 : i32
        %dma_start3A_240 = tpu.memref_slice %arg11[%dma_start3A_238, %dma_start3A_239] : memref<10008x128xf32, #tpu.memory_space<vmem_shared>> -> memref<32x128xf32, #tpu.memory_space<vmem_shared>>
        tpu.enqueue_dma source(%arg8 : memref<32x128xf32, #tpu.memory_space<vmem>>) target(%dma_start3A_240 : memref<32x128xf32, #tpu.memory_space<vmem_shared>>) target_semaphore(%run_scoped3A : memref<!tpu.dma_semaphore, #tpu.memory_space<semaphore_mem>>)
        %dma_wait3A = arith.constant 9832 : i32
        %dma_wait3A_241 = arith.constant 0 : i32
        %dma_wait3A_242 = tpu.memref_slice %arg11[%dma_wait3A, %dma_wait3A_241] : memref<10008x128xf32, #tpu.memory_space<vmem_shared>> -> memref<32x128xf32, #tpu.memory_space<vmem_shared>>
        %dma_wait3A_243 = arith.constant 9832 : i32
        %dma_wait3A_244 = arith.constant 0 : i32
        %dma_wait3A_245 = tpu.memref_slice %arg11[%dma_wait3A_243, %dma_wait3A_244] : memref<10008x128xf32, #tpu.memory_space<vmem_shared>> -> memref<32x128xf32, #tpu.memory_space<vmem_shared>>
        tpu.wait_dma2 semaphore(%run_scoped3A : memref<!tpu.dma_semaphore, #tpu.memory_space<semaphore_mem>>) src(%arg8 : memref<32x128xf32, #tpu.memory_space<vmem>>) dst(%dma_wait3A_245 : memref<32x128xf32, #tpu.memory_space<vmem_shared>>)
        tpu.yield
      }) : () -> ()
      "tpu.region"() ({
        %run_scoped3A = tpu.sem_alloc : memref<!tpu.dma_semaphore, #tpu.memory_space<semaphore_mem>>
        %dma_start3A = arith.constant 9864 : i32
        %dma_start3A_236 = arith.constant 0 : i32
        %dma_start3A_237 = tpu.memref_slice %arg11[%dma_start3A, %dma_start3A_236] : memref<10008x128xf32, #tpu.memory_space<vmem_shared>> -> memref<32x128xf32, #tpu.memory_space<vmem_shared>>
        %dma_start3A_238 = arith.constant 9864 : i32
        %dma_start3A_239 = arith.constant 0 : i32
        %dma_start3A_240 = tpu.memref_slice %arg11[%dma_start3A_238, %dma_start3A_239] : memref<10008x128xf32, #tpu.memory_space<vmem_shared>> -> memref<32x128xf32, #tpu.memory_space<vmem_shared>>
        tpu.enqueue_dma source(%arg8 : memref<32x128xf32, #tpu.memory_space<vmem>>) target(%dma_start3A_240 : memref<32x128xf32, #tpu.memory_space<vmem_shared>>) target_semaphore(%run_scoped3A : memref<!tpu.dma_semaphore, #tpu.memory_space<semaphore_mem>>)
        %dma_wait3A = arith.constant 9864 : i32
        %dma_wait3A_241 = arith.constant 0 : i32
        %dma_wait3A_242 = tpu.memref_slice %arg11[%dma_wait3A, %dma_wait3A_241] : memref<10008x128xf32, #tpu.memory_space<vmem_shared>> -> memref<32x128xf32, #tpu.memory_space<vmem_shared>>
        %dma_wait3A_243 = arith.constant 9864 : i32
        %dma_wait3A_244 = arith.constant 0 : i32
        %dma_wait3A_245 = tpu.memref_slice %arg11[%dma_wait3A_243, %dma_wait3A_244] : memref<10008x128xf32, #tpu.memory_space<vmem_shared>> -> memref<32x128xf32, #tpu.memory_space<vmem_shared>>
        tpu.wait_dma2 semaphore(%run_scoped3A : memref<!tpu.dma_semaphore, #tpu.memory_space<semaphore_mem>>) src(%arg8 : memref<32x128xf32, #tpu.memory_space<vmem>>) dst(%dma_wait3A_245 : memref<32x128xf32, #tpu.memory_space<vmem_shared>>)
        tpu.yield
      }) : () -> ()
      "tpu.region"() ({
        %run_scoped3A = tpu.sem_alloc : memref<!tpu.dma_semaphore, #tpu.memory_space<semaphore_mem>>
        %dma_start3A = arith.constant 9896 : i32
        %dma_start3A_236 = arith.constant 0 : i32
        %dma_start3A_237 = tpu.memref_slice %arg11[%dma_start3A, %dma_start3A_236] : memref<10008x128xf32, #tpu.memory_space<vmem_shared>> -> memref<32x128xf32, #tpu.memory_space<vmem_shared>>
        %dma_start3A_238 = arith.constant 9896 : i32
        %dma_start3A_239 = arith.constant 0 : i32
        %dma_start3A_240 = tpu.memref_slice %arg11[%dma_start3A_238, %dma_start3A_239] : memref<10008x128xf32, #tpu.memory_space<vmem_shared>> -> memref<32x128xf32, #tpu.memory_space<vmem_shared>>
        tpu.enqueue_dma source(%arg8 : memref<32x128xf32, #tpu.memory_space<vmem>>) target(%dma_start3A_240 : memref<32x128xf32, #tpu.memory_space<vmem_shared>>) target_semaphore(%run_scoped3A : memref<!tpu.dma_semaphore, #tpu.memory_space<semaphore_mem>>)
        %dma_wait3A = arith.constant 9896 : i32
        %dma_wait3A_241 = arith.constant 0 : i32
        %dma_wait3A_242 = tpu.memref_slice %arg11[%dma_wait3A, %dma_wait3A_241] : memref<10008x128xf32, #tpu.memory_space<vmem_shared>> -> memref<32x128xf32, #tpu.memory_space<vmem_shared>>
        %dma_wait3A_243 = arith.constant 9896 : i32
        %dma_wait3A_244 = arith.constant 0 : i32
        %dma_wait3A_245 = tpu.memref_slice %arg11[%dma_wait3A_243, %dma_wait3A_244] : memref<10008x128xf32, #tpu.memory_space<vmem_shared>> -> memref<32x128xf32, #tpu.memory_space<vmem_shared>>
        tpu.wait_dma2 semaphore(%run_scoped3A : memref<!tpu.dma_semaphore, #tpu.memory_space<semaphore_mem>>) src(%arg8 : memref<32x128xf32, #tpu.memory_space<vmem>>) dst(%dma_wait3A_245 : memref<32x128xf32, #tpu.memory_space<vmem_shared>>)
        tpu.yield
      }) : () -> ()
      "tpu.region"() ({
        %run_scoped3A = tpu.sem_alloc : memref<!tpu.dma_semaphore, #tpu.memory_space<semaphore_mem>>
        %dma_start3A = arith.constant 9928 : i32
        %dma_start3A_236 = arith.constant 0 : i32
        %dma_start3A_237 = tpu.memref_slice %arg11[%dma_start3A, %dma_start3A_236] : memref<10008x128xf32, #tpu.memory_space<vmem_shared>> -> memref<32x128xf32, #tpu.memory_space<vmem_shared>>
        %dma_start3A_238 = arith.constant 9928 : i32
        %dma_start3A_239 = arith.constant 0 : i32
        %dma_start3A_240 = tpu.memref_slice %arg11[%dma_start3A_238, %dma_start3A_239] : memref<10008x128xf32, #tpu.memory_space<vmem_shared>> -> memref<32x128xf32, #tpu.memory_space<vmem_shared>>
        tpu.enqueue_dma source(%arg8 : memref<32x128xf32, #tpu.memory_space<vmem>>) target(%dma_start3A_240 : memref<32x128xf32, #tpu.memory_space<vmem_shared>>) target_semaphore(%run_scoped3A : memref<!tpu.dma_semaphore, #tpu.memory_space<semaphore_mem>>)
        %dma_wait3A = arith.constant 9928 : i32
        %dma_wait3A_241 = arith.constant 0 : i32
        %dma_wait3A_242 = tpu.memref_slice %arg11[%dma_wait3A, %dma_wait3A_241] : memref<10008x128xf32, #tpu.memory_space<vmem_shared>> -> memref<32x128xf32, #tpu.memory_space<vmem_shared>>
        %dma_wait3A_243 = arith.constant 9928 : i32
        %dma_wait3A_244 = arith.constant 0 : i32
        %dma_wait3A_245 = tpu.memref_slice %arg11[%dma_wait3A_243, %dma_wait3A_244] : memref<10008x128xf32, #tpu.memory_space<vmem_shared>> -> memref<32x128xf32, #tpu.memory_space<vmem_shared>>
        tpu.wait_dma2 semaphore(%run_scoped3A : memref<!tpu.dma_semaphore, #tpu.memory_space<semaphore_mem>>) src(%arg8 : memref<32x128xf32, #tpu.memory_space<vmem>>) dst(%dma_wait3A_245 : memref<32x128xf32, #tpu.memory_space<vmem_shared>>)
        tpu.yield
      }) : () -> ()
      "tpu.region"() ({
        %run_scoped3A = tpu.sem_alloc : memref<!tpu.dma_semaphore, #tpu.memory_space<semaphore_mem>>
        %dma_start3A = arith.constant 9960 : i32
        %dma_start3A_236 = arith.constant 0 : i32
        %dma_start3A_237 = tpu.memref_slice %arg11[%dma_start3A, %dma_start3A_236] : memref<10008x128xf32, #tpu.memory_space<vmem_shared>> -> memref<32x128xf32, #tpu.memory_space<vmem_shared>>
        %dma_start3A_238 = arith.constant 9960 : i32
        %dma_start3A_239 = arith.constant 0 : i32
        %dma_start3A_240 = tpu.memref_slice %arg11[%dma_start3A_238, %dma_start3A_239] : memref<10008x128xf32, #tpu.memory_space<vmem_shared>> -> memref<32x128xf32, #tpu.memory_space<vmem_shared>>
        tpu.enqueue_dma source(%arg8 : memref<32x128xf32, #tpu.memory_space<vmem>>) target(%dma_start3A_240 : memref<32x128xf32, #tpu.memory_space<vmem_shared>>) target_semaphore(%run_scoped3A : memref<!tpu.dma_semaphore, #tpu.memory_space<semaphore_mem>>)
        %dma_wait3A = arith.constant 9960 : i32
        %dma_wait3A_241 = arith.constant 0 : i32
        %dma_wait3A_242 = tpu.memref_slice %arg11[%dma_wait3A, %dma_wait3A_241] : memref<10008x128xf32, #tpu.memory_space<vmem_shared>> -> memref<32x128xf32, #tpu.memory_space<vmem_shared>>
        %dma_wait3A_243 = arith.constant 9960 : i32
        %dma_wait3A_244 = arith.constant 0 : i32
        %dma_wait3A_245 = tpu.memref_slice %arg11[%dma_wait3A_243, %dma_wait3A_244] : memref<10008x128xf32, #tpu.memory_space<vmem_shared>> -> memref<32x128xf32, #tpu.memory_space<vmem_shared>>
        tpu.wait_dma2 semaphore(%run_scoped3A : memref<!tpu.dma_semaphore, #tpu.memory_space<semaphore_mem>>) src(%arg8 : memref<32x128xf32, #tpu.memory_space<vmem>>) dst(%dma_wait3A_245 : memref<32x128xf32, #tpu.memory_space<vmem_shared>>)
        tpu.yield
      }) : () -> ()
      "tpu.region"() ({
        %run_scoped3A = tpu.sem_alloc : memref<!tpu.dma_semaphore, #tpu.memory_space<semaphore_mem>>
        %dma_start3A = arith.constant 0 : i32
        %dma_start3A_236 = arith.constant 0 : i32
        %dma_start3A_237 = tpu.memref_slice %arg8[%dma_start3A, %dma_start3A_236] : memref<32x128xf32, #tpu.memory_space<vmem>> -> memref<8x128xf32, #tpu.memory_space<vmem>>
        %dma_start3A_238 = arith.constant 9992 : i32
        %dma_start3A_239 = arith.constant 0 : i32
        %dma_start3A_240 = tpu.memref_slice %arg11[%dma_start3A_238, %dma_start3A_239] : memref<10008x128xf32, #tpu.memory_space<vmem_shared>> -> memref<8x128xf32, #tpu.memory_space<vmem_shared>>
        %dma_start3A_241 = arith.constant 9992 : i32
        %dma_start3A_242 = arith.constant 0 : i32
        %dma_start3A_243 = tpu.memref_slice %arg11[%dma_start3A_241, %dma_start3A_242] : memref<10008x128xf32, #tpu.memory_space<vmem_shared>> -> memref<8x128xf32, #tpu.memory_space<vmem_shared>>
        %dma_start3A_244 = arith.constant 0 : i32
        %dma_start3A_245 = arith.constant 0 : i32
        %dma_start3A_246 = tpu.memref_slice %arg8[%dma_start3A_244, %dma_start3A_245] : memref<32x128xf32, #tpu.memory_space<vmem>> -> memref<8x128xf32, #tpu.memory_space<vmem>>
        tpu.enqueue_dma source(%dma_start3A_246 : memref<8x128xf32, #tpu.memory_space<vmem>>) target(%dma_start3A_243 : memref<8x128xf32, #tpu.memory_space<vmem_shared>>) target_semaphore(%run_scoped3A : memref<!tpu.dma_semaphore, #tpu.memory_space<semaphore_mem>>)
        %dma_wait3A = arith.constant 0 : i32
        %dma_wait3A_247 = arith.constant 0 : i32
        %dma_wait3A_248 = tpu.memref_slice %arg8[%dma_wait3A, %dma_wait3A_247] : memref<32x128xf32, #tpu.memory_space<vmem>> -> memref<8x128xf32, #tpu.memory_space<vmem>>
        %dma_wait3A_249 = arith.constant 9992 : i32
        %dma_wait3A_250 = arith.constant 0 : i32
        %dma_wait3A_251 = tpu.memref_slice %arg11[%dma_wait3A_249, %dma_wait3A_250] : memref<10008x128xf32, #tpu.memory_space<vmem_shared>> -> memref<8x128xf32, #tpu.memory_space<vmem_shared>>
        %dma_wait3A_252 = arith.constant 9992 : i32
        %dma_wait3A_253 = arith.constant 0 : i32
        %dma_wait3A_254 = tpu.memref_slice %arg11[%dma_wait3A_252, %dma_wait3A_253] : memref<10008x128xf32, #tpu.memory_space<vmem_shared>> -> memref<8x128xf32, #tpu.memory_space<vmem_shared>>
        %dma_wait3A_255 = arith.constant 0 : i32
        %dma_wait3A_256 = arith.constant 0 : i32
        %dma_wait3A_257 = tpu.memref_slice %arg8[%dma_wait3A_255, %dma_wait3A_256] : memref<32x128xf32, #tpu.memory_space<vmem>> -> memref<8x128xf32, #tpu.memory_space<vmem>>
        tpu.wait_dma2 semaphore(%run_scoped3A : memref<!tpu.dma_semaphore, #tpu.memory_space<semaphore_mem>>) src(%dma_wait3A_257 : memref<8x128xf32, #tpu.memory_space<vmem>>) dst(%dma_wait3A_254 : memref<8x128xf32, #tpu.memory_space<vmem_shared>>)
        tpu.yield
      }) : () -> ()
    } else {
    }
    %barrier3A = arith.constant 0 : index
    tpu.barrier barrier_id(%barrier3A)
    %scan3A_219 = arith.constant 0 : i32
    %scan3A_220 = arith.constant 0 : i32
    %scan3A_221 = arith.constant 80 : i32
    %scan3A_222 = arith.addi %scan3A_220, %scan3A_221 : i32
    %scan3A_223 = arith.constant 1 : i32
    scf.for %scan3A_236 = %scan3A_220 to %scan3A_222 step %scan3A_223  : i32 {
      %jit3A = arith.constant 40 : i32
      %div3A = arith.divsi %scan3A_236, %jit3A : i32
      %sign3A = arith.constant 0 : i32
      %sign3A_237 = arith.cmpi sgt, %scan3A_236, %sign3A : i32
      %sign3A_238 = arith.extui %sign3A_237 : i1 to i32
      %sign3A_239 = arith.constant 0 : i32
      %sign3A_240 = arith.cmpi slt, %scan3A_236, %sign3A_239 : i32
      %sign3A_241 = arith.extui %sign3A_240 : i1 to i32
      %sign3A_242 = arith.subi %sign3A_238, %sign3A_241 : i32
      %sign3A_243 = arith.constant 0 : i32
      %sign3A_244 = arith.cmpi sgt, %jit3A, %sign3A_243 : i32
      %sign3A_245 = arith.extui %sign3A_244 : i1 to i32
      %sign3A_246 = arith.constant 0 : i32
      %sign3A_247 = arith.cmpi slt, %jit3A, %sign3A_246 : i32
      %sign3A_248 = arith.extui %sign3A_247 : i1 to i32
      %sign3A_249 = arith.subi %sign3A_245, %sign3A_248 : i32
      %ne3A = arith.cmpi ne, %sign3A_242, %sign3A_249 : i32
      %rem3A = arith.remsi %scan3A_236, %jit3A : i32
      %ne3A_250 = arith.constant 0 : i32
      %ne3A_251 = arith.cmpi ne, %rem3A, %ne3A_250 : i32
      %and3A_252 = arith.andi %ne3A, %ne3A_251 : i1
      %sub3A = arith.constant 1 : i32
      %sub3A_253 = arith.subi %div3A, %sub3A : i32
      %select_n3A = arith.select %and3A_252, %sub3A_253, %div3A : i32
      %mul3A_254 = arith.constant 16 : i32
      %mul3A_255 = arith.muli %mul3A_254, %select_n3A : i32
      %add3A_256 = arith.addi %arg1, %mul3A_255 : i32
      %jit3A_257 = arith.constant 40 : i32
      %eq3A_258 = arith.constant 0 : i32
      %eq3A_259 = arith.cmpi eq, %jit3A_257, %eq3A_258 : i32
      %jit3A_260 = arith.constant 1 : i32
      %select_n3A_261 = arith.select %eq3A_259, %jit3A_260, %jit3A_257 : i32
      %rem3A_262 = arith.remsi %scan3A_236, %select_n3A_261 : i32
      %ne3A_263 = arith.constant 0 : i32
      %ne3A_264 = arith.cmpi ne, %rem3A_262, %ne3A_263 : i32
      %lt3A_265 = arith.constant 0 : i32
      %lt3A_266 = arith.cmpi slt, %rem3A_262, %lt3A_265 : i32
      %lt3A_267 = arith.constant 0 : i32
      %lt3A_268 = arith.cmpi slt, %select_n3A_261, %lt3A_267 : i32
      %ne3A_269 = arith.xori %lt3A_266, %lt3A_268 : i1
      %and3A_270 = arith.andi %ne3A_269, %ne3A_264 : i1
      %add3A_271 = arith.addi %rem3A_262, %select_n3A_261 : i32
      %select_n3A_272 = arith.select %and3A_270, %add3A_271, %rem3A_262 : i32
      %dma_start3A = arith.constant 0 : i32
      %dma_start3A_273 = arith.constant 0 : i32
      %dma_start3A_274 = tpu.memref_slice %arg3[%add3A_256, %select_n3A_272, %dma_start3A, %dma_start3A_273] : memref<32x40x2x128xi32, #tpu.memory_space<hbm>> -> memref<1x1x2x128xi32, #tpu.memory_space<hbm>>
      %dma_start3A_275 = tpu.memref_squeeze %dma_start3A_274 : memref<1x1x2x128xi32, #tpu.memory_space<hbm>> -> memref<2x128xi32, #tpu.memory_space<hbm>>
      %dma_start3A_276 = arith.constant 0 : i32
      %dma_start3A_277 = arith.constant 0 : i32
      %dma_start3A_278 = tpu.memref_slice %arg3[%add3A_256, %select_n3A_272, %dma_start3A_276, %dma_start3A_277] : memref<32x40x2x128xi32, #tpu.memory_space<hbm>> -> memref<1x1x2x128xi32, #tpu.memory_space<hbm>>
      %dma_start3A_279 = tpu.memref_squeeze %dma_start3A_278 : memref<1x1x2x128xi32, #tpu.memory_space<hbm>> -> memref<2x128xi32, #tpu.memory_space<hbm>>
      tpu.enqueue_dma source(%dma_start3A_279 : memref<2x128xi32, #tpu.memory_space<hbm>>) target(%arg6 : memref<2x128xi32, #tpu.memory_space<vmem>>) target_semaphore(%arg14 : memref<!tpu.dma_semaphore, #tpu.memory_space<semaphore_mem>>)
      %dma_start3A_280 = arith.constant 0 : i32
      %dma_start3A_281 = arith.constant 0 : i32
      %dma_start3A_282 = tpu.memref_slice %arg4[%add3A_256, %select_n3A_272, %dma_start3A_280, %dma_start3A_281] : memref<32x40x8x32xi32, #tpu.memory_space<hbm>> -> memref<1x1x8x32xi32, #tpu.memory_space<hbm>>
      %dma_start3A_283 = tpu.memref_squeeze %dma_start3A_282 : memref<1x1x8x32xi32, #tpu.memory_space<hbm>> -> memref<8x32xi32, #tpu.memory_space<hbm>>
      %dma_start3A_284 = arith.constant 0 : i32
      %dma_start3A_285 = arith.constant 0 : i32
      %dma_start3A_286 = tpu.memref_slice %arg4[%add3A_256, %select_n3A_272, %dma_start3A_284, %dma_start3A_285] : memref<32x40x8x32xi32, #tpu.memory_space<hbm>> -> memref<1x1x8x32xi32, #tpu.memory_space<hbm>>
      %dma_start3A_287 = tpu.memref_squeeze %dma_start3A_286 : memref<1x1x8x32xi32, #tpu.memory_space<hbm>> -> memref<8x32xi32, #tpu.memory_space<hbm>>
      tpu.enqueue_dma source(%dma_start3A_287 : memref<8x32xi32, #tpu.memory_space<hbm>>) target(%arg7 : memref<8x32xi32, #tpu.memory_space<vmem>>) target_semaphore(%arg15 : memref<!tpu.dma_semaphore, #tpu.memory_space<semaphore_mem>>)
      %dma_wait3A = arith.constant 0 : i32
      %dma_wait3A_288 = arith.constant 0 : i32
      %dma_wait3A_289 = tpu.memref_slice %arg3[%add3A_256, %select_n3A_272, %dma_wait3A, %dma_wait3A_288] : memref<32x40x2x128xi32, #tpu.memory_space<hbm>> -> memref<1x1x2x128xi32, #tpu.memory_space<hbm>>
      %dma_wait3A_290 = tpu.memref_squeeze %dma_wait3A_289 : memref<1x1x2x128xi32, #tpu.memory_space<hbm>> -> memref<2x128xi32, #tpu.memory_space<hbm>>
      %dma_wait3A_291 = arith.constant 0 : i32
      %dma_wait3A_292 = arith.constant 0 : i32
      %dma_wait3A_293 = tpu.memref_slice %arg3[%add3A_256, %select_n3A_272, %dma_wait3A_291, %dma_wait3A_292] : memref<32x40x2x128xi32, #tpu.memory_space<hbm>> -> memref<1x1x2x128xi32, #tpu.memory_space<hbm>>
      %dma_wait3A_294 = tpu.memref_squeeze %dma_wait3A_293 : memref<1x1x2x128xi32, #tpu.memory_space<hbm>> -> memref<2x128xi32, #tpu.memory_space<hbm>>
      tpu.wait_dma2 semaphore(%arg14 : memref<!tpu.dma_semaphore, #tpu.memory_space<semaphore_mem>>) src(%dma_wait3A_294 : memref<2x128xi32, #tpu.memory_space<hbm>>) dst(%arg6 : memref<2x128xi32, #tpu.memory_space<vmem>>)
      %dma_wait3A_295 = arith.constant 0 : i32
      %dma_wait3A_296 = arith.constant 0 : i32
      %dma_wait3A_297 = tpu.memref_slice %arg4[%add3A_256, %select_n3A_272, %dma_wait3A_295, %dma_wait3A_296] : memref<32x40x8x32xi32, #tpu.memory_space<hbm>> -> memref<1x1x8x32xi32, #tpu.memory_space<hbm>>
      %dma_wait3A_298 = tpu.memref_squeeze %dma_wait3A_297 : memref<1x1x8x32xi32, #tpu.memory_space<hbm>> -> memref<8x32xi32, #tpu.memory_space<hbm>>
      %dma_wait3A_299 = arith.constant 0 : i32
      %dma_wait3A_300 = arith.constant 0 : i32
      %dma_wait3A_301 = tpu.memref_slice %arg4[%add3A_256, %select_n3A_272, %dma_wait3A_299, %dma_wait3A_300] : memref<32x40x8x32xi32, #tpu.memory_space<hbm>> -> memref<1x1x8x32xi32, #tpu.memory_space<hbm>>
      %dma_wait3A_302 = tpu.memref_squeeze %dma_wait3A_301 : memref<1x1x8x32xi32, #tpu.memory_space<hbm>> -> memref<8x32xi32, #tpu.memory_space<hbm>>
      tpu.wait_dma2 semaphore(%arg15 : memref<!tpu.dma_semaphore, #tpu.memory_space<semaphore_mem>>) src(%dma_wait3A_302 : memref<8x32xi32, #tpu.memory_space<hbm>>) dst(%arg7 : memref<8x32xi32, #tpu.memory_space<vmem>>)
      %scan3A_303 = arith.constant 0 : i32
      %scan3A_304 = arith.constant 0 : i32
      %scan3A_305 = arith.constant 4 : i32
      %scan3A_306 = arith.addi %scan3A_304, %scan3A_305 : i32
      %scan3A_307 = arith.constant 1 : i32
      scf.for %scan3A_335 = %scan3A_304 to %scan3A_306 step %scan3A_307  : i32 {
        %jit3A_336 = arith.constant 8 : i32
        %div3A_337 = arith.divsi %scan3A_335, %jit3A_336 : i32
        %sign3A_338 = arith.constant 0 : i32
        %sign3A_339 = arith.cmpi sgt, %scan3A_335, %sign3A_338 : i32
        %sign3A_340 = arith.extui %sign3A_339 : i1 to i32
        %sign3A_341 = arith.constant 0 : i32
        %sign3A_342 = arith.cmpi slt, %scan3A_335, %sign3A_341 : i32
        %sign3A_343 = arith.extui %sign3A_342 : i1 to i32
        %sign3A_344 = arith.subi %sign3A_340, %sign3A_343 : i32
        %sign3A_345 = arith.constant 0 : i32
        %sign3A_346 = arith.cmpi sgt, %jit3A_336, %sign3A_345 : i32
        %sign3A_347 = arith.extui %sign3A_346 : i1 to i32
        %sign3A_348 = arith.constant 0 : i32
        %sign3A_349 = arith.cmpi slt, %jit3A_336, %sign3A_348 : i32
        %sign3A_350 = arith.extui %sign3A_349 : i1 to i32
        %sign3A_351 = arith.subi %sign3A_347, %sign3A_350 : i32
        %ne3A_352 = arith.cmpi ne, %sign3A_344, %sign3A_351 : i32
        %rem3A_353 = arith.remsi %scan3A_335, %jit3A_336 : i32
        %ne3A_354 = arith.constant 0 : i32
        %ne3A_355 = arith.cmpi ne, %rem3A_353, %ne3A_354 : i32
        %and3A_356 = arith.andi %ne3A_352, %ne3A_355 : i1
        %sub3A_357 = arith.constant 1 : i32
        %sub3A_358 = arith.subi %div3A_337, %sub3A_357 : i32
        %select_n3A_359 = arith.select %and3A_356, %sub3A_358, %div3A_337 : i32
        %jit3A_360 = arith.constant 8 : i32
        %eq3A_361 = arith.constant 0 : i32
        %eq3A_362 = arith.cmpi eq, %jit3A_360, %eq3A_361 : i32
        %jit3A_363 = arith.constant 1 : i32
        %select_n3A_364 = arith.select %eq3A_362, %jit3A_363, %jit3A_360 : i32
        %rem3A_365 = arith.remsi %scan3A_335, %select_n3A_364 : i32
        %ne3A_366 = arith.constant 0 : i32
        %ne3A_367 = arith.cmpi ne, %rem3A_365, %ne3A_366 : i32
        %lt3A_368 = arith.constant 0 : i32
        %lt3A_369 = arith.cmpi slt, %rem3A_365, %lt3A_368 : i32
        %lt3A_370 = arith.constant 0 : i32
        %lt3A_371 = arith.cmpi slt, %select_n3A_364, %lt3A_370 : i32
        %ne3A_372 = arith.xori %lt3A_369, %lt3A_371 : i1
        %and3A_373 = arith.andi %ne3A_372, %ne3A_367 : i1
        %add3A_374 = arith.addi %rem3A_365, %select_n3A_364 : i32
        %select_n3A_375 = arith.select %and3A_373, %add3A_374, %rem3A_365 : i32
        %mul3A_376 = arith.constant 16 : i32
        %mul3A_377 = arith.muli %mul3A_376, %select_n3A_375 : i32
        %get3A = arith.index_cast %select_n3A_359 : i32 to index
        %get3A_378 = arith.index_cast %mul3A_377 : i32 to index
        %get3A_379 = tpu.vector_load %arg6[%get3A, %get3A_378] {strides = array<i32>} : memref<2x128xi32, #tpu.memory_space<vmem>>, vector<1x16xi32>,
        %get3A_380 = vector.shape_cast %get3A_379 : vector<1x16xi32> to vector<16xi32>
        %jit3A_381 = arith.constant 2 : i32
        %div3A_382 = arith.divsi %scan3A_335, %jit3A_381 : i32
        %sign3A_383 = arith.constant 0 : i32
        %sign3A_384 = arith.cmpi sgt, %scan3A_335, %sign3A_383 : i32
        %sign3A_385 = arith.extui %sign3A_384 : i1 to i32
        %sign3A_386 = arith.constant 0 : i32
        %sign3A_387 = arith.cmpi slt, %scan3A_335, %sign3A_386 : i32
        %sign3A_388 = arith.extui %sign3A_387 : i1 to i32
        %sign3A_389 = arith.subi %sign3A_385, %sign3A_388 : i32
        %sign3A_390 = arith.constant 0 : i32
        %sign3A_391 = arith.cmpi sgt, %jit3A_381, %sign3A_390 : i32
        %sign3A_392 = arith.extui %sign3A_391 : i1 to i32
        %sign3A_393 = arith.constant 0 : i32
        %sign3A_394 = arith.cmpi slt, %jit3A_381, %sign3A_393 : i32
        %sign3A_395 = arith.extui %sign3A_394 : i1 to i32
        %sign3A_396 = arith.subi %sign3A_392, %sign3A_395 : i32
        %ne3A_397 = arith.cmpi ne, %sign3A_389, %sign3A_396 : i32
        %rem3A_398 = arith.remsi %scan3A_335, %jit3A_381 : i32
        %ne3A_399 = arith.constant 0 : i32
        %ne3A_400 = arith.cmpi ne, %rem3A_398, %ne3A_399 : i32
        %and3A_401 = arith.andi %ne3A_397, %ne3A_400 : i1
        %sub3A_402 = arith.constant 1 : i32
        %sub3A_403 = arith.subi %div3A_382, %sub3A_402 : i32
        %select_n3A_404 = arith.select %and3A_401, %sub3A_403, %div3A_382 : i32
        %jit3A_405 = arith.constant 2 : i32
        %eq3A_406 = arith.constant 0 : i32
        %eq3A_407 = arith.cmpi eq, %jit3A_405, %eq3A_406 : i32
        %jit3A_408 = arith.constant 1 : i32
        %select_n3A_409 = arith.select %eq3A_407, %jit3A_408, %jit3A_405 : i32
        %rem3A_410 = arith.remsi %scan3A_335, %select_n3A_409 : i32
        %ne3A_411 = arith.constant 0 : i32
        %ne3A_412 = arith.cmpi ne, %rem3A_410, %ne3A_411 : i32
        %lt3A_413 = arith.constant 0 : i32
        %lt3A_414 = arith.cmpi slt, %rem3A_410, %lt3A_413 : i32
        %lt3A_415 = arith.constant 0 : i32
        %lt3A_416 = arith.cmpi slt, %select_n3A_409, %lt3A_415 : i32
        %ne3A_417 = arith.xori %lt3A_414, %lt3A_416 : i1
        %and3A_418 = arith.andi %ne3A_417, %ne3A_412 : i1
        %add3A_419 = arith.addi %rem3A_410, %select_n3A_409 : i32
        %select_n3A_420 = arith.select %and3A_418, %add3A_419, %rem3A_410 : i32
        %mul3A_421 = arith.constant 16 : i32
        %mul3A_422 = arith.muli %mul3A_421, %select_n3A_420 : i32
        %get3A_423 = arith.index_cast %select_n3A_404 : i32 to index
        %get3A_424 = arith.index_cast %mul3A_422 : i32 to index
        %get3A_425 = tpu.vector_load %arg7[%get3A_423, %get3A_424] {strides = array<i32>} : memref<8x32xi32, #tpu.memory_space<vmem>>, vector<1x16xi32>,
        %get3A_426 = vector.shape_cast %get3A_425 : vector<1x16xi32> to vector<16xi32>
        %sub3A_427 = vector.broadcast %mul3A_0 : i32 to vector<16xi32>
        %sub3A_428 = arith.subi %get3A_380, %sub3A_427 : vector<16xi32>
        %ge3A = arith.constant 0 : i32
        %ge3A_429 = vector.broadcast %ge3A : i32 to vector<16xi32>
        %ge3A_430 = arith.cmpi sge, %sub3A_428, %ge3A_429 : vector<16xi32>
        %lt3A_431 = arith.constant 5120 : i32
        %lt3A_432 = vector.broadcast %lt3A_431 : i32 to vector<16xi32>
        %lt3A_433 = arith.cmpi slt, %sub3A_428, %lt3A_432 : vector<16xi32>
        %and3A_434 = arith.andi %ge3A_430, %lt3A_433 : vector<16xi1>
        %jit3A_435 = arith.constant 0 : i32
        %broadcast_in_dim3A_436 = vector.broadcast %jit3A_435 : i32 to vector<16xi32>
        %select_n3A_437 = arith.select %and3A_434, %sub3A_428, %broadcast_in_dim3A_436 : vector<16xi1>, vector<16xi32>
        %jit3A_438 = arith.constant 8 : i32
        %div3A_439 = arith.divsi %scan3A_335, %jit3A_438 : i32
        %sign3A_440 = arith.constant 0 : i32
        %sign3A_441 = arith.cmpi sgt, %scan3A_335, %sign3A_440 : i32
        %sign3A_442 = arith.extui %sign3A_441 : i1 to i32
        %sign3A_443 = arith.constant 0 : i32
        %sign3A_444 = arith.cmpi slt, %scan3A_335, %sign3A_443 : i32
        %sign3A_445 = arith.extui %sign3A_444 : i1 to i32
        %sign3A_446 = arith.subi %sign3A_442, %sign3A_445 : i32
        %sign3A_447 = arith.constant 0 : i32
        %sign3A_448 = arith.cmpi sgt, %jit3A_438, %sign3A_447 : i32
        %sign3A_449 = arith.extui %sign3A_448 : i1 to i32
        %sign3A_450 = arith.constant 0 : i32
        %sign3A_451 = arith.cmpi slt, %jit3A_438, %sign3A_450 : i32
        %sign3A_452 = arith.extui %sign3A_451 : i1 to i32
        %sign3A_453 = arith.subi %sign3A_449, %sign3A_452 : i32
        %ne3A_454 = arith.cmpi ne, %sign3A_446, %sign3A_453 : i32
        %rem3A_455 = arith.remsi %scan3A_335, %jit3A_438 : i32
        %ne3A_456 = arith.constant 0 : i32
        %ne3A_457 = arith.cmpi ne, %rem3A_455, %ne3A_456 : i32
        %and3A_458 = arith.andi %ne3A_454, %ne3A_457 : i1
        %sub3A_459 = arith.constant 1 : i32
        %sub3A_460 = arith.subi %div3A_439, %sub3A_459 : i32
        %select_n3A_461 = arith.select %and3A_458, %sub3A_460, %div3A_439 : i32
        %jit3A_462 = arith.constant 8 : i32
        %eq3A_463 = arith.constant 0 : i32
        %eq3A_464 = arith.cmpi eq, %jit3A_462, %eq3A_463 : i32
        %jit3A_465 = arith.constant 1 : i32
        %select_n3A_466 = arith.select %eq3A_464, %jit3A_465, %jit3A_462 : i32
        %rem3A_467 = arith.remsi %scan3A_335, %select_n3A_466 : i32
        %ne3A_468 = arith.constant 0 : i32
        %ne3A_469 = arith.cmpi ne, %rem3A_467, %ne3A_468 : i32
        %lt3A_470 = arith.constant 0 : i32
        %lt3A_471 = arith.cmpi slt, %rem3A_467, %lt3A_470 : i32
        %lt3A_472 = arith.constant 0 : i32
        %lt3A_473 = arith.cmpi slt, %select_n3A_466, %lt3A_472 : i32
        %ne3A_474 = arith.xori %lt3A_471, %lt3A_473 : i1
        %and3A_475 = arith.andi %ne3A_474, %ne3A_469 : i1
        %add3A_476 = arith.addi %rem3A_467, %select_n3A_466 : i32
        %select_n3A_477 = arith.select %and3A_475, %add3A_476, %rem3A_467 : i32
        %mul3A_478 = arith.constant 16 : i32
        %mul3A_479 = arith.muli %mul3A_478, %select_n3A_477 : i32
        %swap3A = arith.index_cast %select_n3A_461 : i32 to index
        %swap3A_480 = arith.index_cast %mul3A_479 : i32 to index
        %swap3A_481 = tpu.vector_load %arg6[%swap3A, %swap3A_480] {strides = array<i32>} : memref<2x128xi32, #tpu.memory_space<vmem>>, vector<1x16xi32>,
        %swap3A_482 = vector.shape_cast %swap3A_481 : vector<1x16xi32> to vector<16xi32>
        %swap3A_483 = vector.shape_cast %select_n3A_437 : vector<16xi32> to vector<1x16xi32>
        tpu.vector_store %arg6[%swap3A, %swap3A_480], %swap3A_483 {strides = array<i32>} : memref<2x128xi32, #tpu.memory_space<vmem>>, vector<1x16xi32>,
        %jit3A_484 = arith.constant 10000 : i32
        %broadcast_in_dim3A_485 = vector.broadcast %jit3A_484 : i32 to vector<16xi32>
        %select_n3A_486 = arith.select %and3A_434, %get3A_426, %broadcast_in_dim3A_485 : vector<16xi1>, vector<16xi32>
        %jit3A_487 = arith.constant 2 : i32
        %div3A_488 = arith.divsi %scan3A_335, %jit3A_487 : i32
        %sign3A_489 = arith.constant 0 : i32
        %sign3A_490 = arith.cmpi sgt, %scan3A_335, %sign3A_489 : i32
        %sign3A_491 = arith.extui %sign3A_490 : i1 to i32
        %sign3A_492 = arith.constant 0 : i32
        %sign3A_493 = arith.cmpi slt, %scan3A_335, %sign3A_492 : i32
        %sign3A_494 = arith.extui %sign3A_493 : i1 to i32
        %sign3A_495 = arith.subi %sign3A_491, %sign3A_494 : i32
        %sign3A_496 = arith.constant 0 : i32
        %sign3A_497 = arith.cmpi sgt, %jit3A_487, %sign3A_496 : i32
        %sign3A_498 = arith.extui %sign3A_497 : i1 to i32
        %sign3A_499 = arith.constant 0 : i32
        %sign3A_500 = arith.cmpi slt, %jit3A_487, %sign3A_499 : i32
        %sign3A_501 = arith.extui %sign3A_500 : i1 to i32
        %sign3A_502 = arith.subi %sign3A_498, %sign3A_501 : i32
        %ne3A_503 = arith.cmpi ne, %sign3A_495, %sign3A_502 : i32
        %rem3A_504 = arith.remsi %scan3A_335, %jit3A_487 : i32
        %ne3A_505 = arith.constant 0 : i32
        %ne3A_506 = arith.cmpi ne, %rem3A_504, %ne3A_505 : i32
        %and3A_507 = arith.andi %ne3A_503, %ne3A_506 : i1
        %sub3A_508 = arith.constant 1 : i32
        %sub3A_509 = arith.subi %div3A_488, %sub3A_508 : i32
        %select_n3A_510 = arith.select %and3A_507, %sub3A_509, %div3A_488 : i32
        %jit3A_511 = arith.constant 2 : i32
        %eq3A_512 = arith.constant 0 : i32
        %eq3A_513 = arith.cmpi eq, %jit3A_511, %eq3A_512 : i32
        %jit3A_514 = arith.constant 1 : i32
        %select_n3A_515 = arith.select %eq3A_513, %jit3A_514, %jit3A_511 : i32
        %rem3A_516 = arith.remsi %scan3A_335, %select_n3A_515 : i32
        %ne3A_517 = arith.constant 0 : i32
        %ne3A_518 = arith.cmpi ne, %rem3A_516, %ne3A_517 : i32
        %lt3A_519 = arith.constant 0 : i32
        %lt3A_520 = arith.cmpi slt, %rem3A_516, %lt3A_519 : i32
        %lt3A_521 = arith.constant 0 : i32
        %lt3A_522 = arith.cmpi slt, %select_n3A_515, %lt3A_521 : i32
        %ne3A_523 = arith.xori %lt3A_520, %lt3A_522 : i1
        %and3A_524 = arith.andi %ne3A_523, %ne3A_518 : i1
        %add3A_525 = arith.addi %rem3A_516, %select_n3A_515 : i32
        %select_n3A_526 = arith.select %and3A_524, %add3A_525, %rem3A_516 : i32
        %mul3A_527 = arith.constant 16 : i32
        %mul3A_528 = arith.muli %mul3A_527, %select_n3A_526 : i32
        %swap3A_529 = arith.index_cast %select_n3A_510 : i32 to index
        %swap3A_530 = arith.index_cast %mul3A_528 : i32 to index
        %swap3A_531 = tpu.vector_load %arg7[%swap3A_529, %swap3A_530] {strides = array<i32>} : memref<8x32xi32, #tpu.memory_space<vmem>>, vector<1x16xi32>,
        %swap3A_532 = vector.shape_cast %swap3A_531 : vector<1x16xi32> to vector<16xi32>
        %swap3A_533 = vector.shape_cast %select_n3A_486 : vector<16xi32> to vector<1x16xi32>
        tpu.vector_store %arg7[%swap3A_529, %swap3A_530], %swap3A_533 {strides = array<i32>} : memref<8x32xi32, #tpu.memory_space<vmem>>, vector<1x16xi32>,
      }
      %scan3A_308 = arith.constant 4 : i32
      %dma_start3A_309 = arith.constant 0 : i32
      %dma_start3A_310 = arith.constant 0 : i32
      %dma_start3A_311 = tpu.memref_slice %arg6[%dma_start3A_309, %dma_start3A_310] : memref<2x128xi32, #tpu.memory_space<vmem>> -> memref<1x32xi32, #tpu.memory_space<vmem>>
      %dma_start3A_312 = tpu.memref_squeeze %dma_start3A_311 : memref<1x32xi32, #tpu.memory_space<vmem>> -> memref<32xi32, #tpu.memory_space<vmem>>
      %dma_start3A_313 = arith.constant 0 : i32
      %dma_start3A_314 = arith.constant 0 : i32
      %dma_start3A_315 = tpu.memref_slice %arg10[%dma_start3A_313, %dma_start3A_314] : memref<5120x128xf32, #tpu.memory_space<vmem_shared>> -> memref<5120x128xf32, #tpu.memory_space<vmem_shared>>
      tpu.enqueue_indirect_dma source(%dma_start3A_315 : memref<5120x128xf32, #tpu.memory_space<vmem_shared>>) target(%arg8 : memref<32x128xf32, #tpu.memory_space<vmem>>) offsets(%dma_start3A_312 : memref<32xi32, #tpu.memory_space<vmem>>) semaphore(%arg12 : memref<!tpu.dma_semaphore, #tpu.memory_space<semaphore_mem>>)
      %dma_start3A_316 = arith.constant 0 : i32
      %dma_start3A_317 = arith.constant 32 : i32
      %dma_start3A_318 = tpu.memref_slice %arg6[%dma_start3A_316, %dma_start3A_317] : memref<2x128xi32, #tpu.memory_space<vmem>> -> memref<1x32xi32, #tpu.memory_space<vmem>>
      %dma_start3A_319 = tpu.memref_squeeze %dma_start3A_318 : memref<1x32xi32, #tpu.memory_space<vmem>> -> memref<32xi32, #tpu.memory_space<vmem>>
      %dma_start3A_320 = arith.constant 0 : i32
      %dma_start3A_321 = arith.constant 0 : i32
      %dma_start3A_322 = tpu.memref_slice %arg10[%dma_start3A_320, %dma_start3A_321] : memref<5120x128xf32, #tpu.memory_space<vmem_shared>> -> memref<5120x128xf32, #tpu.memory_space<vmem_shared>>
      tpu.enqueue_indirect_dma source(%dma_start3A_322 : memref<5120x128xf32, #tpu.memory_space<vmem_shared>>) target(%arg9 : memref<32x128xf32, #tpu.memory_space<vmem>>) offsets(%dma_start3A_319 : memref<32xi32, #tpu.memory_space<vmem>>) semaphore(%arg13 : memref<!tpu.dma_semaphore, #tpu.memory_space<semaphore_mem>>)
      %scan3A_323 = arith.constant 0 : i32
      %scan3A_324 = arith.constant 4 : i32
      %scan3A_325 = arith.constant 12 : i32
      %scan3A_326 = arith.addi %scan3A_324, %scan3A_325 : i32
      %scan3A_327 = arith.constant 1 : i32
      scf.for %scan3A_335 = %scan3A_324 to %scan3A_326 step %scan3A_327  : i32 {
        %jit3A_336 = arith.constant 8 : i32
        %div3A_337 = arith.divsi %scan3A_335, %jit3A_336 : i32
        %sign3A_338 = arith.constant 0 : i32
        %sign3A_339 = arith.cmpi sgt, %scan3A_335, %sign3A_338 : i32
        %sign3A_340 = arith.extui %sign3A_339 : i1 to i32
        %sign3A_341 = arith.constant 0 : i32
        %sign3A_342 = arith.cmpi slt, %scan3A_335, %sign3A_341 : i32
        %sign3A_343 = arith.extui %sign3A_342 : i1 to i32
        %sign3A_344 = arith.subi %sign3A_340, %sign3A_343 : i32
        %sign3A_345 = arith.constant 0 : i32
        %sign3A_346 = arith.cmpi sgt, %jit3A_336, %sign3A_345 : i32
        %sign3A_347 = arith.extui %sign3A_346 : i1 to i32
        %sign3A_348 = arith.constant 0 : i32
        %sign3A_349 = arith.cmpi slt, %jit3A_336, %sign3A_348 : i32
        %sign3A_350 = arith.extui %sign3A_349 : i1 to i32
        %sign3A_351 = arith.subi %sign3A_347, %sign3A_350 : i32
        %ne3A_352 = arith.cmpi ne, %sign3A_344, %sign3A_351 : i32
        %rem3A_353 = arith.remsi %scan3A_335, %jit3A_336 : i32
        %ne3A_354 = arith.constant 0 : i32
        %ne3A_355 = arith.cmpi ne, %rem3A_353, %ne3A_354 : i32
        %and3A_356 = arith.andi %ne3A_352, %ne3A_355 : i1
        %sub3A_357 = arith.constant 1 : i32
        %sub3A_358 = arith.subi %div3A_337, %sub3A_357 : i32
        %select_n3A_359 = arith.select %and3A_356, %sub3A_358, %div3A_337 : i32
        %jit3A_360 = arith.constant 8 : i32
        %eq3A_361 = arith.constant 0 : i32
        %eq3A_362 = arith.cmpi eq, %jit3A_360, %eq3A_361 : i32
        %jit3A_363 = arith.constant 1 : i32
        %select_n3A_364 = arith.select %eq3A_362, %jit3A_363, %jit3A_360 : i32
        %rem3A_365 = arith.remsi %scan3A_335, %select_n3A_364 : i32
        %ne3A_366 = arith.constant 0 : i32
        %ne3A_367 = arith.cmpi ne, %rem3A_365, %ne3A_366 : i32
        %lt3A_368 = arith.constant 0 : i32
        %lt3A_369 = arith.cmpi slt, %rem3A_365, %lt3A_368 : i32
        %lt3A_370 = arith.constant 0 : i32
        %lt3A_371 = arith.cmpi slt, %select_n3A_364, %lt3A_370 : i32
        %ne3A_372 = arith.xori %lt3A_369, %lt3A_371 : i1
        %and3A_373 = arith.andi %ne3A_372, %ne3A_367 : i1
        %add3A_374 = arith.addi %rem3A_365, %select_n3A_364 : i32
        %select_n3A_375 = arith.select %and3A_373, %add3A_374, %rem3A_365 : i32
        %mul3A_376 = arith.constant 16 : i32
        %mul3A_377 = arith.muli %mul3A_376, %select_n3A_375 : i32
        %get3A = arith.index_cast %select_n3A_359 : i32 to index
        %get3A_378 = arith.index_cast %mul3A_377 : i32 to index
        %get3A_379 = tpu.vector_load %arg6[%get3A, %get3A_378] {strides = array<i32>} : memref<2x128xi32, #tpu.memory_space<vmem>>, vector<1x16xi32>,
        %get3A_380 = vector.shape_cast %get3A_379 : vector<1x16xi32> to vector<16xi32>
        %jit3A_381 = arith.constant 2 : i32
        %div3A_382 = arith.divsi %scan3A_335, %jit3A_381 : i32
        %sign3A_383 = arith.constant 0 : i32
        %sign3A_384 = arith.cmpi sgt, %scan3A_335, %sign3A_383 : i32
        %sign3A_385 = arith.extui %sign3A_384 : i1 to i32
        %sign3A_386 = arith.constant 0 : i32
        %sign3A_387 = arith.cmpi slt, %scan3A_335, %sign3A_386 : i32
        %sign3A_388 = arith.extui %sign3A_387 : i1 to i32
        %sign3A_389 = arith.subi %sign3A_385, %sign3A_388 : i32
        %sign3A_390 = arith.constant 0 : i32
        %sign3A_391 = arith.cmpi sgt, %jit3A_381, %sign3A_390 : i32
        %sign3A_392 = arith.extui %sign3A_391 : i1 to i32
        %sign3A_393 = arith.constant 0 : i32
        %sign3A_394 = arith.cmpi slt, %jit3A_381, %sign3A_393 : i32
        %sign3A_395 = arith.extui %sign3A_394 : i1 to i32
        %sign3A_396 = arith.subi %sign3A_392, %sign3A_395 : i32
        %ne3A_397 = arith.cmpi ne, %sign3A_389, %sign3A_396 : i32
        %rem3A_398 = arith.remsi %scan3A_335, %jit3A_381 : i32
        %ne3A_399 = arith.constant 0 : i32
        %ne3A_400 = arith.cmpi ne, %rem3A_398, %ne3A_399 : i32
        %and3A_401 = arith.andi %ne3A_397, %ne3A_400 : i1
        %sub3A_402 = arith.constant 1 : i32
        %sub3A_403 = arith.subi %div3A_382, %sub3A_402 : i32
        %select_n3A_404 = arith.select %and3A_401, %sub3A_403, %div3A_382 : i32
        %jit3A_405 = arith.constant 2 : i32
        %eq3A_406 = arith.constant 0 : i32
        %eq3A_407 = arith.cmpi eq, %jit3A_405, %eq3A_406 : i32
        %jit3A_408 = arith.constant 1 : i32
        %select_n3A_409 = arith.select %eq3A_407, %jit3A_408, %jit3A_405 : i32
        %rem3A_410 = arith.remsi %scan3A_335, %select_n3A_409 : i32
        %ne3A_411 = arith.constant 0 : i32
        %ne3A_412 = arith.cmpi ne, %rem3A_410, %ne3A_411 : i32
        %lt3A_413 = arith.constant 0 : i32
        %lt3A_414 = arith.cmpi slt, %rem3A_410, %lt3A_413 : i32
        %lt3A_415 = arith.constant 0 : i32
        %lt3A_416 = arith.cmpi slt, %select_n3A_409, %lt3A_415 : i32
        %ne3A_417 = arith.xori %lt3A_414, %lt3A_416 : i1
        %and3A_418 = arith.andi %ne3A_417, %ne3A_412 : i1
        %add3A_419 = arith.addi %rem3A_410, %select_n3A_409 : i32
        %select_n3A_420 = arith.select %and3A_418, %add3A_419, %rem3A_410 : i32
        %mul3A_421 = arith.constant 16 : i32
        %mul3A_422 = arith.muli %mul3A_421, %select_n3A_420 : i32
        %get3A_423 = arith.index_cast %select_n3A_404 : i32 to index
        %get3A_424 = arith.index_cast %mul3A_422 : i32 to index
        %get3A_425 = tpu.vector_load %arg7[%get3A_423, %get3A_424] {strides = array<i32>} : memref<8x32xi32, #tpu.memory_space<vmem>>, vector<1x16xi32>,
        %get3A_426 = vector.shape_cast %get3A_425 : vector<1x16xi32> to vector<16xi32>
        %sub3A_427 = vector.broadcast %mul3A_0 : i32 to vector<16xi32>
        %sub3A_428 = arith.subi %get3A_380, %sub3A_427 : vector<16xi32>
        %ge3A = arith.constant 0 : i32
        %ge3A_429 = vector.broadcast %ge3A : i32 to vector<16xi32>
        %ge3A_430 = arith.cmpi sge, %sub3A_428, %ge3A_429 : vector<16xi32>
        %lt3A_431 = arith.constant 5120 : i32
        %lt3A_432 = vector.broadcast %lt3A_431 : i32 to vector<16xi32>
        %lt3A_433 = arith.cmpi slt, %sub3A_428, %lt3A_432 : vector<16xi32>
        %and3A_434 = arith.andi %ge3A_430, %lt3A_433 : vector<16xi1>
        %jit3A_435 = arith.constant 0 : i32
        %broadcast_in_dim3A_436 = vector.broadcast %jit3A_435 : i32 to vector<16xi32>
        %select_n3A_437 = arith.select %and3A_434, %sub3A_428, %broadcast_in_dim3A_436 : vector<16xi1>, vector<16xi32>
        %jit3A_438 = arith.constant 8 : i32
        %div3A_439 = arith.divsi %scan3A_335, %jit3A_438 : i32
        %sign3A_440 = arith.constant 0 : i32
        %sign3A_441 = arith.cmpi sgt, %scan3A_335, %sign3A_440 : i32
        %sign3A_442 = arith.extui %sign3A_441 : i1 to i32
        %sign3A_443 = arith.constant 0 : i32
        %sign3A_444 = arith.cmpi slt, %scan3A_335, %sign3A_443 : i32
        %sign3A_445 = arith.extui %sign3A_444 : i1 to i32
        %sign3A_446 = arith.subi %sign3A_442, %sign3A_445 : i32
        %sign3A_447 = arith.constant 0 : i32
        %sign3A_448 = arith.cmpi sgt, %jit3A_438, %sign3A_447 : i32
        %sign3A_449 = arith.extui %sign3A_448 : i1 to i32
        %sign3A_450 = arith.constant 0 : i32
        %sign3A_451 = arith.cmpi slt, %jit3A_438, %sign3A_450 : i32
        %sign3A_452 = arith.extui %sign3A_451 : i1 to i32
        %sign3A_453 = arith.subi %sign3A_449, %sign3A_452 : i32
        %ne3A_454 = arith.cmpi ne, %sign3A_446, %sign3A_453 : i32
        %rem3A_455 = arith.remsi %scan3A_335, %jit3A_438 : i32
        %ne3A_456 = arith.constant 0 : i32
        %ne3A_457 = arith.cmpi ne, %rem3A_455, %ne3A_456 : i32
        %and3A_458 = arith.andi %ne3A_454, %ne3A_457 : i1
        %sub3A_459 = arith.constant 1 : i32
        %sub3A_460 = arith.subi %div3A_439, %sub3A_459 : i32
        %select_n3A_461 = arith.select %and3A_458, %sub3A_460, %div3A_439 : i32
        %jit3A_462 = arith.constant 8 : i32
        %eq3A_463 = arith.constant 0 : i32
        %eq3A_464 = arith.cmpi eq, %jit3A_462, %eq3A_463 : i32
        %jit3A_465 = arith.constant 1 : i32
        %select_n3A_466 = arith.select %eq3A_464, %jit3A_465, %jit3A_462 : i32
        %rem3A_467 = arith.remsi %scan3A_335, %select_n3A_466 : i32
        %ne3A_468 = arith.constant 0 : i32
        %ne3A_469 = arith.cmpi ne, %rem3A_467, %ne3A_468 : i32
        %lt3A_470 = arith.constant 0 : i32
        %lt3A_471 = arith.cmpi slt, %rem3A_467, %lt3A_470 : i32
        %lt3A_472 = arith.constant 0 : i32
        %lt3A_473 = arith.cmpi slt, %select_n3A_466, %lt3A_472 : i32
        %ne3A_474 = arith.xori %lt3A_471, %lt3A_473 : i1
        %and3A_475 = arith.andi %ne3A_474, %ne3A_469 : i1
        %add3A_476 = arith.addi %rem3A_467, %select_n3A_466 : i32
        %select_n3A_477 = arith.select %and3A_475, %add3A_476, %rem3A_467 : i32
        %mul3A_478 = arith.constant 16 : i32
        %mul3A_479 = arith.muli %mul3A_478, %select_n3A_477 : i32
        %swap3A = arith.index_cast %select_n3A_461 : i32 to index
        %swap3A_480 = arith.index_cast %mul3A_479 : i32 to index
        %swap3A_481 = tpu.vector_load %arg6[%swap3A, %swap3A_480] {strides = array<i32>} : memref<2x128xi32, #tpu.memory_space<vmem>>, vector<1x16xi32>,
        %swap3A_482 = vector.shape_cast %swap3A_481 : vector<1x16xi32> to vector<16xi32>
        %swap3A_483 = vector.shape_cast %select_n3A_437 : vector<16xi32> to vector<1x16xi32>
        tpu.vector_store %arg6[%swap3A, %swap3A_480], %swap3A_483 {strides = array<i32>} : memref<2x128xi32, #tpu.memory_space<vmem>>, vector<1x16xi32>,
        %jit3A_484 = arith.constant 10000 : i32
        %broadcast_in_dim3A_485 = vector.broadcast %jit3A_484 : i32 to vector<16xi32>
        %select_n3A_486 = arith.select %and3A_434, %get3A_426, %broadcast_in_dim3A_485 : vector<16xi1>, vector<16xi32>
        %jit3A_487 = arith.constant 2 : i32
        %div3A_488 = arith.divsi %scan3A_335, %jit3A_487 : i32
        %sign3A_489 = arith.constant 0 : i32
        %sign3A_490 = arith.cmpi sgt, %scan3A_335, %sign3A_489 : i32
        %sign3A_491 = arith.extui %sign3A_490 : i1 to i32
        %sign3A_492 = arith.constant 0 : i32
        %sign3A_493 = arith.cmpi slt, %scan3A_335, %sign3A_492 : i32
        %sign3A_494 = arith.extui %sign3A_493 : i1 to i32
        %sign3A_495 = arith.subi %sign3A_491, %sign3A_494 : i32
        %sign3A_496 = arith.constant 0 : i32
        %sign3A_497 = arith.cmpi sgt, %jit3A_487, %sign3A_496 : i32
        %sign3A_498 = arith.extui %sign3A_497 : i1 to i32
        %sign3A_499 = arith.constant 0 : i32
        %sign3A_500 = arith.cmpi slt, %jit3A_487, %sign3A_499 : i32
        %sign3A_501 = arith.extui %sign3A_500 : i1 to i32
        %sign3A_502 = arith.subi %sign3A_498, %sign3A_501 : i32
        %ne3A_503 = arith.cmpi ne, %sign3A_495, %sign3A_502 : i32
        %rem3A_504 = arith.remsi %scan3A_335, %jit3A_487 : i32
        %ne3A_505 = arith.constant 0 : i32
        %ne3A_506 = arith.cmpi ne, %rem3A_504, %ne3A_505 : i32
        %and3A_507 = arith.andi %ne3A_503, %ne3A_506 : i1
        %sub3A_508 = arith.constant 1 : i32
        %sub3A_509 = arith.subi %div3A_488, %sub3A_508 : i32
        %select_n3A_510 = arith.select %and3A_507, %sub3A_509, %div3A_488 : i32
        %jit3A_511 = arith.constant 2 : i32
        %eq3A_512 = arith.constant 0 : i32
        %eq3A_513 = arith.cmpi eq, %jit3A_511, %eq3A_512 : i32
        %jit3A_514 = arith.constant 1 : i32
        %select_n3A_515 = arith.select %eq3A_513, %jit3A_514, %jit3A_511 : i32
        %rem3A_516 = arith.remsi %scan3A_335, %select_n3A_515 : i32
        %ne3A_517 = arith.constant 0 : i32
        %ne3A_518 = arith.cmpi ne, %rem3A_516, %ne3A_517 : i32
        %lt3A_519 = arith.constant 0 : i32
        %lt3A_520 = arith.cmpi slt, %rem3A_516, %lt3A_519 : i32
        %lt3A_521 = arith.constant 0 : i32
        %lt3A_522 = arith.cmpi slt, %select_n3A_515, %lt3A_521 : i32
        %ne3A_523 = arith.xori %lt3A_520, %lt3A_522 : i1
        %and3A_524 = arith.andi %ne3A_523, %ne3A_518 : i1
        %add3A_525 = arith.addi %rem3A_516, %select_n3A_515 : i32
        %select_n3A_526 = arith.select %and3A_524, %add3A_525, %rem3A_516 : i32
        %mul3A_527 = arith.constant 16 : i32
        %mul3A_528 = arith.muli %mul3A_527, %select_n3A_526 : i32
        %swap3A_529 = arith.index_cast %select_n3A_510 : i32 to index
        %swap3A_530 = arith.index_cast %mul3A_528 : i32 to index
        %swap3A_531 = tpu.vector_load %arg7[%swap3A_529, %swap3A_530] {strides = array<i32>} : memref<8x32xi32, #tpu.memory_space<vmem>>, vector<1x16xi32>,
        %swap3A_532 = vector.shape_cast %swap3A_531 : vector<1x16xi32> to vector<16xi32>
        %swap3A_533 = vector.shape_cast %select_n3A_486 : vector<16xi32> to vector<1x16xi32>
        tpu.vector_store %arg7[%swap3A_529, %swap3A_530], %swap3A_533 {strides = array<i32>} : memref<8x32xi32, #tpu.memory_space<vmem>>, vector<1x16xi32>,
      }
      %scan3A_328 = arith.constant 12 : i32
      %scan3A_329 = arith.constant 0 : i32
      %scan3A_330 = arith.constant 0 : i32
      %scan3A_331 = arith.constant 4 : i32
      %scan3A_332 = arith.addi %scan3A_330, %scan3A_331 : i32
      %scan3A_333 = arith.constant 1 : i32
      scf.for %scan3A_335 = %scan3A_330 to %scan3A_332 step %scan3A_333  : i32 {
        %mul3A_336 = arith.constant 2 : i32
        %mul3A_337 = arith.muli %mul3A_336, %scan3A_335 : i32
        %jit3A_338 = arith.constant 4 : i32
        %div3A_339 = arith.divsi %mul3A_337, %jit3A_338 : i32
        %sign3A_340 = arith.constant 0 : i32
        %sign3A_341 = arith.cmpi sgt, %mul3A_337, %sign3A_340 : i32
        %sign3A_342 = arith.extui %sign3A_341 : i1 to i32
        %sign3A_343 = arith.constant 0 : i32
        %sign3A_344 = arith.cmpi slt, %mul3A_337, %sign3A_343 : i32
        %sign3A_345 = arith.extui %sign3A_344 : i1 to i32
        %sign3A_346 = arith.subi %sign3A_342, %sign3A_345 : i32
        %sign3A_347 = arith.constant 0 : i32
        %sign3A_348 = arith.cmpi sgt, %jit3A_338, %sign3A_347 : i32
        %sign3A_349 = arith.extui %sign3A_348 : i1 to i32
        %sign3A_350 = arith.constant 0 : i32
        %sign3A_351 = arith.cmpi slt, %jit3A_338, %sign3A_350 : i32
        %sign3A_352 = arith.extui %sign3A_351 : i1 to i32
        %sign3A_353 = arith.subi %sign3A_349, %sign3A_352 : i32
        %ne3A_354 = arith.cmpi ne, %sign3A_346, %sign3A_353 : i32
        %rem3A_355 = arith.remsi %mul3A_337, %jit3A_338 : i32
        %ne3A_356 = arith.constant 0 : i32
        %ne3A_357 = arith.cmpi ne, %rem3A_355, %ne3A_356 : i32
        %and3A_358 = arith.andi %ne3A_354, %ne3A_357 : i1
        %sub3A_359 = arith.constant 1 : i32
        %sub3A_360 = arith.subi %div3A_339, %sub3A_359 : i32
        %select_n3A_361 = arith.select %and3A_358, %sub3A_360, %div3A_339 : i32
        %jit3A_362 = arith.constant 4 : i32
        %eq3A_363 = arith.constant 0 : i32
        %eq3A_364 = arith.cmpi eq, %jit3A_362, %eq3A_363 : i32
        %jit3A_365 = arith.constant 1 : i32
        %select_n3A_366 = arith.select %eq3A_364, %jit3A_365, %jit3A_362 : i32
        %rem3A_367 = arith.remsi %mul3A_337, %select_n3A_366 : i32
        %ne3A_368 = arith.constant 0 : i32
        %ne3A_369 = arith.cmpi ne, %rem3A_367, %ne3A_368 : i32
        %lt3A_370 = arith.constant 0 : i32
        %lt3A_371 = arith.cmpi slt, %rem3A_367, %lt3A_370 : i32
        %lt3A_372 = arith.constant 0 : i32
        %lt3A_373 = arith.cmpi slt, %select_n3A_366, %lt3A_372 : i32
        %ne3A_374 = arith.xori %lt3A_371, %lt3A_373 : i1
        %and3A_375 = arith.andi %ne3A_374, %ne3A_369 : i1
        %add3A_376 = arith.addi %rem3A_367, %select_n3A_366 : i32
        %select_n3A_377 = arith.select %and3A_375, %add3A_376, %rem3A_367 : i32
        %mul3A_378 = arith.constant 32 : i32
        %mul3A_379 = arith.muli %mul3A_378, %select_n3A_377 : i32
        %dma_wait3A_380 = tpu.memref_slice %arg6[%select_n3A_361, %mul3A_379] : memref<2x128xi32, #tpu.memory_space<vmem>> -> memref<1x32xi32, #tpu.memory_space<vmem>>
        %dma_wait3A_381 = tpu.memref_squeeze %dma_wait3A_380 : memref<1x32xi32, #tpu.memory_space<vmem>> -> memref<32xi32, #tpu.memory_space<vmem>>
        %dma_wait3A_382 = arith.constant 0 : i32
        %dma_wait3A_383 = arith.constant 0 : i32
        %dma_wait3A_384 = tpu.memref_slice %arg10[%dma_wait3A_382, %dma_wait3A_383] : memref<5120x128xf32, #tpu.memory_space<vmem_shared>> -> memref<5120x128xf32, #tpu.memory_space<vmem_shared>>
        tpu.wait_indirect_dma semaphore(%arg12 : memref<!tpu.dma_semaphore, #tpu.memory_space<semaphore_mem>>) src(%dma_wait3A_384 : memref<5120x128xf32, #tpu.memory_space<vmem_shared>>) dst(%arg8 : memref<32x128xf32, #tpu.memory_space<vmem>>)
        "tpu.region"() ({
          %run_scoped3A = tpu.sem_alloc : memref<!tpu.dma_semaphore, #tpu.memory_space<semaphore_mem>>
          %dma_start3A_450 = arith.constant 0 : i32
          %dma_start3A_451 = tpu.memref_slice %arg7[%mul3A_337, %dma_start3A_450] : memref<8x32xi32, #tpu.memory_space<vmem>> -> memref<1x32xi32, #tpu.memory_space<vmem>>
          %dma_start3A_452 = tpu.memref_squeeze %dma_start3A_451 : memref<1x32xi32, #tpu.memory_space<vmem>> -> memref<32xi32, #tpu.memory_space<vmem>>
          %dma_start3A_453 = arith.constant 0 : i32
          %dma_start3A_454 = arith.constant 0 : i32
          %dma_start3A_455 = tpu.memref_slice %arg11[%dma_start3A_453, %dma_start3A_454] : memref<10008x128xf32, #tpu.memory_space<vmem_shared>> -> memref<10008x128xf32, #tpu.memory_space<vmem_shared>>
          tpu.enqueue_indirect_dma source(%arg8 : memref<32x128xf32, #tpu.memory_space<vmem>>) target(%dma_start3A_455 : memref<10008x128xf32, #tpu.memory_space<vmem_shared>>) offsets(%dma_start3A_452 : memref<32xi32, #tpu.memory_space<vmem>>) semaphore(%run_scoped3A : memref<!tpu.dma_semaphore, #tpu.memory_space<semaphore_mem>>) {add = true}
          %dma_wait3A_456 = arith.constant 0 : i32
          %dma_wait3A_457 = tpu.memref_slice %arg7[%mul3A_337, %dma_wait3A_456] : memref<8x32xi32, #tpu.memory_space<vmem>> -> memref<1x32xi32, #tpu.memory_space<vmem>>
          %dma_wait3A_458 = tpu.memref_squeeze %dma_wait3A_457 : memref<1x32xi32, #tpu.memory_space<vmem>> -> memref<32xi32, #tpu.memory_space<vmem>>
          %dma_wait3A_459 = arith.constant 0 : i32
          %dma_wait3A_460 = arith.constant 0 : i32
          %dma_wait3A_461 = tpu.memref_slice %arg11[%dma_wait3A_459, %dma_wait3A_460] : memref<10008x128xf32, #tpu.memory_space<vmem_shared>> -> memref<10008x128xf32, #tpu.memory_space<vmem_shared>>
          tpu.wait_indirect_dma semaphore(%run_scoped3A : memref<!tpu.dma_semaphore, #tpu.memory_space<semaphore_mem>>) src(%arg8 : memref<32x128xf32, #tpu.memory_space<vmem>>) dst(%dma_wait3A_461 : memref<10008x128xf32, #tpu.memory_space<vmem_shared>>)
          tpu.yield
        }) : () -> ()
        %add3A_385 = arith.constant 2 : i32
        %add3A_386 = arith.addi %mul3A_337, %add3A_385 : i32
        %lt3A_387 = arith.constant 8 : i32
        %lt3A_388 = arith.cmpi slt, %add3A_386, %lt3A_387 : i32
        %convert_element_type3A_389 = arith.extui %lt3A_388 : i1 to i32
        %cond3A_390 = arith.constant 0 : i32
        %cond3A_391 = arith.cmpi ne, %convert_element_type3A_389, %cond3A_390 : i32
        scf.if %cond3A_391 {
          %add3A_450 = arith.constant 2 : i32
          %add3A_451 = arith.addi %mul3A_337, %add3A_450 : i32
          %jit3A_452 = arith.constant 4 : i32
          %div3A_453 = arith.divsi %add3A_451, %jit3A_452 : i32
          %sign3A_454 = arith.constant 0 : i32
          %sign3A_455 = arith.cmpi sgt, %add3A_451, %sign3A_454 : i32
          %sign3A_456 = arith.extui %sign3A_455 : i1 to i32
          %sign3A_457 = arith.constant 0 : i32
          %sign3A_458 = arith.cmpi slt, %add3A_451, %sign3A_457 : i32
          %sign3A_459 = arith.extui %sign3A_458 : i1 to i32
          %sign3A_460 = arith.subi %sign3A_456, %sign3A_459 : i32
          %sign3A_461 = arith.constant 0 : i32
          %sign3A_462 = arith.cmpi sgt, %jit3A_452, %sign3A_461 : i32
          %sign3A_463 = arith.extui %sign3A_462 : i1 to i32
          %sign3A_464 = arith.constant 0 : i32
          %sign3A_465 = arith.cmpi slt, %jit3A_452, %sign3A_464 : i32
          %sign3A_466 = arith.extui %sign3A_465 : i1 to i32
          %sign3A_467 = arith.subi %sign3A_463, %sign3A_466 : i32
          %ne3A_468 = arith.cmpi ne, %sign3A_460, %sign3A_467 : i32
          %rem3A_469 = arith.remsi %add3A_451, %jit3A_452 : i32
          %ne3A_470 = arith.constant 0 : i32
          %ne3A_471 = arith.cmpi ne, %rem3A_469, %ne3A_470 : i32
          %and3A_472 = arith.andi %ne3A_468, %ne3A_471 : i1
          %sub3A_473 = arith.constant 1 : i32
          %sub3A_474 = arith.subi %div3A_453, %sub3A_473 : i32
          %select_n3A_475 = arith.select %and3A_472, %sub3A_474, %div3A_453 : i32
          %jit3A_476 = arith.constant 4 : i32
          %eq3A_477 = arith.constant 0 : i32
          %eq3A_478 = arith.cmpi eq, %jit3A_476, %eq3A_477 : i32
          %jit3A_479 = arith.constant 1 : i32
          %select_n3A_480 = arith.select %eq3A_478, %jit3A_479, %jit3A_476 : i32
          %rem3A_481 = arith.remsi %add3A_451, %select_n3A_480 : i32
          %ne3A_482 = arith.constant 0 : i32
          %ne3A_483 = arith.cmpi ne, %rem3A_481, %ne3A_482 : i32
          %lt3A_484 = arith.constant 0 : i32
          %lt3A_485 = arith.cmpi slt, %rem3A_481, %lt3A_484 : i32
          %lt3A_486 = arith.constant 0 : i32
          %lt3A_487 = arith.cmpi slt, %select_n3A_480, %lt3A_486 : i32
          %ne3A_488 = arith.xori %lt3A_485, %lt3A_487 : i1
          %and3A_489 = arith.andi %ne3A_488, %ne3A_483 : i1
          %add3A_490 = arith.addi %rem3A_481, %select_n3A_480 : i32
          %select_n3A_491 = arith.select %and3A_489, %add3A_490, %rem3A_481 : i32
          %mul3A_492 = arith.constant 32 : i32
          %mul3A_493 = arith.muli %mul3A_492, %select_n3A_491 : i32
          %dma_start3A_494 = tpu.memref_slice %arg6[%select_n3A_475, %mul3A_493] : memref<2x128xi32, #tpu.memory_space<vmem>> -> memref<1x32xi32, #tpu.memory_space<vmem>>
          %dma_start3A_495 = tpu.memref_squeeze %dma_start3A_494 : memref<1x32xi32, #tpu.memory_space<vmem>> -> memref<32xi32, #tpu.memory_space<vmem>>
          %dma_start3A_496 = arith.constant 0 : i32
          %dma_start3A_497 = arith.constant 0 : i32
          %dma_start3A_498 = tpu.memref_slice %arg10[%dma_start3A_496, %dma_start3A_497] : memref<5120x128xf32, #tpu.memory_space<vmem_shared>> -> memref<5120x128xf32, #tpu.memory_space<vmem_shared>>
          tpu.enqueue_indirect_dma source(%dma_start3A_498 : memref<5120x128xf32, #tpu.memory_space<vmem_shared>>) target(%arg8 : memref<32x128xf32, #tpu.memory_space<vmem>>) offsets(%dma_start3A_495 : memref<32xi32, #tpu.memory_space<vmem>>) semaphore(%arg12 : memref<!tpu.dma_semaphore, #tpu.memory_space<semaphore_mem>>)
        } else {
        }
        %mul3A_392 = arith.constant 2 : i32
        %mul3A_393 = arith.muli %mul3A_392, %scan3A_335 : i32
        %add3A_394 = arith.constant 1 : i32
        %add3A_395 = arith.addi %mul3A_393, %add3A_394 : i32
        %jit3A_396 = arith.constant 4 : i32
        %div3A_397 = arith.divsi %add3A_395, %jit3A_396 : i32
        %sign3A_398 = arith.constant 0 : i32
        %sign3A_399 = arith.cmpi sgt, %add3A_395, %sign3A_398 : i32
        %sign3A_400 = arith.extui %sign3A_399 : i1 to i32
        %sign3A_401 = arith.constant 0 : i32
        %sign3A_402 = arith.cmpi slt, %add3A_395, %sign3A_401 : i32
        %sign3A_403 = arith.extui %sign3A_402 : i1 to i32
        %sign3A_404 = arith.subi %sign3A_400, %sign3A_403 : i32
        %sign3A_405 = arith.constant 0 : i32
        %sign3A_406 = arith.cmpi sgt, %jit3A_396, %sign3A_405 : i32
        %sign3A_407 = arith.extui %sign3A_406 : i1 to i32
        %sign3A_408 = arith.constant 0 : i32
        %sign3A_409 = arith.cmpi slt, %jit3A_396, %sign3A_408 : i32
        %sign3A_410 = arith.extui %sign3A_409 : i1 to i32
        %sign3A_411 = arith.subi %sign3A_407, %sign3A_410 : i32
        %ne3A_412 = arith.cmpi ne, %sign3A_404, %sign3A_411 : i32
        %rem3A_413 = arith.remsi %add3A_395, %jit3A_396 : i32
        %ne3A_414 = arith.constant 0 : i32
        %ne3A_415 = arith.cmpi ne, %rem3A_413, %ne3A_414 : i32
        %and3A_416 = arith.andi %ne3A_412, %ne3A_415 : i1
        %sub3A_417 = arith.constant 1 : i32
        %sub3A_418 = arith.subi %div3A_397, %sub3A_417 : i32
        %select_n3A_419 = arith.select %and3A_416, %sub3A_418, %div3A_397 : i32
        %jit3A_420 = arith.constant 4 : i32
        %eq3A_421 = arith.constant 0 : i32
        %eq3A_422 = arith.cmpi eq, %jit3A_420, %eq3A_421 : i32
        %jit3A_423 = arith.constant 1 : i32
        %select_n3A_424 = arith.select %eq3A_422, %jit3A_423, %jit3A_420 : i32
        %rem3A_425 = arith.remsi %add3A_395, %select_n3A_424 : i32
        %ne3A_426 = arith.constant 0 : i32
        %ne3A_427 = arith.cmpi ne, %rem3A_425, %ne3A_426 : i32
        %lt3A_428 = arith.constant 0 : i32
        %lt3A_429 = arith.cmpi slt, %rem3A_425, %lt3A_428 : i32
        %lt3A_430 = arith.constant 0 : i32
        %lt3A_431 = arith.cmpi slt, %select_n3A_424, %lt3A_430 : i32
        %ne3A_432 = arith.xori %lt3A_429, %lt3A_431 : i1
        %and3A_433 = arith.andi %ne3A_432, %ne3A_427 : i1
        %add3A_434 = arith.addi %rem3A_425, %select_n3A_424 : i32
        %select_n3A_435 = arith.select %and3A_433, %add3A_434, %rem3A_425 : i32
        %mul3A_436 = arith.constant 32 : i32
        %mul3A_437 = arith.muli %mul3A_436, %select_n3A_435 : i32
        %dma_wait3A_438 = tpu.memref_slice %arg6[%select_n3A_419, %mul3A_437] : memref<2x128xi32, #tpu.memory_space<vmem>> -> memref<1x32xi32, #tpu.memory_space<vmem>>
        %dma_wait3A_439 = tpu.memref_squeeze %dma_wait3A_438 : memref<1x32xi32, #tpu.memory_space<vmem>> -> memref<32xi32, #tpu.memory_space<vmem>>
        %dma_wait3A_440 = arith.constant 0 : i32
        %dma_wait3A_441 = arith.constant 0 : i32
        %dma_wait3A_442 = tpu.memref_slice %arg10[%dma_wait3A_440, %dma_wait3A_441] : memref<5120x128xf32, #tpu.memory_space<vmem_shared>> -> memref<5120x128xf32, #tpu.memory_space<vmem_shared>>
        tpu.wait_indirect_dma semaphore(%arg13 : memref<!tpu.dma_semaphore, #tpu.memory_space<semaphore_mem>>) src(%dma_wait3A_442 : memref<5120x128xf32, #tpu.memory_space<vmem_shared>>) dst(%arg9 : memref<32x128xf32, #tpu.memory_space<vmem>>)
        "tpu.region"() ({
          %run_scoped3A = tpu.sem_alloc : memref<!tpu.dma_semaphore, #tpu.memory_space<semaphore_mem>>
          %dma_start3A_450 = arith.constant 0 : i32
          %dma_start3A_451 = tpu.memref_slice %arg7[%add3A_395, %dma_start3A_450] : memref<8x32xi32, #tpu.memory_space<vmem>> -> memref<1x32xi32, #tpu.memory_space<vmem>>
          %dma_start3A_452 = tpu.memref_squeeze %dma_start3A_451 : memref<1x32xi32, #tpu.memory_space<vmem>> -> memref<32xi32, #tpu.memory_space<vmem>>
          %dma_start3A_453 = arith.constant 0 : i32
          %dma_start3A_454 = arith.constant 0 : i32
          %dma_start3A_455 = tpu.memref_slice %arg11[%dma_start3A_453, %dma_start3A_454] : memref<10008x128xf32, #tpu.memory_space<vmem_shared>> -> memref<10008x128xf32, #tpu.memory_space<vmem_shared>>
          tpu.enqueue_indirect_dma source(%arg9 : memref<32x128xf32, #tpu.memory_space<vmem>>) target(%dma_start3A_455 : memref<10008x128xf32, #tpu.memory_space<vmem_shared>>) offsets(%dma_start3A_452 : memref<32xi32, #tpu.memory_space<vmem>>) semaphore(%run_scoped3A : memref<!tpu.dma_semaphore, #tpu.memory_space<semaphore_mem>>) {add = true}
          %dma_wait3A_456 = arith.constant 0 : i32
          %dma_wait3A_457 = tpu.memref_slice %arg7[%add3A_395, %dma_wait3A_456] : memref<8x32xi32, #tpu.memory_space<vmem>> -> memref<1x32xi32, #tpu.memory_space<vmem>>
          %dma_wait3A_458 = tpu.memref_squeeze %dma_wait3A_457 : memref<1x32xi32, #tpu.memory_space<vmem>> -> memref<32xi32, #tpu.memory_space<vmem>>
          %dma_wait3A_459 = arith.constant 0 : i32
          %dma_wait3A_460 = arith.constant 0 : i32
          %dma_wait3A_461 = tpu.memref_slice %arg11[%dma_wait3A_459, %dma_wait3A_460] : memref<10008x128xf32, #tpu.memory_space<vmem_shared>> -> memref<10008x128xf32, #tpu.memory_space<vmem_shared>>
          tpu.wait_indirect_dma semaphore(%run_scoped3A : memref<!tpu.dma_semaphore, #tpu.memory_space<semaphore_mem>>) src(%arg9 : memref<32x128xf32, #tpu.memory_space<vmem>>) dst(%dma_wait3A_461 : memref<10008x128xf32, #tpu.memory_space<vmem_shared>>)
          tpu.yield
        }) : () -> ()
        %add3A_443 = arith.constant 2 : i32
        %add3A_444 = arith.addi %add3A_395, %add3A_443 : i32
        %lt3A_445 = arith.constant 8 : i32
        %lt3A_446 = arith.cmpi slt, %add3A_444, %lt3A_445 : i32
        %convert_element_type3A_447 = arith.extui %lt3A_446 : i1 to i32
        %cond3A_448 = arith.constant 0 : i32
        %cond3A_449 = arith.cmpi ne, %convert_element_type3A_447, %cond3A_448 : i32
        scf.if %cond3A_449 {
          %add3A_450 = arith.constant 2 : i32
          %add3A_451 = arith.addi %add3A_395, %add3A_450 : i32
          %jit3A_452 = arith.constant 4 : i32
          %div3A_453 = arith.divsi %add3A_451, %jit3A_452 : i32
          %sign3A_454 = arith.constant 0 : i32
          %sign3A_455 = arith.cmpi sgt, %add3A_451, %sign3A_454 : i32
          %sign3A_456 = arith.extui %sign3A_455 : i1 to i32
          %sign3A_457 = arith.constant 0 : i32
          %sign3A_458 = arith.cmpi slt, %add3A_451, %sign3A_457 : i32
          %sign3A_459 = arith.extui %sign3A_458 : i1 to i32
          %sign3A_460 = arith.subi %sign3A_456, %sign3A_459 : i32
          %sign3A_461 = arith.constant 0 : i32
          %sign3A_462 = arith.cmpi sgt, %jit3A_452, %sign3A_461 : i32
          %sign3A_463 = arith.extui %sign3A_462 : i1 to i32
          %sign3A_464 = arith.constant 0 : i32
          %sign3A_465 = arith.cmpi slt, %jit3A_452, %sign3A_464 : i32
          %sign3A_466 = arith.extui %sign3A_465 : i1 to i32
          %sign3A_467 = arith.subi %sign3A_463, %sign3A_466 : i32
          %ne3A_468 = arith.cmpi ne, %sign3A_460, %sign3A_467 : i32
          %rem3A_469 = arith.remsi %add3A_451, %jit3A_452 : i32
          %ne3A_470 = arith.constant 0 : i32
          %ne3A_471 = arith.cmpi ne, %rem3A_469, %ne3A_470 : i32
          %and3A_472 = arith.andi %ne3A_468, %ne3A_471 : i1
          %sub3A_473 = arith.constant 1 : i32
          %sub3A_474 = arith.subi %div3A_453, %sub3A_473 : i32
          %select_n3A_475 = arith.select %and3A_472, %sub3A_474, %div3A_453 : i32
          %jit3A_476 = arith.constant 4 : i32
          %eq3A_477 = arith.constant 0 : i32
          %eq3A_478 = arith.cmpi eq, %jit3A_476, %eq3A_477 : i32
          %jit3A_479 = arith.constant 1 : i32
          %select_n3A_480 = arith.select %eq3A_478, %jit3A_479, %jit3A_476 : i32
          %rem3A_481 = arith.remsi %add3A_451, %select_n3A_480 : i32
          %ne3A_482 = arith.constant 0 : i32
          %ne3A_483 = arith.cmpi ne, %rem3A_481, %ne3A_482 : i32
          %lt3A_484 = arith.constant 0 : i32
          %lt3A_485 = arith.cmpi slt, %rem3A_481, %lt3A_484 : i32
          %lt3A_486 = arith.constant 0 : i32
          %lt3A_487 = arith.cmpi slt, %select_n3A_480, %lt3A_486 : i32
          %ne3A_488 = arith.xori %lt3A_485, %lt3A_487 : i1
          %and3A_489 = arith.andi %ne3A_488, %ne3A_483 : i1
          %add3A_490 = arith.addi %rem3A_481, %select_n3A_480 : i32
          %select_n3A_491 = arith.select %and3A_489, %add3A_490, %rem3A_481 : i32
          %mul3A_492 = arith.constant 32 : i32
          %mul3A_493 = arith.muli %mul3A_492, %select_n3A_491 : i32
          %dma_start3A_494 = tpu.memref_slice %arg6[%select_n3A_475, %mul3A_493] : memref<2x128xi32, #tpu.memory_space<vmem>> -> memref<1x32xi32, #tpu.memory_space<vmem>>
          %dma_start3A_495 = tpu.memref_squeeze %dma_start3A_494 : memref<1x32xi32, #tpu.memory_space<vmem>> -> memref<32xi32, #tpu.memory_space<vmem>>
          %dma_start3A_496 = arith.constant 0 : i32
          %dma_start3A_497 = arith.constant 0 : i32
          %dma_start3A_498 = tpu.memref_slice %arg10[%dma_start3A_496, %dma_start3A_497] : memref<5120x128xf32, #tpu.memory_space<vmem_shared>> -> memref<5120x128xf32, #tpu.memory_space<vmem_shared>>
          tpu.enqueue_indirect_dma source(%dma_start3A_498 : memref<5120x128xf32, #tpu.memory_space<vmem_shared>>) target(%arg9 : memref<32x128xf32, #tpu.memory_space<vmem>>) offsets(%dma_start3A_495 : memref<32xi32, #tpu.memory_space<vmem>>) semaphore(%arg13 : memref<!tpu.dma_semaphore, #tpu.memory_space<semaphore_mem>>)
        } else {
        }
      }
      %scan3A_334 = arith.constant 4 : i32
    }
    %scan3A_224 = arith.constant 80 : i32
    %barrier3A_225 = arith.constant 0 : index
    tpu.barrier barrier_id(%barrier3A_225)
    %lt3A_226 = arith.constant 15 : i32
    %lt3A_227 = arith.cmpi slt, %arg1, %lt3A_226 : i32
    %convert_element_type3A_228 = arith.extui %lt3A_227 : i1 to i32
    %cond3A_229 = arith.constant 0 : i32
    %cond3A_230 = arith.cmpi ne, %convert_element_type3A_228, %cond3A_229 : i32
    scf.if %cond3A_230 {
      %mul3A_236 = arith.constant 632 : i32
      %mul3A_237 = arith.muli %arg1, %mul3A_236 : i32
      %mul3A_238 = arith.constant 632 : i32
      %mul3A_239 = arith.muli %arg1, %mul3A_238 : i32
      "tpu.region"() ({
        %run_scoped3A = tpu.sem_alloc : memref<!tpu.dma_semaphore, #tpu.memory_space<semaphore_mem>>
        %dma_start3A = arith.constant 0 : i32
        %dma_start3A_240 = tpu.memref_slice %arg5[%arg0, %mul3A_239, %dma_start3A] : memref<2x10008x128xf32, #tpu.memory_space<hbm>> -> memref<1x632x128xf32, #tpu.memory_space<hbm>>
        %dma_start3A_241 = tpu.memref_squeeze %dma_start3A_240 : memref<1x632x128xf32, #tpu.memory_space<hbm>> -> memref<632x128xf32, #tpu.memory_space<hbm>>
        %dma_start3A_242 = arith.constant 0 : i32
        %dma_start3A_243 = tpu.memref_slice %arg11[%mul3A_237, %dma_start3A_242] : memref<10008x128xf32, #tpu.memory_space<vmem_shared>> -> memref<632x128xf32, #tpu.memory_space<vmem_shared>>
        tpu.enqueue_dma source(%dma_start3A_243 : memref<632x128xf32, #tpu.memory_space<vmem_shared>>) target(%dma_start3A_241 : memref<632x128xf32, #tpu.memory_space<hbm>>) target_semaphore(%run_scoped3A : memref<!tpu.dma_semaphore, #tpu.memory_space<semaphore_mem>>)
        %dma_wait3A = arith.constant 0 : i32
        %dma_wait3A_244 = tpu.memref_slice %arg5[%arg0, %mul3A_239, %dma_wait3A] : memref<2x10008x128xf32, #tpu.memory_space<hbm>> -> memref<1x632x128xf32, #tpu.memory_space<hbm>>
        %dma_wait3A_245 = tpu.memref_squeeze %dma_wait3A_244 : memref<1x632x128xf32, #tpu.memory_space<hbm>> -> memref<632x128xf32, #tpu.memory_space<hbm>>
        %dma_wait3A_246 = arith.constant 0 : i32
        %dma_wait3A_247 = tpu.memref_slice %arg11[%mul3A_237, %dma_wait3A_246] : memref<10008x128xf32, #tpu.memory_space<vmem_shared>> -> memref<632x128xf32, #tpu.memory_space<vmem_shared>>
        tpu.wait_dma2 semaphore(%run_scoped3A : memref<!tpu.dma_semaphore, #tpu.memory_space<semaphore_mem>>) src(%dma_wait3A_247 : memref<632x128xf32, #tpu.memory_space<vmem_shared>>) dst(%dma_wait3A_245 : memref<632x128xf32, #tpu.memory_space<hbm>>)
        tpu.yield
      }) : () -> ()
    } else {
    }
    %eq3A_231 = arith.constant 15 : i32
    %eq3A_232 = arith.cmpi eq, %arg1, %eq3A_231 : i32
    %convert_element_type3A_233 = arith.extui %eq3A_232 : i1 to i32
    %cond3A_234 = arith.constant 0 : i32
    %cond3A_235 = arith.cmpi ne, %convert_element_type3A_233, %cond3A_234 : i32
    scf.if %cond3A_235 {
      "tpu.region"() ({
        %run_scoped3A = tpu.sem_alloc : memref<!tpu.dma_semaphore, #tpu.memory_space<semaphore_mem>>
        %dma_start3A = arith.constant 9480 : i32
        %dma_start3A_236 = arith.constant 0 : i32
        %dma_start3A_237 = tpu.memref_slice %arg5[%arg0, %dma_start3A, %dma_start3A_236] : memref<2x10008x128xf32, #tpu.memory_space<hbm>> -> memref<1x520x128xf32, #tpu.memory_space<hbm>>
        %dma_start3A_238 = tpu.memref_squeeze %dma_start3A_237 : memref<1x520x128xf32, #tpu.memory_space<hbm>> -> memref<520x128xf32, #tpu.memory_space<hbm>>
        %dma_start3A_239 = arith.constant 9480 : i32
        %dma_start3A_240 = arith.constant 0 : i32
        %dma_start3A_241 = tpu.memref_slice %arg11[%dma_start3A_239, %dma_start3A_240] : memref<10008x128xf32, #tpu.memory_space<vmem_shared>> -> memref<520x128xf32, #tpu.memory_space<vmem_shared>>
        tpu.enqueue_dma source(%dma_start3A_241 : memref<520x128xf32, #tpu.memory_space<vmem_shared>>) target(%dma_start3A_238 : memref<520x128xf32, #tpu.memory_space<hbm>>) target_semaphore(%run_scoped3A : memref<!tpu.dma_semaphore, #tpu.memory_space<semaphore_mem>>)
        %dma_wait3A = arith.constant 9480 : i32
        %dma_wait3A_242 = arith.constant 0 : i32
        %dma_wait3A_243 = tpu.memref_slice %arg5[%arg0, %dma_wait3A, %dma_wait3A_242] : memref<2x10008x128xf32, #tpu.memory_space<hbm>> -> memref<1x520x128xf32, #tpu.memory_space<hbm>>
        %dma_wait3A_244 = tpu.memref_squeeze %dma_wait3A_243 : memref<1x520x128xf32, #tpu.memory_space<hbm>> -> memref<520x128xf32, #tpu.memory_space<hbm>>
        %dma_wait3A_245 = arith.constant 9480 : i32
        %dma_wait3A_246 = arith.constant 0 : i32
        %dma_wait3A_247 = tpu.memref_slice %arg11[%dma_wait3A_245, %dma_wait3A_246] : memref<10008x128xf32, #tpu.memory_space<vmem_shared>> -> memref<520x128xf32, #tpu.memory_space<vmem_shared>>
        tpu.wait_dma2 semaphore(%run_scoped3A : memref<!tpu.dma_semaphore, #tpu.memory_space<semaphore_mem>>) src(%dma_wait3A_247 : memref<520x128xf32, #tpu.memory_space<vmem_shared>>) dst(%dma_wait3A_244 : memref<520x128xf32, #tpu.memory_space<hbm>>)
        tpu.yield
      }) : () -> ()
    } else {
    }
    return
  }
}

module attributes {stable_mosaic.version = 14 : i64} {
  func.func @body(%arg0: i32, %arg1: memref<2000x128xf32, #tpu.memory_space<vmem>>, %arg2: memref<1x128xf32, #tpu.memory_space<vmem>>, %arg3: memref<1x128xf32, #tpu.memory_space<vmem>>, %arg4: memref<2000x128xf32, #tpu.memory_space<vmem>>) attributes {dimension_semantics = [#tpu.dimension_semantics<arbitrary>], iteration_bounds = array<i64: 5>, scalar_prefetch = 0 : i64, scratch_operands = 0 : i64, tpu.core_type = #tpu.core_type<tc>, window_params = [{transform_indices = @transform_0, window_bounds = array<i64: 2000, 128>}, {pipeline_mode = #tpu.pipeline_mode<synchronous>, transform_indices = @transform_1, window_bounds = array<i64: 1, 128>}, {pipeline_mode = #tpu.pipeline_mode<synchronous>, transform_indices = @transform_2, window_bounds = array<i64: 1, 128>}, {transform_indices = @transform_3, window_bounds = array<i64: 2000, 128>}]} {
    %get3A = arith.constant 0 : index
    %get3A_0 = arith.constant 0 : index
    %get3A_1 = vector.load %arg1[%get3A, %get3A_0] : memref<2000x128xf32, #tpu.memory_space<vmem>>, vector<2000x128xf32>
    %reduce_sum3A = arith.constant dense<0.000000e+00> : vector<2000xf32>
    %reduce_sum3A_2 = vector.multi_reduction <add>, %get3A_1, %reduce_sum3A [1] : vector<2000x128xf32> to vector<2000xf32>
    %broadcast_in_dim3A = vector.shape_cast %reduce_sum3A_2 : vector<2000xf32> to vector<2000x1xf32>
    %div3A = arith.constant 1.280000e+02 : f32
    %div3A_3 = vector.broadcast %div3A : f32 to vector<2000x1xf32>
    %div3A_4 = arith.divf %broadcast_in_dim3A, %div3A_3 : vector<2000x1xf32>
    %sub3A = vector.broadcast %div3A_4 : vector<2000x1xf32> to vector<2000x128xf32>
    %sub3A_5 = arith.subf %get3A_1, %sub3A : vector<2000x128xf32>
    %mul3A = arith.mulf %sub3A_5, %sub3A_5 : vector<2000x128xf32>
    %reduce_sum3A_6 = arith.constant dense<0.000000e+00> : vector<2000xf32>
    %reduce_sum3A_7 = vector.multi_reduction <add>, %mul3A, %reduce_sum3A_6 [1] : vector<2000x128xf32> to vector<2000xf32>
    %broadcast_in_dim3A_8 = vector.shape_cast %reduce_sum3A_7 : vector<2000xf32> to vector<2000x1xf32>
    %div3A_9 = arith.constant 1.280000e+02 : f32
    %div3A_10 = vector.broadcast %div3A_9 : f32 to vector<2000x1xf32>
    %div3A_11 = arith.divf %broadcast_in_dim3A_8, %div3A_10 : vector<2000x1xf32>
    %add3A = arith.constant 9.99999974E-6 : f32
    %add3A_12 = vector.broadcast %add3A : f32 to vector<2000x1xf32>
    %add3A_13 = arith.addf %div3A_11, %add3A_12 : vector<2000x1xf32>
    %rsqrt3A = math.rsqrt %add3A_13 : vector<2000x1xf32>
    %mul3A_14 = vector.broadcast %rsqrt3A : vector<2000x1xf32> to vector<2000x128xf32>
    %mul3A_15 = arith.mulf %sub3A_5, %mul3A_14 : vector<2000x128xf32>
    %get3A_16 = arith.constant 0 : index
    %get3A_17 = arith.constant 0 : index
    %get3A_18 = vector.load %arg2[%get3A_16, %get3A_17] : memref<1x128xf32, #tpu.memory_space<vmem>>, vector<1x128xf32>
    %mul3A_19 = vector.broadcast %get3A_18 : vector<1x128xf32> to vector<2000x128xf32>
    %mul3A_20 = arith.mulf %mul3A_15, %mul3A_19 : vector<2000x128xf32>
    %get3A_21 = arith.constant 0 : index
    %get3A_22 = arith.constant 0 : index
    %get3A_23 = vector.load %arg3[%get3A_21, %get3A_22] : memref<1x128xf32, #tpu.memory_space<vmem>>, vector<1x128xf32>
    %add3A_24 = vector.broadcast %get3A_23 : vector<1x128xf32> to vector<2000x128xf32>
    %add3A_25 = arith.addf %mul3A_20, %add3A_24 : vector<2000x128xf32>
    %max3A = arith.constant 0.000000e+00 : f32
    %max3A_26 = vector.broadcast %max3A : f32 to vector<2000x128xf32>
    %max3A_27 = arith.maximumf %add3A_25, %max3A_26 : vector<2000x128xf32>
    %swap3A = arith.constant 0 : index
    %swap3A_28 = arith.constant 0 : index
    %swap3A_29 = vector.load %arg4[%swap3A, %swap3A_28] : memref<2000x128xf32, #tpu.memory_space<vmem>>, vector<2000x128xf32>
    tpu.vector_store %arg4[%swap3A, %swap3A_28], %max3A_27 {strides = array<i32>} : memref<2000x128xf32, #tpu.memory_space<vmem>>, vector<2000x128xf32>,
    return
  }
  func.func @transform_0(%arg0: i32) -> (i32, i32) {
    %c0_i32 = arith.constant 0 : i32
    %c0_i32_0 = arith.constant 0 : i32
    return %arg0, %c0_i32 : i32, i32
  }
  func.func @transform_1(%arg0: i32) -> (i32, i32) {
    %c0_i32 = arith.constant 0 : i32
    %c0_i32_0 = arith.constant 0 : i32
    %c0_i32_1 = arith.constant 0 : i32
    return %c0_i32, %c0_i32_0 : i32, i32
  }
  func.func @transform_2(%arg0: i32) -> (i32, i32) {
    %c0_i32 = arith.constant 0 : i32
    %c0_i32_0 = arith.constant 0 : i32
    %c0_i32_1 = arith.constant 0 : i32
    return %c0_i32, %c0_i32_0 : i32, i32
  }
  func.func @transform_3(%arg0: i32) -> (i32, i32) {
    %c0_i32 = arith.constant 0 : i32
    %c0_i32_0 = arith.constant 0 : i32
    return %arg0, %c0_i32 : i32, i32
  }
}

module attributes {stable_mosaic.version = 14 : i64} {
  func.func @body(%arg0: i32, %arg1: memref<1xf32, #tpu.memory_space<smem>>, %arg2: memref<2000x128xf32, #tpu.memory_space<vmem>>, %arg3: memref<2x2000x128xf32, #tpu.memory_space<vmem>>, %arg4: memref<1x128xf32, #tpu.memory_space<vmem>>, %arg5: memref<1x128xf32, #tpu.memory_space<vmem>>, %arg6: memref<128x128xf32, #tpu.memory_space<vmem>>, %arg7: memref<1x128xf32, #tpu.memory_space<vmem>>, %arg8: memref<2000x128xf32, #tpu.memory_space<vmem>>) attributes {dimension_semantics = [#tpu.dimension_semantics<arbitrary>], iteration_bounds = array<i64: 5>, scalar_prefetch = 0 : i64, scratch_operands = 0 : i64, tpu.core_type = #tpu.core_type<tc>, window_params = [{transform_indices = @transform_0, window_bounds = array<i64: 1>}, {transform_indices = @transform_1, window_bounds = array<i64: 2000, 128>}, {transform_indices = @transform_2, window_bounds = array<i64: 2, 2000, 128>}, {pipeline_mode = #tpu.pipeline_mode<synchronous>, transform_indices = @transform_3, window_bounds = array<i64: 1, 128>}, {pipeline_mode = #tpu.pipeline_mode<synchronous>, transform_indices = @transform_4, window_bounds = array<i64: 1, 128>}, {pipeline_mode = #tpu.pipeline_mode<synchronous>, transform_indices = @transform_5, window_bounds = array<i64: 128, 128>}, {pipeline_mode = #tpu.pipeline_mode<synchronous>, transform_indices = @transform_6, window_bounds = array<i64: 1, 128>}, {transform_indices = @transform_7, window_bounds = array<i64: 2000, 128>}]} {
    %get3A = arith.constant 0 : index
    %get3A_0 = arith.constant 0 : index
    %get3A_1 = vector.load %arg2[%get3A, %get3A_0] : memref<2000x128xf32, #tpu.memory_space<vmem>>, vector<2000x128xf32>
    %reduce_sum3A = arith.constant dense<0.000000e+00> : vector<2000xf32>
    %reduce_sum3A_2 = vector.multi_reduction <add>, %get3A_1, %reduce_sum3A [1] : vector<2000x128xf32> to vector<2000xf32>
    %broadcast_in_dim3A = vector.shape_cast %reduce_sum3A_2 : vector<2000xf32> to vector<2000x1xf32>
    %div3A = arith.constant 1.280000e+02 : f32
    %div3A_3 = vector.broadcast %div3A : f32 to vector<2000x1xf32>
    %div3A_4 = arith.divf %broadcast_in_dim3A, %div3A_3 : vector<2000x1xf32>
    %sub3A = vector.broadcast %div3A_4 : vector<2000x1xf32> to vector<2000x128xf32>
    %sub3A_5 = arith.subf %get3A_1, %sub3A : vector<2000x128xf32>
    %mul3A = arith.mulf %sub3A_5, %sub3A_5 : vector<2000x128xf32>
    %reduce_sum3A_6 = arith.constant dense<0.000000e+00> : vector<2000xf32>
    %reduce_sum3A_7 = vector.multi_reduction <add>, %mul3A, %reduce_sum3A_6 [1] : vector<2000x128xf32> to vector<2000xf32>
    %broadcast_in_dim3A_8 = vector.shape_cast %reduce_sum3A_7 : vector<2000xf32> to vector<2000x1xf32>
    %div3A_9 = arith.constant 1.280000e+02 : f32
    %div3A_10 = vector.broadcast %div3A_9 : f32 to vector<2000x1xf32>
    %div3A_11 = arith.divf %broadcast_in_dim3A_8, %div3A_10 : vector<2000x1xf32>
    %add3A = arith.constant 9.99999974E-6 : f32
    %add3A_12 = vector.broadcast %add3A : f32 to vector<2000x1xf32>
    %add3A_13 = arith.addf %div3A_11, %add3A_12 : vector<2000x1xf32>
    %rsqrt3A = math.rsqrt %add3A_13 : vector<2000x1xf32>
    %mul3A_14 = vector.broadcast %rsqrt3A : vector<2000x1xf32> to vector<2000x128xf32>
    %mul3A_15 = arith.mulf %sub3A_5, %mul3A_14 : vector<2000x128xf32>
    %get3A_16 = arith.constant 0 : index
    %get3A_17 = arith.constant 0 : index
    %get3A_18 = vector.load %arg4[%get3A_16, %get3A_17] : memref<1x128xf32, #tpu.memory_space<vmem>>, vector<1x128xf32>
    %mul3A_19 = vector.broadcast %get3A_18 : vector<1x128xf32> to vector<2000x128xf32>
    %mul3A_20 = arith.mulf %mul3A_15, %mul3A_19 : vector<2000x128xf32>
    %get3A_21 = arith.constant 0 : index
    %get3A_22 = arith.constant 0 : index
    %get3A_23 = vector.load %arg5[%get3A_21, %get3A_22] : memref<1x128xf32, #tpu.memory_space<vmem>>, vector<1x128xf32>
    %add3A_24 = vector.broadcast %get3A_23 : vector<1x128xf32> to vector<2000x128xf32>
    %add3A_25 = arith.addf %mul3A_20, %add3A_24 : vector<2000x128xf32>
    %max3A = arith.constant 0.000000e+00 : f32
    %max3A_26 = vector.broadcast %max3A : f32 to vector<2000x128xf32>
    %max3A_27 = arith.maximumf %add3A_25, %max3A_26 : vector<2000x128xf32>
    %get3A_28 = arith.constant 0 : index
    %get3A_29 = memref.load %arg1[%get3A_28] : memref<1xf32, #tpu.memory_space<smem>>
    %add3A_30 = arith.constant 1.000000e+00 : f32
    %add3A_31 = arith.addf %add3A_30, %get3A_29 : f32
    %mul3A_32 = vector.broadcast %add3A_31 : f32 to vector<2000x128xf32>
    %mul3A_33 = arith.mulf %mul3A_32, %max3A_27 : vector<2000x128xf32>
    %get3A_34 = arith.constant 0 : index
    %get3A_35 = arith.constant 0 : index
    %get3A_36 = arith.constant 0 : index
    %get3A_37 = vector.load %arg3[%get3A_34, %get3A_35, %get3A_36] : memref<2x2000x128xf32, #tpu.memory_space<vmem>>, vector<1x2000x128xf32>
    %get3A_38 = vector.shape_cast %get3A_37 : vector<1x2000x128xf32> to vector<2000x128xf32>
    %add3A_39 = arith.addf %mul3A_33, %get3A_38 : vector<2000x128xf32>
    %get3A_40 = arith.constant 1 : index
    %get3A_41 = arith.constant 0 : index
    %get3A_42 = arith.constant 0 : index
    %get3A_43 = vector.load %arg3[%get3A_40, %get3A_41, %get3A_42] : memref<2x2000x128xf32, #tpu.memory_space<vmem>>, vector<1x2000x128xf32>
    %get3A_44 = vector.shape_cast %get3A_43 : vector<1x2000x128xf32> to vector<2000x128xf32>
    %add3A_45 = arith.addf %add3A_39, %get3A_44 : vector<2000x128xf32>
    %get3A_46 = arith.constant 0 : index
    %get3A_47 = arith.constant 0 : index
    %get3A_48 = vector.load %arg6[%get3A_46, %get3A_47] : memref<128x128xf32, #tpu.memory_space<vmem>>, vector<128x128xf32>
    %dot_general3A = arith.constant dense<0.000000e+00> : vector<2000x128xf32>
    %dot_general3A_49 = tpu.matmul %add3A_45, %get3A_48, %dot_general3A {dimension_numbers = #tpu.dot_dimension_numbers<[1], [1], [0], [0], [0, 0, 1, 0], [], []>, transpose_lhs_hint = false} : vector<2000x128xf32>, vector<128x128xf32>, vector<2000x128xf32> -> vector<2000x128xf32>
    %get3A_50 = arith.constant 0 : index
    %get3A_51 = arith.constant 0 : index
    %get3A_52 = vector.load %arg7[%get3A_50, %get3A_51] : memref<1x128xf32, #tpu.memory_space<vmem>>, vector<1x128xf32>
    %add3A_53 = vector.broadcast %get3A_52 : vector<1x128xf32> to vector<2000x128xf32>
    %add3A_54 = arith.addf %dot_general3A_49, %add3A_53 : vector<2000x128xf32>
    %add3A_55 = arith.addf %add3A_54, %get3A_1 : vector<2000x128xf32>
    %swap3A = arith.constant 0 : index
    %swap3A_56 = arith.constant 0 : index
    %swap3A_57 = vector.load %arg8[%swap3A, %swap3A_56] : memref<2000x128xf32, #tpu.memory_space<vmem>>, vector<2000x128xf32>
    tpu.vector_store %arg8[%swap3A, %swap3A_56], %add3A_55 {strides = array<i32>} : memref<2000x128xf32, #tpu.memory_space<vmem>>, vector<2000x128xf32>,
    return
  }
  func.func @transform_0(%arg0: i32) -> i32 {
    %c0_i32 = arith.constant 0 : i32
    %c0_i32_0 = arith.constant 0 : i32
    return %c0_i32 : i32
  }
  func.func @transform_1(%arg0: i32) -> (i32, i32) {
    %c0_i32 = arith.constant 0 : i32
    %c0_i32_0 = arith.constant 0 : i32
    return %arg0, %c0_i32 : i32, i32
  }
  func.func @transform_2(%arg0: i32) -> (i32, i32, i32) {
    %c0_i32 = arith.constant 0 : i32
    %c0_i32_0 = arith.constant 0 : i32
    %c0_i32_1 = arith.constant 0 : i32
    return %c0_i32, %arg0, %c0_i32_0 : i32, i32, i32
  }
  func.func @transform_3(%arg0: i32) -> (i32, i32) {
    %c0_i32 = arith.constant 0 : i32
    %c0_i32_0 = arith.constant 0 : i32
    %c0_i32_1 = arith.constant 0 : i32
    return %c0_i32, %c0_i32_0 : i32, i32
  }
  func.func @transform_4(%arg0: i32) -> (i32, i32) {
    %c0_i32 = arith.constant 0 : i32
    %c0_i32_0 = arith.constant 0 : i32
    %c0_i32_1 = arith.constant 0 : i32
    return %c0_i32, %c0_i32_0 : i32, i32
  }
  func.func @transform_5(%arg0: i32) -> (i32, i32) {
    %c0_i32 = arith.constant 0 : i32
    %c0_i32_0 = arith.constant 0 : i32
    %c0_i32_1 = arith.constant 0 : i32
    return %c0_i32, %c0_i32_0 : i32, i32
  }
  func.func @transform_6(%arg0: i32) -> (i32, i32) {
    %c0_i32 = arith.constant 0 : i32
    %c0_i32_0 = arith.constant 0 : i32
    %c0_i32_1 = arith.constant 0 : i32
    return %c0_i32, %c0_i32_0 : i32, i32
  }
  func.func @transform_7(%arg0: i32) -> (i32, i32) {
    %c0_i32 = arith.constant 0 : i32
    %c0_i32_0 = arith.constant 0 : i32
    return %arg0, %c0_i32 : i32, i32
  }
}

</mosaic_0001>

<sc_bundles>
// kernel: kernel.5.cloned.1.call-start
scs
__scs_entry_jumppad:
0x0: {  	(pc) =	sbr.rel $0x88, $3  }
0x1: {  	(tag) =	ssettag $0x0;
	lr =	simm.s32 $0x1  }
0x2: {  	[smem:$0x3F9A] =	sst lr;
	_ =	strace $0xD0000000  }
0x3: {  	_ = 	snop  }
0x4: {  	_ = 	snop  }
0x5: {  	_ = 	snop  }
0x6: {  	_ = 	snop  }
0x7: {  	_ = 	snop  }
__scs_overlays_trampoline_lowered:
0x8: {  	[smem:$0x3FA9] =	sst s0  }
0x9: {  	[smem:$0x3FAA] =	sst s1  }
0xa: {  	[smem:$0x3FAB] =	sst s2  }
0xb: {  	[smem:$0x3FAC] =	sst s3  }
0xc: {  	[smem:$0x3FAD] =	sst s4  }
0xd: {  	[smem:$0x3FAE] =	sst s5  }
0xe: {  	[smem:$0x3FAF] =	sst s6  }
0xf: {  	[smem:$0x3FB0] =	sst s7  }
0x10: {  	[smem:$0x3FB1] =	sst s8  }
0x11: {  	[smem:$0x3FB2] =	sst s9;
	s0 =	simm.s32 @!p0 $0x0  }
0x12: {  	s1 =	sld [smem:$0x3F98];
	s0 =	simm.s32 @p0 $0x1  }
0x13: {  	[smem:$0x3FB3] =	sst s0;
	s0 =	simm.s32 @!p1 $0x0  }
0x14: {  	s2 =	sld [smem:$0x3F97];
	s0 =	simm.s32 @p1 $0x1  }
0x15: {  	[smem:$0x3FB4] =	sst s0;
	s0 =	simm.s32 @!p2 $0x0  }
0x16: {  	s3 =	sld [smem:$0x3FDB];
	s0 =	simm.s32 @p2 $0x1  }
0x17: {  	s4 =	simm.s32 $0x1BF5;
	[smem:$0x3FB6] =	sst s0  }
0x18: {  	s0 =	sld [smem:$0x3F99];
	_ =	swait.ge [sflag:s4], $0x0  }
0x19: {  	s7 =	sld [smem:$0x3F9A]  }
0x1a: {  	s8 =	sadd.s32 $0xFFFFE003, lr  }
0x1b: {  	s9 =	sadd.s32 $0xFFFFFEF7, lr;
	s5 =	simm.s32 $0xFFFFFFFF;
	p2 =	slt.u32 s8, $0xFFFFF086  }
0x1c: {  	p1 =	slt.u32 s9, $0xF7A;
	s5 =	simm.s32 @!p2 $0x0  }
0x1d: {  	s5 =	simm.s32 @p1 $0x1;
	p0 =	seq.s32 s7, s2  }
0x1e: {  	s7 =	smul.u32 @!p0 $0xF7A, s2;
	p2 =	seq.s32 @!p0 s5, $0x0  }
0x1f: {  	s9 =	smul.u32 $0xF7A, s1;
	s8 =	simm.s32 @!p0 $0x1BF5;
	p2 =	por !p2, p0  }
0x20: {  	[sflag:s8] =	ssyncset.s32 @!p0 $0xFFFFF086;
	s6 =	sadd.s32 @!p0 s3, s7;
	s7 =	simm.s32 @!p0 $0x108  }
0x21: {  	s3 =	sadd.s32 s3, s9;
	s6 =	sadd.s32 @!p0 $0x88, s6;
	s7 =	simm.s32 @p2 $0x1082  }
0x22: {  	[simem:s7], [sflag:s8] =	dma.local @!p0 [hbm:s6], $0xF7A  }
0x23: {  	s9 =	sor.u32 $0xD0000000, s2;
	s6 =	simm.s32 $0x108;
	_ =	swait.ge @!p0 [sflag:s8], $0x0  }
0x24: {  	s3 =	sadd.s32 $0x88, s3;
	s6 =	simm.s32 @!p1 $0x1082;
	[sflag:s4] =	ssyncset.s32 $0xFFFFF086  }
0x25: {  	[simem:s6], [sflag:s4] =	dma.local [hbm:s3], $0xF7A  }
0x26: {  	[smem:$0x3F9A] =	sst s1;
	(tag) =	ssettag s2;
	_ =	strace s9  }
0x27: {  	s1 =	sld [smem:$0x3FAA]  }
0x28: {  	s2 =	sld [smem:$0x3FAB]  }
0x29: {  	s4 =	sld [smem:$0x3FAD]  }
0x2a: {  	p0 =	seq.s32 s5, $0x0;
	s5 =	sld [smem:$0x3FAE]  }
0x2b: {  	s6 =	sld [smem:$0x3FAF]  }
0x2c: {  	s7 =	sld [smem:$0x3FB0]  }
0x2d: {  	s3 =	simm.s32 $0x108;
	s8 =	sld [smem:$0x3FB1]  }
0x2e: {  	s3 =	simm.s32 @!p0 $0x1082;
	s9 =	sld [smem:$0x3FB2]  }
0x2f: {  	lr =	sadd.s32 s0, s3;
	s0 =	sld [smem:$0x3FA9]  }
0x30: {  	s3 =	sld [smem:$0x3FAC]  }
0x31: {  	[smem:$0x3FB5] =	sst s10  }
0x32: {  	s10 =	sld [smem:$0x3FB3];
	_ =	sdelay $0x3  }
0x33: {  	p0 =	seq.s32 s10, $0x1;
	s10 =	sld [smem:$0x3FB5];
	_ =	sdelay $0x3  }
0x34: {  	[smem:$0x3FB5] =	sst s10  }
0x35: {  	s10 =	sld [smem:$0x3FB4];
	_ =	sdelay $0x3  }
0x36: {  	p1 =	seq.s32 s10, $0x1;
	s10 =	sld [smem:$0x3FB5];
	_ =	sdelay $0x3  }
0x37: {  	[smem:$0x3FB5] =	sst s10  }
0x38: {  	s10 =	sld [smem:$0x3FB6]  }
0x39: {  	_ = 	snop;
	(pc) =	sbr.ind lr, $3  }
0x3a: {  	_ = 	snop  }
0x3b: {  	_ = 	snop  }
0x3c: {  	p2 =	seq.s32 s10, $0x1;
	s10 =	sld [smem:$0x3FB5]  }
0x3d: {  	_ =	shalt  }
0x3e: {  	_ =	shalt  }
0x3f: {  	_ =	shalt  }
0x40: {  	_ =	shalt  }
0x41: {  	_ =	shalt  }
0x42: {  	_ =	shalt  }
0x43: {  	_ =	shalt  }
0x44: {  	_ =	shalt  }
0x45: {  	_ =	shalt  }
0x46: {  	_ =	shalt  }
0x47: {  	_ =	shalt  }
0x48: {  	_ =	shalt  }
0x49: {  	_ =	shalt  }
0x4a: {  	_ =	shalt  }
0x4b: {  	_ =	shalt  }
0x4c: {  	_ =	shalt  }
0x4d: {  	_ =	shalt  }
0x4e: {  	_ =	shalt  }
0x4f: {  	_ =	shalt  }
0x50: {  	_ =	shalt  }
0x51: {  	_ =	shalt  }
0x52: {  	_ =	shalt  }
0x53: {  	_ =	shalt  }
0x54: {  	_ =	shalt  }
0x55: {  	_ =	shalt  }
0x56: {  	_ =	shalt  }
0x57: {  	_ =	shalt  }
0x58: {  	_ =	shalt  }
0x59: {  	_ =	shalt  }
0x5a: {  	_ =	shalt  }
0x5b: {  	_ =	shalt  }
0x5c: {  	_ =	shalt  }
0x5d: {  	_ =	shalt  }
0x5e: {  	_ =	shalt  }
0x5f: {  	_ =	shalt  }
0x60: {  	_ =	shalt  }
0x61: {  	_ =	shalt  }
0x62: {  	_ =	shalt  }
0x63: {  	_ =	shalt  }
0x64: {  	_ =	shalt  }
0x65: {  	_ =	shalt  }
0x66: {  	_ =	shalt  }
0x67: {  	_ =	shalt  }
0x68: {  	_ =	shalt  }
0x69: {  	_ =	shalt  }
0x6a: {  	_ =	shalt  }
0x6b: {  	_ =	shalt  }
0x6c: {  	_ =	shalt  }
0x6d: {  	_ =	shalt  }
0x6e: {  	_ =	shalt  }
0x6f: {  	_ =	shalt  }
0x70: {  	_ =	shalt  }
0x71: {  	_ =	shalt  }
0x72: {  	_ =	shalt  }
0x73: {  	_ =	shalt  }
0x74: {  	_ =	shalt  }
0x75: {  	_ =	shalt  }
0x76: {  	_ =	shalt  }
0x77: {  	_ =	shalt  }
0x78: {  	_ =	shalt  }
0x79: {  	_ =	shalt  }
0x7a: {  	_ =	shalt  }
0x7b: {  	_ =	shalt  }
0x7c: {  	_ =	shalt  }
0x7d: {  	_ =	shalt  }
0x7e: {  	_ =	shalt  }
0x7f: {  	_ =	shalt  }
0x80: {  	_ =	shalt  }
0x81: {  	_ =	shalt  }
0x82: {  	_ =	shalt  }
0x83: {  	_ =	shalt  }
0x84: {  	_ =	shalt  }
0x85: {  	_ =	shalt  }
0x86: {  	_ =	shalt  }
0x87: {  	_ =	shalt  }
.Lfunc_end0:
.L_simem_size_0:
called_computation_lowered:
.L_overlay_start_0:
0x88: {  	s2 =	sld [smem:$0x3FD9]  }
0x89: {  	s3 =	sld [smem:$0x3FFE];
	_ =	sdelay $0x1  }
0x8a: {  	s1 =	srdreg.scid  }
0x8b: {  	s0 =	sand.u32 $0x1, s1  }
0x8c: {  	s17 =	sshll.u32 s0, $0xA;
	s2 =	sadd.s32 s3, s2  }
0x8d: {  	s2 =	sadd.s32 s2, s17  }
0x8e: {  	[smem:$0x3FC1] =	sst s2  }
0x8f: {  	_ = 	snop  }
0x90: {  	s2 =	sld [smem:$0x3FD0];
	(tm) =	ssettm $0x1  }
0x91: {  	s18 =	sld [smem:$0x3FFB];
	_ =	sdelay $0x3  }
0x92: {  	_ =	strace s18  }
0x93: {  	s3 =	sld [smem:$0x3FFC];
	_ =	sdelay $0x3  }
0x94: {  	_ =	strace s3  }
0x95: {  	s3 =	sld [smem:$0x3FFD];
	_ =	sdelay $0x3  }
0x96: {  	_ =	strace s3  }
0x97: {  	_ =	strace $0x8FFFFFFF  }
0x98: {  	s19 =	sld [smem:$0x3FDB];
	_ =	sdelay $0x1  }
0x99: {  	s4 =	simm.s32 $_scs_section_size  }
0x9a: {  	s5 =	simm.s32 $_size__tile_overlayer_lowered;
	s6 =	simm.s32 $_tile_overlayer_lowered  }
0x9b: {  	s22 =	simm.s32 $0x1BFF;
	s21 =	sshll.u32 s6, $0x1;
	s3 =	sadd.s32 s4, s19  }
0x9c: {  	s7 =	simm.s32 $0x0;
	s20 =	sshll.u32 s5, $0x1;
	s5 =	sadd.s32 s21, s3  }
0x9d: {  	[timem:s7], [sflag:s22] =	dma.local [hbm:s5], s20  }
0x9e: {  	_ =	swait.ge [sflag:s22], s20  }
0x9f: {  	s4 =	ssub.s32 $0x0, s20;
	[sflag:s22] =	ssyncset.done $0x0  }
0xa0: {  	[sflag:s22] =	ssyncadd.s32 s4;
	_ =	sdelay $0x1  }
0xa1: {  	s23 =	simm.s32 $0x1B8B  }
0xa2: {  	_ =	swait.ge [sflag:s23], $0x1  }
0xa3: {  	[sflag:s23] =	ssyncset.done $0x0  }
0xa4: {  	s25 =	simm.s32 $0x1B8E;
	s24 =	sld [smem:$0x3FFE];
	[sflag:s23] =	ssyncadd.s32 $0xFFFFFFFF  }
0xa5: {  	s26 =	simm.s32 $execute0_lowered;
	[smem:$0x3FD2] =	sst s25  }
0xa6: {  	s5 =	sshll.u32 s26, $0x1;
	_ =	strace $0x80000046;
	[dreg:$0x1] =	wrdreg $0xFFFFFFFF  }
0xa7: {  	s28 =	simm.s32 $_size_execute0_lowered;
	s3 =	sadd.s32 s3, s5;
	[dreg:$0x0] =	wrdreg $0x0  }
0xa8: {  	s5 =	sshll.u32 s28, $0x1;
	[dreg:$0x2] =	wrdreg s3  }
0xa9: {  	[dreg:$0x3] =	wrdreg s5  }
0xaa: {  	[dreg:$0x4] =	wrdreg $0xC0  }
0xab: {  	_ =	task [dreg:s7], $0x5FFFF  }
0xac: {  	[dreg:$0x1] =	wrdreg $0xFFFFFFFF  }
0xad: {  	[dreg:$0x0] =	wrdreg $0x60  }
0xae: {  	[dreg:$0x2] =	wrdreg s2  }
0xaf: {  	[dreg:$0x3] =	wrdreg s24  }
0xb0: {  	[dreg:$0x4] =	wrdreg $0x25000  }
0xb1: {  	[dreg:$0x5] =	wrdreg $0xC5000  }
0xb2: {  	[dreg:$0x6] =	wrdreg $0x9  }
0xb3: {  	_ =	task.clear_ibuf [dreg:s7], $0x7FFFF;
	_ =	strace $0x90000046  }
0xb4: {  	s29 =	simm.s32 $0x9;
	_ =	strace $0x80000048  }
0xb5: {  	_ =	swait.ge [sflag:s29], $0x1  }
0xb6: {  	[sflag:s29] =	ssyncadd.s32 $0xFFFFFFFF  }
0xb7: {  	_ =	strace $0x90000048  }
0xb8: {  	_ =	sfence  }
0xb9: {  	s30 =	sld [smem:$0x0];
	_ =	sdelay $0x2  }
0xba: {  	s31 =	sshll.u32 s1, $0xD;
	s1 =	sshrl.u32 s1, $0x2  }
0xbb: {  	s3 =	sand.u32 $0x4000, s31;
	s1 =	sadd.s32 s1, s30  }
0xbc: {  	s0 =	sor.u32 s3, s0;
	s1 =	sshll.u32 s1, $0x11  }
0xbd: {  	s0 =	sor.u32 s1, s0  }
0xbe: {  	s0 =	sadd.s32 $0x8F2B, s0  }
0xbf: {  	[sflag:s0] =	ssyncadd.remote.s32 $0x1  }
0xc0: {  	_ =	sfence.sel $0xFFFF  }
0xc1: {  	[dreg:$0x0] =	wrdreg $0xFFFFFFFF;
	(pc) =	sbr.abs _section_cstart, $3  }
0xc2: {  	[dreg:$0x1] =	wrdreg $0xFFFFFFFF  }
0xc3: {  	_ =	task.clear_ibuf [dreg:s7], $0x2FFFF;
	_ =	strace $0x9FFFFFFF  }
0xc4: {  	(tm) =	ssettm $0x7FFFFFFF  }
0xc5: {  	_ =	shalt  }
tec
execute0_lowered:
.L_overlay_start_1:
0x0: {  	(tag) =	ssettag $0x1  }
0x1: {  	s0 =	srdreg.scid;
	s25 =	stileid.u32  }
0x2: {  	s0 =	sand.u32 $0x1, s0;
	s2 =	smul.u32 $0x140, s25  }
0x3: {  	s20 =	smul.u32 $0x1400, s0  }
0x4: {  	s8 =	rddreg [dreg:$0x0];
	s1 =	ssub.s32 $0x2, s0;
	s0 =	smul.u32 $0x138C00, s0  }
0x5: {  	s4 =	sshrl.u32 s1, $0x1;
	s5 =	sor.u32 $0x20, s2;
	s6 =	sadd.s32 $0x40, s2  }
0x6: {  	s13 =	sadd.s32 $0x80, s2;
	s18 =	sadd.s32 $0xA0, s2;
	s3 =	sadd.s32 s2, s20  }
0x7: {  	s1 =	ssub.s32 s1, s4;
	s9 =	sadd.s32 s20, s5;
	s4 =	sadd.s32 $0x60, s2  }
0x8: {  	s10 =	sadd.s32 s20, s6;
	s14 =	sadd.s32 s20, s13;
	s15 =	sadd.s32 s20, s18  }
0x9: {  	s3 =	sshll.u32 s3, $0x4;
	s19 =	sshll.u32 s9, $0x4;
	s11 =	sadd.s32 s20, s4  }
0xa: {  	s21 =	sshll.u32 s10, $0x4;
	s23 =	sshll.u32 s14, $0x4;
	s3 =	sadd.s32 s8, s3  }
0xb: {  	s24 =	sshll.u32 s15, $0x4;
	s7 =	sshll.u32 s11, $0x4;
	[dreg:$0x5] =	wrdreg s3  }
0xc: {  	s3 =	sadd.s32 s8, s19;
	s22 =	sadd.s32 s8, s7;
	s7 =	sadd.s32 $0xC0, s2  }
0xd: {  	s19 =	sadd.s32 $0xE0, s2;
	[dreg:$0x6] =	wrdreg s3;
	s3 =	sadd.s32 s8, s21  }
0xe: {  	[dreg:$0x8] =	wrdreg s22;
	s16 =	sadd.s32 s20, s7;
	s17 =	sadd.s32 s20, s19  }
0xf: {  	[dreg:$0x7] =	wrdreg s3;
	s3 =	sadd.s32 s8, s23;
	s12 =	sshll.u32 s16, $0x4  }
0x10: {  	s28 =	sshll.u32 s17, $0x4;
	[dreg:$0x9] =	wrdreg s3;
	s3 =	sadd.s32 s8, s24  }
0x11: {  	s26 =	sadd.s32 s8, s12;
	[dreg:$0xa] =	wrdreg s3;
	s3 =	sadd.s32 $0x100, s2  }
0x12: {  	s24 =	smul.u32 $0x13C00, s25;
	s2 =	sadd.s32 $0x120, s2;
	s21 =	sadd.s32 s20, s3  }
0x13: {  	s12 =	sadd.s32 s8, s28;
	s23 =	sadd.s32 s20, s2;
	s22 =	sshll.u32 s21, $0x4  }
0x14: {  	[dreg:$0xb] =	wrdreg s26;
	s30 =	sadd.s32 s8, s22;
	s22 =	sshll.u32 s23, $0x4  }
0x15: {  	s26 =	rddreg [dreg:$0x1];
	s24 =	sadd.s32 s24, s0;
	s8 =	sadd.s32 s8, s22  }
0x16: {  	s28 =	sadd.s32 $0x32E00, s26;
	[dreg:$0xe] =	wrdreg s8;
	s8 =	sshrl.u32 s24, $0x3  }
0x17: {  	s5 =	sshll.u32 s5, $0x7;
	p0 =	sgt.u32 s9, $0x26F0;
	s8 =	sadd.s32 s28, s8  }
0x18: {  	s6 =	sshll.u32 s6, $0x7;
	[dreg:$0xf] =	wrdreg s8;
	s8 =	simm.s32 @!p0 $0x0  }
0x19: {  	p1 =	sgt.u32 s10, $0x26F0;
	p2 =	sgt.u32 s11, $0x26F0;
	s8 =	simm.s32 @p0 $0x1  }
0x1a: {  	p4 =	sgt.u32 s14, $0x26F0;
	[smem:$0x7D3] =	sst s8;
	s8 =	simm.s32 @!p2 $0x0  }
0x1b: {  	[dreg:$0xc] =	wrdreg s12;
	p0 =	sgt.u32 @p4 s14, $0x270F;
	s8 =	simm.s32 @p2 $0x1  }
0x1c: {  	s12 =	simm.s32 $0x0;
	[smem:$0x7D4] =	sst s8;
	s8 =	simm.s32 @!p0 $0x0  }
0x1d: {  	[smem:$0x7FF] =	sst s12;
	p2 =	sgt.u32 s15, $0x26F0;
	s8 =	simm.s32 @p0 $0x1  }
0x1e: {  	p5 =	sgt.u32 s16, $0x26F0;
	[smem:$0x7F2] =	sst s8;
	s8 =	simm.s32 @!p2 $0x0  }
0x1f: {  	[dreg:$0xd] =	wrdreg s30;
	p0 =	sgt.u32 @p5 s16, $0x270F;
	s8 =	simm.s32 @p2 $0x1  }
0x20: {  	s4 =	sshll.u32 s4, $0x7;
	[smem:$0x7D5] =	sst s8;
	s8 =	simm.s32 @!p0 $0x0  }
0x21: {  	s30 =	smul.u32 $0x28000, s25;
	p2 =	sgt.u32 s17, $0x26F0;
	s8 =	simm.s32 @p0 $0x1  }
0x22: {  	p0 =	sgt.u32 s21, $0x26F0;
	[smem:$0x7F6] =	sst s8;
	s8 =	simm.s32 @!p2 $0x0  }
0x23: {  	s14 =	rddreg [dreg:$0x2];
	s8 =	simm.s32 @p2 $0x1;
	p2 =	sgt.u32 @p0 s21, $0x270F  }
0x24: {  	s10 =	sshll.u32 s18, $0x7;
	s15 =	rddreg [dreg:$0x3];
	s9 =	simm.s32 @!p2 $0x0  }
0x25: {  	[smem:$0x7D6] =	sst s8;
	s8 =	sshrl.u32 s30, $0x2;
	s9 =	simm.s32 @p2 $0x1  }
0x26: {  	s11 =	smul.u32 $0x4F000, s25;
	s8 =	sadd.s32 s8, s14;
	[smem:$0x7FA] =	sst s9  }
0x27: {  	s5 =	sadd.s32 s5, s14;
	_ =	strace $0x80000047;
	[dreg:$0x10] =	wrdreg s8  }
0x28: {  	s0 =	sshrl.u32 s0, $0x3;
	s4 =	sadd.s32 s4, s14;
	[dreg:$0x11] =	wrdreg s5  }
0x29: {  	s22 =	sshll.u32 s19, $0x7;
	s18 =	sadd.s32 s10, s14;
	[dreg:$0x13] =	wrdreg s4  }
0x2a: {  	s0 =	sadd.s32 s28, s0;
	s24 =	sadd.s32 s22, s14;
	[dreg:$0x15] =	wrdreg s18  }
0x2b: {  	p3 =	sgt.u32 s23, $0x26F0;
	s0 =	sadd.s32 $0x25080, s0;
	[dreg:$0x17] =	wrdreg s24  }
0x2c: {  	s9 =	sshll.u32 s13, $0x7;
	s8 =	sadd.s32 s6, s14;
	[dreg:$0x19] =	wrdreg s0  }
0x2d: {  	s21 =	sshll.u32 s7, $0x7;
	s13 =	sadd.s32 s9, s14;
	[dreg:$0x12] =	wrdreg s8  }
0x2e: {  	s23 =	sshrl.u32 s11, $0x2;
	s4 =	sadd.s32 s21, s14;
	[dreg:$0x14] =	wrdreg s13  }
0x2f: {  	s16 =	sadd.s32 $0x28E00, s26;
	[dreg:$0x16] =	wrdreg s4;
	s4 =	sadd.s32 s23, s15  }
0x30: {  	p2 =	seq.s32 s25, $0xF;
	s25 =	sadd.s32 $0x1000, s4;
	[dreg:$0x18] =	wrdreg s4  }
0x31: {  	s17 =	sadd.s32 $0xE00, s26;
	s26 =	sadd.s32 $0x2000, s4;
	[dreg:$0x1a] =	wrdreg s25  }
0x32: {  	s28 =	sadd.s32 $0x3000, s4;
	[dreg:$0x1b] =	wrdreg s26  }
0x33: {  	s30 =	sadd.s32 $0x4000, s4;
	[dreg:$0x1c] =	wrdreg s28  }
0x34: {  	s5 =	sadd.s32 $0x5000, s4;
	[dreg:$0x1d] =	wrdreg s30  }
0x35: {  	s6 =	sadd.s32 $0x6000, s4;
	[dreg:$0x1e] =	wrdreg s5  }
0x36: {  	s7 =	sadd.s32 $0x7000, s4;
	[dreg:$0x1f] =	wrdreg s6  }
0x37: {  	s8 =	sadd.s32 $0x8000, s4;
	[smem:$0x7D7] =	sst s7  }
0x38: {  	s9 =	sadd.s32 $0x9000, s4;
	[smem:$0x7D8] =	sst s8  }
0x39: {  	s10 =	sadd.s32 $0xA000, s4;
	[smem:$0x7D9] =	sst s9  }
0x3a: {  	s11 =	sadd.s32 $0xB000, s4;
	[smem:$0x7DA] =	sst s10  }
0x3b: {  	s13 =	sadd.s32 $0xC000, s4;
	[smem:$0x7DB] =	sst s11  }
0x3c: {  	s18 =	sadd.s32 $0xD000, s4;
	[smem:$0x7DC] =	sst s13  }
0x3d: {  	s19 =	sadd.s32 $0xE000, s4;
	[smem:$0x7DD] =	sst s18  }
0x3e: {  	s21 =	sadd.s32 $0xF000, s4;
	[smem:$0x7DE] =	sst s19  }
0x3f: {  	s22 =	sadd.s32 $0x10000, s4;
	[smem:$0x7DF] =	sst s21  }
0x40: {  	s23 =	sadd.s32 $0x11000, s4;
	[smem:$0x7E0] =	sst s22  }
0x41: {  	s24 =	sadd.s32 $0x12000, s4;
	[smem:$0x7E1] =	sst s23  }
0x42: {  	[smem:$0x7E2] =	sst s24  }
0x43: {  	s18 =	sld [smem:$0x7F2]  }
0x44: {  	s25 =	sadd.s32 $0x13000, s4;
	s22 =	sld [smem:$0x7F6]  }
0x45: {  	s28 =	sadd.s32 $0x128400, s15;
	[smem:$0x7E3] =	sst s25  }
0x46: {  	s30 =	sadd.s32 $0x129400, s15;
	[smem:$0x7E4] =	sst s28  }
0x47: {  	s26 =	sshll.u32 s3, $0x7;
	s3 =	sadd.s32 $0x12A400, s15;
	[smem:$0x7E5] =	sst s30  }
0x48: {  	s4 =	sadd.s32 $0x12B400, s15;
	[smem:$0x7E7] =	sst s3  }
0x49: {  	s6 =	sadd.s32 $0x12C400, s15;
	[smem:$0x7E8] =	sst s4  }
0x4a: {  	s7 =	sadd.s32 $0x12D400, s15;
	[smem:$0x7E9] =	sst s6  }
0x4b: {  	s8 =	sadd.s32 $0x12E400, s15;
	[smem:$0x7EA] =	sst s7  }
0x4c: {  	s9 =	sadd.s32 $0x12F400, s15;
	[smem:$0x7EC] =	sst s8  }
0x4d: {  	s10 =	smax.u32 s1, $0x1;
	[smem:$0x7ED] =	sst s9  }
0x4e: {  	s11 =	sadd.s32 $0x130400, s15;
	[smem:$0x7EE] =	sst s10  }
0x4f: {  	s13 =	sadd.s32 $0x131400, s15;
	[smem:$0x7EF] =	sst s11  }
0x50: {  	s31 =	simm.s32 $0x80;
	s19 =	sadd.s32 $0x132400, s15;
	[smem:$0x7F0] =	sst s13  }
0x51: {  	s29 =	simm.s32 $0x280;
	s21 =	sadd.s32 $0x133400, s15;
	[smem:$0x7F3] =	sst s19  }
0x52: {  	v0 =	vmov s20;
	s20 =	simm.s32 $0x400;
	s23 =	sadd.s32 $0x134400, s15;
	[smem:$0x7F4] =	sst s21  }
0x53: {  	s5 =	sshll.u32 s2, $0x7;
	s24 =	sadd.s32 $0x135400, s15;
	[smem:$0x7F7] =	sst s23  }
0x54: {  	s1 =	simm.s32 $0x500;
	s2 =	simm.s32 $0x5;
	[smem:$0x7F8] =	sst s24  }
0x55: {  	s0 =	sadd.s32 s26, s14;
	s25 =	sld [smem:$0x7FA];
	s26 =	sadd.s32 $0x136400, s15  }
0x56: {  	s28 =	sadd.s32 $0x137400, s15;
	s30 =	sadd.s32 $0x138400, s15;
	s4 =	simm.s32 $0x3  }
0x57: {  	s6 =	simm.s32 $0x4;
	s8 =	simm.s32 $0x20;
	s10 =	simm.s32 $0x1500  }
0x58: {  	s11 =	simm.s32 $0x1;
	s21 =	simm.s32 $0x2;
	[smem:$0x7E6] =	sst s0  }
0x59: {  	s13 =	simm.s32 $0xA0;
	s3 =	simm.s32 $0x300;
	[smem:$0x7FB] =	sst s26  }
0x5a: {  	s7 =	simm.s32 $0x380;
	s0 =	sadd.s32 s5, s14;
	[smem:$0x7FC] =	sst s28  }
0x5b: {  	s9 =	simm.s32 $0xE0;
	[smem:$0x7EB] =	sst s0;
	s0 =	simm.s32 @!p4 $0x0  }
0x5c: {  	s19 =	simm.s32 $0x0;
	[smem:$0x7FD] =	sst s30;
	s0 =	simm.s32 @p4 $0x1  }
0x5d: {  	p6 =	seq.s32 s18, $0x1;
	[smem:$0x7F1] =	sst s0;
	s0 =	simm.s32 @!p5 $0x0  }
0x5e: {  	s5 =	simm.s32 $0xC0;
	p4 =	por p6, !p4;
	s0 =	simm.s32 @p5 $0x1  }
0x5f: {  	p6 =	seq.s32 s22, $0x1;
	[smem:$0x7F5] =	sst s0;
	s0 =	simm.s32 @!p0 $0x0  }
0x60: {  	p6 =	por p6, !p5;
	p5 =	seq.s32 s25, $0x1;
	s0 =	simm.s32 @p0 $0x1  }
0x61: {  	v1 =	vimm.f32 $0.0e+00;
	s22 =	simm.s32 $0x480;
	p5 =	por p5, !p0;
	[smem:$0x7F9] =	sst s0  }
.LBB2_1:
0x62: {  	[smem:$0x7D2] =	sst s19  }
0x63: {  	s0 =	rddreg [dreg:$0x5]  }
0x64: {  	[tilespmem:s1], [sflag:$0x5] =	stream.linear.gather [hbm4b:s0+s12], $0x1000, $0x38;
	[tilespmem:$0x1FDC0] =	vst v63  }
0x65: {  	_ =	swait.ge [sflag:s2], $0x1000  }
0x66: {  	[sflag:s2] =	ssyncset.done $0x0  }
0x67: {  	s18 =	rddreg [dreg:$0x10];
	[sflag:s2] =	ssyncadd.s32 $0xFFFFF000  }
0x68: {  	[spmem:s18] =	stream.linear.scatter [tilespmem:s1], [sflag:$0x5], $0x1000, $0x38;
	[tilespmem:$0x1FDC0] =	vst v63  }
0x69: {  	_ =	swait.ge [sflag:s2], $0x1000  }
0x6a: {  	s19 =	sld [smem:$0x7D3];
	_ =	sdelay $0x1  }
0x6b: {  	[sflag:s2] =	ssyncset.done $0x0  }
0x6c: {  	[sflag:s2] =	ssyncadd.s32 $0xFFFFF000;
	p0 =	seq.s32 s19, $0x1  }
0x6d: {  	s19 =	rddreg [dreg:$0x6];
	s0 =	simm.s32 @!p0 $0x0;
	s18 =	simm.s32 @!p0 $0x500  }
0x6e: {  	[tilespmem:s18], [sflag:$0x5] =	stream.linear.gather @!p0 [hbm4b:s19+s0], $0x1000, $0x38;
	[tilespmem:$0x1FDC0] =	vst v63  }
0x6f: {  	s0 =	simm.s32 @!p0 $0x5  }
0x70: {  	_ =	swait.ge @!p0 [sflag:s0], $0x1000  }
0x71: {  	[sflag:s0] =	ssyncset.done @!p0 $0x0  }
0x72: {  	s19 =	rddreg [dreg:$0x11];
	[sflag:s0] =	ssyncadd.s32 @!p0 $0xFFFFF000  }
0x73: {  	[spmem:s19] =	stream.linear.scatter @!p0 [tilespmem:s18], [sflag:$0x5], $0x1000, $0x38;
	[tilespmem:$0x1FDC0] =	vst v63  }
0x74: {  	_ =	swait.ge @!p0 [sflag:s0], $0x1000  }
0x75: {  	s18 =	simm.s32 @p1 $0x500;
	[sflag:s0] =	ssyncset.done @!p0 $0x0  }
0x76: {  	s19 =	rddreg [dreg:$0x7];
	[sflag:s0] =	ssyncadd.s32 @!p0 $0xFFFFF000;
	s0 =	simm.s32 @p1 $0x0  }
0x77: {  	[tilespmem:s18], [sflag:$0x5] =	stream.linear.gather @p1 [hbm4b:s19+s0], $0x800, $0x38;
	[tilespmem:$0x1FDC0] =	vst v63  }
0x78: {  	s0 =	simm.s32 @p1 $0x5  }
0x79: {  	_ =	swait.ge @p1 [sflag:s0], $0x800  }
0x7a: {  	[sflag:s0] =	ssyncset.done @p1 $0x0  }
0x7b: {  	s23 =	rddreg [dreg:$0x12];
	[sflag:s0] =	ssyncadd.s32 @p1 $0xFFFFF800  }
0x7c: {  	[spmem:s23] =	stream.linear.scatter @p1 [tilespmem:s18], [sflag:$0x5], $0x800, $0x38;
	[tilespmem:$0x1FDC0] =	vst v63  }
0x7d: {  	_ =	swait.ge @p1 [sflag:s0], $0x800  }
0x7e: {  	[sflag:s0] =	ssyncset.done @p1 $0x0  }
0x7f: {  	s18 =	simm.s32 @!p1 $0x500;
	[sflag:s0] =	ssyncadd.s32 @p1 $0xFFFFF800;
	s0 =	simm.s32 @!p1 $0x0  }
0x80: {  	[tilespmem:s18], [sflag:$0x5] =	stream.linear.gather @!p1 [hbm4b:s19+s0], $0x1000, $0x38;
	[tilespmem:$0x1FDC0] =	vst v63  }
0x81: {  	s0 =	simm.s32 @!p1 $0x5  }
0x82: {  	_ =	swait.ge @!p1 [sflag:s0], $0x1000  }
0x83: {  	[sflag:s0] =	ssyncset.done @!p1 $0x0  }
0x84: {  	[sflag:s0] =	ssyncadd.s32 @!p1 $0xFFFFF000  }
0x85: {  	[spmem:s23] =	stream.linear.scatter @!p1 [tilespmem:s18], [sflag:$0x5], $0x1000, $0x38;
	[tilespmem:$0x1FDC0] =	vst v63  }
0x86: {  	_ =	swait.ge @!p1 [sflag:s0], $0x1000  }
0x87: {  	s23 =	sld [smem:$0x7D4];
	_ =	sdelay $0x2  }
0x88: {  	[sflag:s0] =	ssyncset.done @!p1 $0x0;
	s19 =	rddreg [dreg:$0x8];
	p0 =	seq.s32 s23, $0x1  }
0x89: {  	[sflag:s0] =	ssyncadd.s32 @!p1 $0xFFFFF000;
	s0 =	simm.s32 @!p0 $0x0;
	s18 =	simm.s32 @!p0 $0x500  }
0x8a: {  	[tilespmem:s18], [sflag:$0x5] =	stream.linear.gather @!p0 [hbm4b:s19+s0], $0x1000, $0x38;
	[tilespmem:$0x1FDC0] =	vst v63  }
0x8b: {  	s0 =	simm.s32 @!p0 $0x5  }
0x8c: {  	_ =	swait.ge @!p0 [sflag:s0], $0x1000  }
0x8d: {  	[sflag:s0] =	ssyncset.done @!p0 $0x0  }
0x8e: {  	s19 =	rddreg [dreg:$0x13];
	[sflag:s0] =	ssyncadd.s32 @!p0 $0xFFFFF000  }
0x8f: {  	[spmem:s19] =	stream.linear.scatter @!p0 [tilespmem:s18], [sflag:$0x5], $0x1000, $0x38;
	[tilespmem:$0x1FDC0] =	vst v63  }
0x90: {  	_ =	swait.ge @!p0 [sflag:s0], $0x1000  }
0x91: {  	s18 =	simm.s32 @!p4 $0x500;
	[sflag:s0] =	ssyncset.done @!p0 $0x0  }
0x92: {  	s19 =	rddreg [dreg:$0x9];
	[sflag:s0] =	ssyncadd.s32 @!p0 $0xFFFFF000;
	s0 =	simm.s32 @!p4 $0x0  }
0x93: {  	[tilespmem:s18], [sflag:$0x5] =	stream.linear.gather @!p4 [hbm4b:s19+s0], $0x800, $0x38;
	[tilespmem:$0x1FDC0] =	vst v63  }
0x94: {  	s0 =	simm.s32 @!p4 $0x5  }
0x95: {  	_ =	swait.ge @!p4 [sflag:s0], $0x800  }
0x96: {  	[sflag:s0] =	ssyncset.done @!p4 $0x0  }
0x97: {  	s23 =	rddreg [dreg:$0x14];
	[sflag:s0] =	ssyncadd.s32 @!p4 $0xFFFFF800  }
0x98: {  	[spmem:s23] =	stream.linear.scatter @!p4 [tilespmem:s18], [sflag:$0x5], $0x800, $0x38;
	[tilespmem:$0x1FDC0] =	vst v63  }
0x99: {  	_ =	swait.ge @!p4 [sflag:s0], $0x800  }
0x9a: {  	s24 =	sld [smem:$0x7F1];
	_ =	sdelay $0x2  }
0x9b: {  	[sflag:s0] =	ssyncset.done @!p4 $0x0;
	p0 =	seq.s32 s24, $0x1  }
0x9c: {  	[sflag:s0] =	ssyncadd.s32 @!p4 $0xFFFFF800;
	s0 =	simm.s32 @!p0 $0x0;
	s18 =	simm.s32 @!p0 $0x500  }
0x9d: {  	[tilespmem:s18], [sflag:$0x5] =	stream.linear.gather @!p0 [hbm4b:s19+s0], $0x1000, $0x38;
	[tilespmem:$0x1FDC0] =	vst v63  }
0x9e: {  	s0 =	simm.s32 @!p0 $0x5  }
0x9f: {  	_ =	swait.ge @!p0 [sflag:s0], $0x1000  }
0xa0: {  	[sflag:s0] =	ssyncset.done @!p0 $0x0  }
0xa1: {  	[sflag:s0] =	ssyncadd.s32 @!p0 $0xFFFFF000  }
0xa2: {  	[spmem:s23] =	stream.linear.scatter @!p0 [tilespmem:s18], [sflag:$0x5], $0x1000, $0x38;
	[tilespmem:$0x1FDC0] =	vst v63  }
0xa3: {  	_ =	swait.ge @!p0 [sflag:s0], $0x1000  }
0xa4: {  	s25 =	sld [smem:$0x7D5];
	_ =	sdelay $0x1  }
0xa5: {  	[sflag:s0] =	ssyncset.done @!p0 $0x0  }
0xa6: {  	[sflag:s0] =	ssyncadd.s32 @!p0 $0xFFFFF000;
	p0 =	seq.s32 s25, $0x1  }
0xa7: {  	s19 =	rddreg [dreg:$0xa];
	s0 =	simm.s32 @!p0 $0x0;
	s18 =	simm.s32 @!p0 $0x500  }
0xa8: {  	[tilespmem:s18], [sflag:$0x5] =	stream.linear.gather @!p0 [hbm4b:s19+s0], $0x1000, $0x38;
	[tilespmem:$0x1FDC0] =	vst v63  }
0xa9: {  	s0 =	simm.s32 @!p0 $0x5  }
0xaa: {  	_ =	swait.ge @!p0 [sflag:s0], $0x1000  }
0xab: {  	[sflag:s0] =	ssyncset.done @!p0 $0x0  }
0xac: {  	s19 =	rddreg [dreg:$0x15];
	[sflag:s0] =	ssyncadd.s32 @!p0 $0xFFFFF000  }
0xad: {  	[spmem:s19] =	stream.linear.scatter @!p0 [tilespmem:s18], [sflag:$0x5], $0x1000, $0x38;
	[tilespmem:$0x1FDC0] =	vst v63  }
0xae: {  	_ =	swait.ge @!p0 [sflag:s0], $0x1000  }
0xaf: {  	s18 =	simm.s32 @!p6 $0x500;
	[sflag:s0] =	ssyncset.done @!p0 $0x0  }
0xb0: {  	s19 =	rddreg [dreg:$0xb];
	[sflag:s0] =	ssyncadd.s32 @!p0 $0xFFFFF000;
	s0 =	simm.s32 @!p6 $0x0  }
0xb1: {  	[tilespmem:s18], [sflag:$0x5] =	stream.linear.gather @!p6 [hbm4b:s19+s0], $0x800, $0x38;
	[tilespmem:$0x1FDC0] =	vst v63  }
0xb2: {  	s0 =	simm.s32 @!p6 $0x5  }
0xb3: {  	_ =	swait.ge @!p6 [sflag:s0], $0x800  }
0xb4: {  	[sflag:s0] =	ssyncset.done @!p6 $0x0  }
0xb5: {  	s23 =	rddreg [dreg:$0x16];
	[sflag:s0] =	ssyncadd.s32 @!p6 $0xFFFFF800  }
0xb6: {  	[spmem:s23] =	stream.linear.scatter @!p6 [tilespmem:s18], [sflag:$0x5], $0x800, $0x38;
	[tilespmem:$0x1FDC0] =	vst v63  }
0xb7: {  	_ =	swait.ge @!p6 [sflag:s0], $0x800  }
0xb8: {  	s26 =	sld [smem:$0x7F5];
	_ =	sdelay $0x2  }
0xb9: {  	[sflag:s0] =	ssyncset.done @!p6 $0x0;
	p0 =	seq.s32 s26, $0x1  }
0xba: {  	[sflag:s0] =	ssyncadd.s32 @!p6 $0xFFFFF800;
	s0 =	simm.s32 @!p0 $0x0;
	s18 =	simm.s32 @!p0 $0x500  }
0xbb: {  	[tilespmem:s18], [sflag:$0x5] =	stream.linear.gather @!p0 [hbm4b:s19+s0], $0x1000, $0x38;
	[tilespmem:$0x1FDC0] =	vst v63  }
0xbc: {  	s0 =	simm.s32 @!p0 $0x5  }
0xbd: {  	_ =	swait.ge @!p0 [sflag:s0], $0x1000  }
0xbe: {  	[sflag:s0] =	ssyncset.done @!p0 $0x0  }
0xbf: {  	[sflag:s0] =	ssyncadd.s32 @!p0 $0xFFFFF000  }
0xc0: {  	[spmem:s23] =	stream.linear.scatter @!p0 [tilespmem:s18], [sflag:$0x5], $0x1000, $0x38;
	[tilespmem:$0x1FDC0] =	vst v63  }
0xc1: {  	_ =	swait.ge @!p0 [sflag:s0], $0x1000  }
0xc2: {  	s28 =	sld [smem:$0x7D6];
	_ =	sdelay $0x1  }
0xc3: {  	[sflag:s0] =	ssyncset.done @!p0 $0x0  }
0xc4: {  	[sflag:s0] =	ssyncadd.s32 @!p0 $0xFFFFF000;
	p0 =	seq.s32 s28, $0x1  }
0xc5: {  	s19 =	rddreg [dreg:$0xc];
	s0 =	simm.s32 @!p0 $0x0;
	s18 =	simm.s32 @!p0 $0x500  }
0xc6: {  	[tilespmem:s18], [sflag:$0x5] =	stream.linear.gather @!p0 [hbm4b:s19+s0], $0x1000, $0x38;
	[tilespmem:$0x1FDC0] =	vst v63  }
0xc7: {  	s0 =	simm.s32 @!p0 $0x5  }
0xc8: {  	_ =	swait.ge @!p0 [sflag:s0], $0x1000  }
0xc9: {  	[sflag:s0] =	ssyncset.done @!p0 $0x0  }
0xca: {  	s19 =	rddreg [dreg:$0x17];
	[sflag:s0] =	ssyncadd.s32 @!p0 $0xFFFFF000  }
0xcb: {  	[spmem:s19] =	stream.linear.scatter @!p0 [tilespmem:s18], [sflag:$0x5], $0x1000, $0x38;
	[tilespmem:$0x1FDC0] =	vst v63  }
0xcc: {  	_ =	swait.ge @!p0 [sflag:s0], $0x1000  }
0xcd: {  	s18 =	simm.s32 @!p5 $0x500;
	[sflag:s0] =	ssyncset.done @!p0 $0x0  }
0xce: {  	s19 =	rddreg [dreg:$0xd];
	[sflag:s0] =	ssyncadd.s32 @!p0 $0xFFFFF000;
	s0 =	simm.s32 @!p5 $0x0  }
0xcf: {  	[tilespmem:s18], [sflag:$0x5] =	stream.linear.gather @!p5 [hbm4b:s19+s0], $0x800, $0x38;
	[tilespmem:$0x1FDC0] =	vst v63  }
0xd0: {  	s0 =	simm.s32 @!p5 $0x5  }
0xd1: {  	_ =	swait.ge @!p5 [sflag:s0], $0x800  }
0xd2: {  	s23 =	sld [smem:$0x7E6]  }
0xd3: {  	[sflag:s0] =	ssyncset.done @!p5 $0x0  }
0xd4: {  	[sflag:s0] =	ssyncadd.s32 @!p5 $0xFFFFF800  }
0xd5: {  	[spmem:s23] =	stream.linear.scatter @!p5 [tilespmem:s18], [sflag:$0x5], $0x800, $0x38;
	[tilespmem:$0x1FDC0] =	vst v63  }
0xd6: {  	_ =	swait.ge @!p5 [sflag:s0], $0x800  }
0xd7: {  	s30 =	sld [smem:$0x7F9];
	_ =	sdelay $0x2  }
0xd8: {  	[sflag:s0] =	ssyncset.done @!p5 $0x0;
	p0 =	seq.s32 s30, $0x1  }
0xd9: {  	[sflag:s0] =	ssyncadd.s32 @!p5 $0xFFFFF800;
	s0 =	simm.s32 @!p0 $0x0;
	s18 =	simm.s32 @!p0 $0x500  }
0xda: {  	[tilespmem:s18], [sflag:$0x5] =	stream.linear.gather @!p0 [hbm4b:s19+s0], $0x1000, $0x38;
	[tilespmem:$0x1FDC0] =	vst v63  }
0xdb: {  	s0 =	simm.s32 @!p0 $0x5  }
0xdc: {  	_ =	swait.ge @!p0 [sflag:s0], $0x1000  }
0xdd: {  	[sflag:s0] =	ssyncset.done @!p0 $0x0  }
0xde: {  	[sflag:s0] =	ssyncadd.s32 @!p0 $0xFFFFF000  }
0xdf: {  	[spmem:s23] =	stream.linear.scatter @!p0 [tilespmem:s18], [sflag:$0x5], $0x1000, $0x38;
	[tilespmem:$0x1FDC0] =	vst v63  }
0xe0: {  	_ =	swait.ge @!p0 [sflag:s0], $0x1000  }
0xe1: {  	s18 =	simm.s32 @!p3 $0x500;
	[sflag:s0] =	ssyncset.done @!p0 $0x0  }
0xe2: {  	s19 =	rddreg [dreg:$0xe];
	[sflag:s0] =	ssyncadd.s32 @!p0 $0xFFFFF000;
	s0 =	simm.s32 @!p3 $0x0  }
0xe3: {  	[tilespmem:s18], [sflag:$0x5] =	stream.linear.gather @!p3 [hbm4b:s19+s0], $0x1000, $0x38;
	[tilespmem:$0x1FDC0] =	vst v63  }
0xe4: {  	s0 =	simm.s32 @!p3 $0x5  }
0xe5: {  	_ =	swait.ge @!p3 [sflag:s0], $0x1000  }
0xe6: {  	s19 =	sld [smem:$0x7EB]  }
0xe7: {  	[sflag:s0] =	ssyncset.done @!p3 $0x0  }
0xe8: {  	[sflag:s0] =	ssyncadd.s32 @!p3 $0xFFFFF000  }
0xe9: {  	[spmem:s19] =	stream.linear.scatter @!p3 [tilespmem:s18], [sflag:$0x5], $0x1000, $0x38;
	[tilespmem:$0x1FDC0] =	vst v63  }
0xea: {  	_ =	swait.ge @!p3 [sflag:s0], $0x1000  }
0xeb: {  	[sflag:s0] =	ssyncset.done @!p3 $0x0  }
0xec: {  	s18 =	simm.s32 $0x200;
	[sflag:s0] =	ssyncadd.s32 @!p3 $0xFFFFF000;
	s0 =	simm.s32 $0x0  }
.LBB2_2:
0xed: {  	p0 =	sne.s32 s18, $0x3E00;
	[tilespmem:s0+$0x570] =	vst v1  }
0xee: {  	[tilespmem:s0+$0x500] =	vst v1  }
0xef: {  	[tilespmem:s0+$0x510] =	vst v1  }
.Ltmp0:
0xf0: {  	[tilespmem:s0+$0x520] =	vst v1;
	(pc) =	sbr.rel @p0 .LBB2_2-.Ltmp0, $4  }
0xf1: {  	[tilespmem:s0+$0x530] =	vst v1  }
0xf2: {  	[tilespmem:s0+$0x540] =	vst v1  }
0xf3: {  	[tilespmem:s0+$0x550] =	vst v1  }
0xf4: {  	[tilespmem:s0+$0x560] =	vst v1;
	s0 =	sshra.s32 s18, $0x2;
	s18 =	sadd.s32 $0x200, s18  }
0xf5: {  	[tilespmem:s0+$0x570] =	vst v1  }
0xf6: {  	[tilespmem:s0+$0x500] =	vst v1  }
0xf7: {  	[tilespmem:s0+$0x510] =	vst v1  }
.Ltmp1:
0xf8: {  	[tilespmem:s0+$0x520] =	vst v1;
	(pc) =	sbr.rel @!p2 .LBB2_4-.Ltmp1, $4  }
0xf9: {  	[tilespmem:s0+$0x530] =	vst v1  }
0xfa: {  	[tilespmem:s0+$0x540] =	vst v1  }
0xfb: {  	[tilespmem:s0+$0x550] =	vst v1  }
0xfc: {  	[tilespmem:s0+$0x560] =	vst v1  }
0xfd: {  	s0 =	sld [smem:$0x7E4];
	_ =	sdelay $0x2  }
0xfe: {  	[spmem:s0] =	stream.linear.scatter [tilespmem:s1], [sflag:$0x5], $0x1000, $0x38;
	[tilespmem:$0x1FDC0] =	vst v63  }
0xff: {  	_ =	swait.ge [sflag:s2], $0x1000  }
0x100: {  	s18 =	sld [smem:$0x7E5]  }
0x101: {  	[sflag:s2] =	ssyncset.done $0x0  }
0x102: {  	[sflag:s2] =	ssyncadd.s32 $0xFFFFF000  }
0x103: {  	[spmem:s18] =	stream.linear.scatter [tilespmem:s1], [sflag:$0x5], $0x1000, $0x38;
	[tilespmem:$0x1FDC0] =	vst v63  }
0x104: {  	_ =	swait.ge [sflag:s2], $0x1000  }
0x105: {  	s19 =	sld [smem:$0x7E7]  }
0x106: {  	[sflag:s2] =	ssyncset.done $0x0  }
0x107: {  	[sflag:s2] =	ssyncadd.s32 $0xFFFFF000  }
0x108: {  	[spmem:s19] =	stream.linear.scatter [tilespmem:s1], [sflag:$0x5], $0x1000, $0x38;
	[tilespmem:$0x1FDC0] =	vst v63  }
0x109: {  	_ =	swait.ge [sflag:s2], $0x1000  }
0x10a: {  	s23 =	sld [smem:$0x7E8]  }
0x10b: {  	[sflag:s2] =	ssyncset.done $0x0  }
0x10c: {  	[sflag:s2] =	ssyncadd.s32 $0xFFFFF000  }
0x10d: {  	[spmem:s23] =	stream.linear.scatter [tilespmem:s1], [sflag:$0x5], $0x1000, $0x38;
	[tilespmem:$0x1FDC0] =	vst v63  }
0x10e: {  	_ =	swait.ge [sflag:s2], $0x1000  }
0x10f: {  	s24 =	sld [smem:$0x7E9]  }
0x110: {  	[sflag:s2] =	ssyncset.done $0x0  }
0x111: {  	[sflag:s2] =	ssyncadd.s32 $0xFFFFF000  }
0x112: {  	[spmem:s24] =	stream.linear.scatter [tilespmem:s1], [sflag:$0x5], $0x1000, $0x38;
	[tilespmem:$0x1FDC0] =	vst v63  }
0x113: {  	_ =	swait.ge [sflag:s2], $0x1000  }
0x114: {  	s25 =	sld [smem:$0x7EA]  }
0x115: {  	[sflag:s2] =	ssyncset.done $0x0  }
0x116: {  	[sflag:s2] =	ssyncadd.s32 $0xFFFFF000  }
0x117: {  	[spmem:s25] =	stream.linear.scatter [tilespmem:s1], [sflag:$0x5], $0x1000, $0x38;
	[tilespmem:$0x1FDC0] =	vst v63  }
0x118: {  	_ =	swait.ge [sflag:s2], $0x1000  }
0x119: {  	s26 =	sld [smem:$0x7EC]  }
0x11a: {  	[sflag:s2] =	ssyncset.done $0x0  }
0x11b: {  	[sflag:s2] =	ssyncadd.s32 $0xFFFFF000  }
0x11c: {  	[spmem:s26] =	stream.linear.scatter [tilespmem:s1], [sflag:$0x5], $0x1000, $0x38;
	[tilespmem:$0x1FDC0] =	vst v63  }
0x11d: {  	_ =	swait.ge [sflag:s2], $0x1000  }
0x11e: {  	s28 =	sld [smem:$0x7ED]  }
0x11f: {  	[sflag:s2] =	ssyncset.done $0x0  }
0x120: {  	[sflag:s2] =	ssyncadd.s32 $0xFFFFF000  }
0x121: {  	[spmem:s28] =	stream.linear.scatter [tilespmem:s1], [sflag:$0x5], $0x1000, $0x38;
	[tilespmem:$0x1FDC0] =	vst v63  }
0x122: {  	_ =	swait.ge [sflag:s2], $0x1000  }
0x123: {  	s30 =	sld [smem:$0x7EF]  }
0x124: {  	[sflag:s2] =	ssyncset.done $0x0  }
0x125: {  	[sflag:s2] =	ssyncadd.s32 $0xFFFFF000  }
0x126: {  	[spmem:s30] =	stream.linear.scatter [tilespmem:s1], [sflag:$0x5], $0x1000, $0x38;
	[tilespmem:$0x1FDC0] =	vst v63  }
0x127: {  	_ =	swait.ge [sflag:s2], $0x1000  }
0x128: {  	s18 =	sld [smem:$0x7F0]  }
0x129: {  	[sflag:s2] =	ssyncset.done $0x0  }
0x12a: {  	[sflag:s2] =	ssyncadd.s32 $0xFFFFF000  }
0x12b: {  	[spmem:s18] =	stream.linear.scatter [tilespmem:s1], [sflag:$0x5], $0x1000, $0x38;
	[tilespmem:$0x1FDC0] =	vst v63  }
0x12c: {  	_ =	swait.ge [sflag:s2], $0x1000  }
0x12d: {  	s19 =	sld [smem:$0x7F3]  }
0x12e: {  	[sflag:s2] =	ssyncset.done $0x0  }
0x12f: {  	[sflag:s2] =	ssyncadd.s32 $0xFFFFF000  }
0x130: {  	[spmem:s19] =	stream.linear.scatter [tilespmem:s1], [sflag:$0x5], $0x1000, $0x38;
	[tilespmem:$0x1FDC0] =	vst v63  }
0x131: {  	_ =	swait.ge [sflag:s2], $0x1000  }
0x132: {  	s23 =	sld [smem:$0x7F4]  }
0x133: {  	[sflag:s2] =	ssyncset.done $0x0  }
0x134: {  	[sflag:s2] =	ssyncadd.s32 $0xFFFFF000  }
0x135: {  	[spmem:s23] =	stream.linear.scatter [tilespmem:s1], [sflag:$0x5], $0x1000, $0x38;
	[tilespmem:$0x1FDC0] =	vst v63  }
0x136: {  	_ =	swait.ge [sflag:s2], $0x1000  }
0x137: {  	s24 =	sld [smem:$0x7F7]  }
0x138: {  	[sflag:s2] =	ssyncset.done $0x0  }
0x139: {  	[sflag:s2] =	ssyncadd.s32 $0xFFFFF000  }
0x13a: {  	[spmem:s24] =	stream.linear.scatter [tilespmem:s1], [sflag:$0x5], $0x1000, $0x38;
	[tilespmem:$0x1FDC0] =	vst v63  }
0x13b: {  	_ =	swait.ge [sflag:s2], $0x1000  }
0x13c: {  	s25 =	sld [smem:$0x7F8]  }
0x13d: {  	[sflag:s2] =	ssyncset.done $0x0  }
0x13e: {  	[sflag:s2] =	ssyncadd.s32 $0xFFFFF000  }
0x13f: {  	[spmem:s25] =	stream.linear.scatter [tilespmem:s1], [sflag:$0x5], $0x1000, $0x38;
	[tilespmem:$0x1FDC0] =	vst v63  }
0x140: {  	_ =	swait.ge [sflag:s2], $0x1000  }
0x141: {  	s26 =	sld [smem:$0x7FB]  }
0x142: {  	[sflag:s2] =	ssyncset.done $0x0  }
0x143: {  	[sflag:s2] =	ssyncadd.s32 $0xFFFFF000  }
0x144: {  	[spmem:s26] =	stream.linear.scatter [tilespmem:s1], [sflag:$0x5], $0x1000, $0x38;
	[tilespmem:$0x1FDC0] =	vst v63  }
0x145: {  	_ =	swait.ge [sflag:s2], $0x1000  }
0x146: {  	s28 =	sld [smem:$0x7FC]  }
0x147: {  	[sflag:s2] =	ssyncset.done $0x0  }
0x148: {  	[sflag:s2] =	ssyncadd.s32 $0xFFFFF000  }
0x149: {  	[spmem:s28] =	stream.linear.scatter [tilespmem:s1], [sflag:$0x5], $0x1000, $0x38;
	[tilespmem:$0x1FDC0] =	vst v63  }
0x14a: {  	_ =	swait.ge [sflag:s2], $0x1000  }
0x14b: {  	s30 =	sld [smem:$0x7FD]  }
0x14c: {  	[sflag:s2] =	ssyncset.done $0x0  }
.Ltmp2:
0x14d: {  	[sflag:s2] =	ssyncadd.s32 $0xFFFFF000;
	(pc) =	sbr.rel .LBB2_6-.Ltmp2, $4  }
0x14e: {  	[spmem:s30] =	stream.linear.scatter [tilespmem:s1], [sflag:$0x5], $0x400, $0x38;
	[tilespmem:$0x1FDC0] =	vst v63  }
0x14f: {  	_ =	swait.ge [sflag:s2], $0x400  }
0x150: {  	[sflag:s2] =	ssyncset.done $0x0  }
0x151: {  	[sflag:s2] =	ssyncadd.s32 $0xFFFFFC00  }
.LBB2_4:
0x152: {  	s0 =	rddreg [dreg:$0x18]  }
0x153: {  	[spmem:s0] =	stream.linear.scatter [tilespmem:s1], [sflag:$0x5], $0x1000, $0x38;
	[tilespmem:$0x1FDC0] =	vst v63  }
0x154: {  	_ =	swait.ge [sflag:s2], $0x1000  }
0x155: {  	[sflag:s2] =	ssyncset.done $0x0  }
0x156: {  	s26 =	rddreg [dreg:$0x1a];
	[sflag:s2] =	ssyncadd.s32 $0xFFFFF000  }
0x157: {  	[spmem:s26] =	stream.linear.scatter [tilespmem:s1], [sflag:$0x5], $0x1000, $0x38;
	[tilespmem:$0x1FDC0] =	vst v63  }
0x158: {  	_ =	swait.ge [sflag:s2], $0x1000  }
0x159: {  	[sflag:s2] =	ssyncset.done $0x0  }
0x15a: {  	s28 =	rddreg [dreg:$0x1b];
	[sflag:s2] =	ssyncadd.s32 $0xFFFFF000  }
0x15b: {  	[spmem:s28] =	stream.linear.scatter [tilespmem:s1], [sflag:$0x5], $0x1000, $0x38;
	[tilespmem:$0x1FDC0] =	vst v63  }
0x15c: {  	_ =	swait.ge [sflag:s2], $0x1000  }
0x15d: {  	[sflag:s2] =	ssyncset.done $0x0  }
0x15e: {  	s30 =	rddreg [dreg:$0x1c];
	[sflag:s2] =	ssyncadd.s32 $0xFFFFF000  }
0x15f: {  	[spmem:s30] =	stream.linear.scatter [tilespmem:s1], [sflag:$0x5], $0x1000, $0x38;
	[tilespmem:$0x1FDC0] =	vst v63  }
0x160: {  	_ =	swait.ge [sflag:s2], $0x1000  }
0x161: {  	[sflag:s2] =	ssyncset.done $0x0  }
0x162: {  	s18 =	rddreg [dreg:$0x1d];
	[sflag:s2] =	ssyncadd.s32 $0xFFFFF000  }
0x163: {  	[spmem:s18] =	stream.linear.scatter [tilespmem:s1], [sflag:$0x5], $0x1000, $0x38;
	[tilespmem:$0x1FDC0] =	vst v63  }
0x164: {  	_ =	swait.ge [sflag:s2], $0x1000  }
0x165: {  	[sflag:s2] =	ssyncset.done $0x0  }
0x166: {  	s19 =	rddreg [dreg:$0x1e];
	[sflag:s2] =	ssyncadd.s32 $0xFFFFF000  }
0x167: {  	[spmem:s19] =	stream.linear.scatter [tilespmem:s1], [sflag:$0x5], $0x1000, $0x38;
	[tilespmem:$0x1FDC0] =	vst v63  }
0x168: {  	_ =	swait.ge [sflag:s2], $0x1000  }
0x169: {  	[sflag:s2] =	ssyncset.done $0x0  }
0x16a: {  	s23 =	rddreg [dreg:$0x1f];
	[sflag:s2] =	ssyncadd.s32 $0xFFFFF000  }
0x16b: {  	[spmem:s23] =	stream.linear.scatter [tilespmem:s1], [sflag:$0x5], $0x1000, $0x38;
	[tilespmem:$0x1FDC0] =	vst v63  }
0x16c: {  	_ =	swait.ge [sflag:s2], $0x1000  }
0x16d: {  	s24 =	sld [smem:$0x7D7]  }
0x16e: {  	[sflag:s2] =	ssyncset.done $0x0  }
0x16f: {  	[sflag:s2] =	ssyncadd.s32 $0xFFFFF000  }
0x170: {  	[spmem:s24] =	stream.linear.scatter [tilespmem:s1], [sflag:$0x5], $0x1000, $0x38;
	[tilespmem:$0x1FDC0] =	vst v63  }
0x171: {  	_ =	swait.ge [sflag:s2], $0x1000  }
0x172: {  	s25 =	sld [smem:$0x7D8]  }
0x173: {  	[sflag:s2] =	ssyncset.done $0x0  }
0x174: {  	[sflag:s2] =	ssyncadd.s32 $0xFFFFF000  }
0x175: {  	[spmem:s25] =	stream.linear.scatter [tilespmem:s1], [sflag:$0x5], $0x1000, $0x38;
	[tilespmem:$0x1FDC0] =	vst v63  }
0x176: {  	_ =	swait.ge [sflag:s2], $0x1000  }
0x177: {  	s26 =	sld [smem:$0x7D9]  }
0x178: {  	[sflag:s2] =	ssyncset.done $0x0  }
0x179: {  	[sflag:s2] =	ssyncadd.s32 $0xFFFFF000  }
0x17a: {  	[spmem:s26] =	stream.linear.scatter [tilespmem:s1], [sflag:$0x5], $0x1000, $0x38;
	[tilespmem:$0x1FDC0] =	vst v63  }
0x17b: {  	_ =	swait.ge [sflag:s2], $0x1000  }
0x17c: {  	s28 =	sld [smem:$0x7DA]  }
0x17d: {  	[sflag:s2] =	ssyncset.done $0x0  }
0x17e: {  	[sflag:s2] =	ssyncadd.s32 $0xFFFFF000  }
0x17f: {  	[spmem:s28] =	stream.linear.scatter [tilespmem:s1], [sflag:$0x5], $0x1000, $0x38;
	[tilespmem:$0x1FDC0] =	vst v63  }
0x180: {  	_ =	swait.ge [sflag:s2], $0x1000  }
0x181: {  	s30 =	sld [smem:$0x7DB]  }
0x182: {  	[sflag:s2] =	ssyncset.done $0x0  }
0x183: {  	[sflag:s2] =	ssyncadd.s32 $0xFFFFF000  }
0x184: {  	[spmem:s30] =	stream.linear.scatter [tilespmem:s1], [sflag:$0x5], $0x1000, $0x38;
	[tilespmem:$0x1FDC0] =	vst v63  }
0x185: {  	_ =	swait.ge [sflag:s2], $0x1000  }
0x186: {  	s18 =	sld [smem:$0x7DC]  }
0x187: {  	[sflag:s2] =	ssyncset.done $0x0  }
0x188: {  	[sflag:s2] =	ssyncadd.s32 $0xFFFFF000  }
0x189: {  	[spmem:s18] =	stream.linear.scatter [tilespmem:s1], [sflag:$0x5], $0x1000, $0x38;
	[tilespmem:$0x1FDC0] =	vst v63  }
0x18a: {  	_ =	swait.ge [sflag:s2], $0x1000  }
0x18b: {  	s19 =	sld [smem:$0x7DD]  }
0x18c: {  	[sflag:s2] =	ssyncset.done $0x0  }
0x18d: {  	[sflag:s2] =	ssyncadd.s32 $0xFFFFF000  }
0x18e: {  	[spmem:s19] =	stream.linear.scatter [tilespmem:s1], [sflag:$0x5], $0x1000, $0x38;
	[tilespmem:$0x1FDC0] =	vst v63  }
0x18f: {  	_ =	swait.ge [sflag:s2], $0x1000  }
0x190: {  	s23 =	sld [smem:$0x7DE]  }
0x191: {  	[sflag:s2] =	ssyncset.done $0x0  }
0x192: {  	[sflag:s2] =	ssyncadd.s32 $0xFFFFF000  }
0x193: {  	[spmem:s23] =	stream.linear.scatter [tilespmem:s1], [sflag:$0x5], $0x1000, $0x38;
	[tilespmem:$0x1FDC0] =	vst v63  }
0x194: {  	_ =	swait.ge [sflag:s2], $0x1000  }
0x195: {  	s24 =	sld [smem:$0x7DF]  }
0x196: {  	[sflag:s2] =	ssyncset.done $0x0  }
0x197: {  	[sflag:s2] =	ssyncadd.s32 $0xFFFFF000  }
0x198: {  	[spmem:s24] =	stream.linear.scatter [tilespmem:s1], [sflag:$0x5], $0x1000, $0x38;
	[tilespmem:$0x1FDC0] =	vst v63  }
0x199: {  	_ =	swait.ge [sflag:s2], $0x1000  }
0x19a: {  	s25 =	sld [smem:$0x7E0]  }
0x19b: {  	[sflag:s2] =	ssyncset.done $0x0  }
0x19c: {  	[sflag:s2] =	ssyncadd.s32 $0xFFFFF000  }
0x19d: {  	[spmem:s25] =	stream.linear.scatter [tilespmem:s1], [sflag:$0x5], $0x1000, $0x38;
	[tilespmem:$0x1FDC0] =	vst v63  }
0x19e: {  	_ =	swait.ge [sflag:s2], $0x1000  }
0x19f: {  	s26 =	sld [smem:$0x7E1]  }
0x1a0: {  	[sflag:s2] =	ssyncset.done $0x0  }
0x1a1: {  	[sflag:s2] =	ssyncadd.s32 $0xFFFFF000  }
0x1a2: {  	[spmem:s26] =	stream.linear.scatter [tilespmem:s1], [sflag:$0x5], $0x1000, $0x38;
	[tilespmem:$0x1FDC0] =	vst v63  }
0x1a3: {  	_ =	swait.ge [sflag:s2], $0x1000  }
0x1a4: {  	s28 =	sld [smem:$0x7E2]  }
0x1a5: {  	[sflag:s2] =	ssyncset.done $0x0  }
0x1a6: {  	[sflag:s2] =	ssyncadd.s32 $0xFFFFF000  }
0x1a7: {  	[spmem:s28] =	stream.linear.scatter [tilespmem:s1], [sflag:$0x5], $0x1000, $0x38;
	[tilespmem:$0x1FDC0] =	vst v63  }
0x1a8: {  	_ =	swait.ge [sflag:s2], $0x1000  }
0x1a9: {  	s30 =	sld [smem:$0x7E3]  }
0x1aa: {  	[sflag:s2] =	ssyncset.done $0x0  }
0x1ab: {  	[sflag:s2] =	ssyncadd.s32 $0xFFFFF000  }
0x1ac: {  	[spmem:s30] =	stream.linear.scatter [tilespmem:s1], [sflag:$0x5], $0xC00, $0x38;
	[tilespmem:$0x1FDC0] =	vst v63  }
0x1ad: {  	_ =	swait.ge [sflag:s2], $0xC00  }
0x1ae: {  	[sflag:s2] =	ssyncset.done $0x0  }
0x1af: {  	[sflag:s2] =	ssyncadd.s32 $0xFFFFF400  }
.LBB2_6:
0x1b0: {  	[bflag:$0x0] =	sbarrier.arrive $0xFFFF;
	s30 =	simm.s32 $0x0  }
.LBB2_7:
0x1b1: {  	p0 =	sgt.u32 s30, $0x27;
	s0 =	simm.s32 $0x10  }
0x1b2: {  	s18 =	stileid.u32;
	s0 =	simm.s32 @!p0 $0x0  }
0x1b3: {  	s23 =	sadd.s32 $0xFFFFFFD8, s30;
	s0 =	sor.u32 s18, s0  }
0x1b4: {  	s18 =	smin.u32 s30, s23;
	s19 =	smul.u32 $0x2800, s0  }
0x1b5: {  	s23 =	sshll.u32 s18, $0x8;
	s0 =	smul.u32 $0xA000, s0  }
0x1b6: {  	s18 =	sshll.u32 s18, $0xA;
	s19 =	sadd.s32 s23, s19  }
0x1b7: {  	s0 =	sadd.s32 s18, s0;
	s19 =	sshrl.u32 s19, $0x3  }
0x1b8: {  	s0 =	sshrl.u32 s0, $0x3;
	s19 =	sadd.s32 s16, s19  }
0x1b9: {  	[tilespmem:s12], [sflag:$0x3] =	stream.linear.gather [hbm4b:s19+s12], $0x100, $0x38;
	[tilespmem:$0x1FDC0] =	vst v63  }
0x1ba: {  	s24 =	simm.s32 $0x100;
	s0 =	sadd.s32 s17, s0  }
0x1bb: {  	[tilespmem:s24], [sflag:$0x4] =	stream.linear.gather [hbm4b:s0+s12], $0x400, $0x38;
	[tilespmem:$0x1FDC0] =	vst v63  }
0x1bc: {  	_ =	swait.ge [sflag:s4], $0x100  }
0x1bd: {  	[sflag:s4] =	ssyncset.done $0x0  }
0x1be: {  	[sflag:s4] =	ssyncadd.s32 $0xFFFFFF00  }
0x1bf: {  	_ =	swait.ge [sflag:s6], $0x400  }
0x1c0: {  	[sflag:s6] =	ssyncset.done $0x0  }
0x1c1: {  	[sflag:s6] =	ssyncadd.s32 $0xFFFFFC00  }
0x1c2: {  	v2 =	vld [tilespmem:$0x0];
	_ =	sdelay $0x1  }
0x1c3: {  	v3 =	vld [tilespmem:$0x10]  }
0x1c4: {  	v4 =	vld [tilespmem:$0x100]  }
0x1c5: {  	v5 =	vld [tilespmem:$0x20]  }
0x1c6: {  	v6 =	vld [tilespmem:$0x110];
	v2 =	vsub.s32 v2, v0  }
0x1c7: {  	v7 =	vld [tilespmem:$0x30];
	vm0 =	vlt.u32 v2, $0x1400  }
0x1c8: {  	v8 =	vld [tilespmem:$0x180];
	v3 =	vsub.s32 v3, v0;
	v2 =	vnsel vm0, $0x0, v2  }
0x1c9: {  	vm12 =	vlt.u32 v3, $0x1400;
	[tilespmem:$0x0] =	vst v2;
	v2 =	vnsel vm0, $0x2710, v4  }
0x1ca: {  	v63 =	vld [tilespmem:$0x190];
	[tilespmem:$0x100] =	vst v2;
	v2 =	vnsel vm12, $0x0, v3;
	v3 =	vsub.s32 v5, v0  }
0x1cb: {  	[tilespmem:$0x10] =	vst v2;
	v2 =	vnsel vm12, $0x2710, v6;
	vm13 =	vlt.u32 v3, $0x1400  }
0x1cc: {  	[tilespmem:$0x110] =	vst v2;
	v2 =	vnsel vm13, $0x0, v3;
	v3 =	vsub.s32 v7, v0  }
0x1cd: {  	[tilespmem:$0x20] =	vst v2;
	v2 =	vnsel vm13, $0x2710, v8;
	vm14 =	vlt.u32 v3, $0x1400  }
0x1ce: {  	[tilespmem:$0x180] =	vst v2;
	v2 =	vnsel vm14, $0x0, v3  }
0x1cf: {  	s18 =	sand.u32 $0x200, s24;
	s0 =	simm.s32 $0x40;
	[tilespmem:$0x30] =	vst v2;
	v2 =	vnsel vm14, $0x2710, v63  }
0x1d0: {  	s18 =	sshrl.u32 s18, $0x2;
	s25 =	sand.u32 $0x70, s0;
	[tilespmem:$0x190] =	vst v2  }
0x1d1: {  	[tilespmem:s1], [sflag:$0x1] =	stream.indirect.gather [spmem:s14], $0x80, s12, s8, $0xb8;
	[tilespmem:$0x1FDC0] =	vst v63  }
0x1d2: {  	s26 =	simm.s32 $0x400;
	s28 =	sor.u32 s25, s18  }
0x1d3: {  	[tilespmem:s10], [sflag:$0x2] =	stream.indirect.gather [spmem:s14], $0x80, s8, s8, $0xb8;
	[tilespmem:$0x1FDC0] =	vst v63  }
0x1d4: {  	s24 =	sand.u32 $0xE00, s26;
	v2 =	vld [tilespmem:s28+$0x0]  }
0x1d5: {  	s0 =	sand.u32 $0x10, s0;
	s18 =	sshrl.u32 s24, $0x2  }
0x1d6: {  	s18 =	sor.u32 s0, s18  }
0x1d7: {  	v3 =	vld [tilespmem:s18+$0x100];
	_ =	sdelay $0x1  }
0x1d8: {  	v2 =	vsub.s32 v2, v0  }
0x1d9: {  	s0 =	simm.s32 $0x140;
	vm15 =	vlt.u32 v2, $0x1400  }
0x1da: {  	s19 =	simm.s32 $0x600;
	s24 =	simm.s32 $0x50;
	s25 =	sand.u32 $0x200, s0;
	v2 =	vnsel vm15, $0x0, v2  }
0x1db: {  	s26 =	simm.s32 $0x500;
	s23 =	sand.u32 $0x70, s24;
	s25 =	sshrl.u32 s25, $0x2;
	[tilespmem:s28+$0x0] =	vst v2;
	v2 =	vnsel vm15, $0x2710, v3  }
.LBB2_8:
0x1dc: {  	p0 =	sne.s32 s19, $0xF00;
	s28 =	sor.u32 s23, s25;
	[tilespmem:s18+$0x100] =	vst v2  }
0x1dd: {  	s18 =	sand.u32 $0xE00, s26;
	s26 =	smov.u32 s19;
	v2 =	vld [tilespmem:s28+$0x0]  }
0x1de: {  	s23 =	sand.u32 $0x10, s24;
	s18 =	sshrl.u32 s18, $0x2  }
0x1df: {  	s18 =	sor.u32 s23, s18  }
0x1e0: {  	v3 =	vld [tilespmem:s18+$0x100]  }
.Ltmp3:
0x1e1: {  	(pc) =	sbr.rel @p0 .LBB2_8-.Ltmp3, $4  }
0x1e2: {  	v2 =	vsub.s32 v2, v0  }
0x1e3: {  	s0 =	sadd.s32 $0x40, s0;
	vm0 =	vlt.u32 v2, $0x1400  }
0x1e4: {  	s24 =	sadd.s32 $0x10, s24;
	s25 =	sand.u32 $0x200, s0;
	v2 =	vnsel vm0, $0x0, v2  }
0x1e5: {  	s19 =	sadd.s32 $0x100, s19;
	s23 =	sand.u32 $0x70, s24;
	s25 =	sshrl.u32 s25, $0x2;
	[tilespmem:s28+$0x0] =	vst v2;
	v2 =	vnsel vm0, $0x2710, v3  }
0x1e6: {  	s0 =	sor.u32 s23, s25;
	[tilespmem:s18+$0x100] =	vst v2  }
0x1e7: {  	s28 =	sand.u32 $0xE00, s26;
	v2 =	vld [tilespmem:s0+$0x0]  }
0x1e8: {  	s19 =	sand.u32 $0x10, s24;
	s18 =	sshrl.u32 s28, $0x2  }
0x1e9: {  	s18 =	sor.u32 s19, s18  }
0x1ea: {  	v3 =	vld [tilespmem:s18+$0x100];
	_ =	sdelay $0x1  }
0x1eb: {  	v2 =	vsub.s32 v2, v0  }
0x1ec: {  	vm0 =	vlt.u32 v2, $0x1400  }
0x1ed: {  	v2 =	vnsel vm0, $0x0, v2  }
0x1ee: {  	[tilespmem:s0+$0x0] =	vst v2;
	v2 =	vnsel vm0, $0x2710, v3  }
0x1ef: {  	[tilespmem:s18+$0x100] =	vst v2  }
0x1f0: {  	_ =	swait.ge [sflag:s11], $0x1000  }
0x1f1: {  	[sflag:s11] =	ssyncset.done $0x0  }
0x1f2: {  	s23 =	simm.s32 $0x100;
	[sflag:s11] =	ssyncadd.s32 $0xFFFFF000  }
0x1f3: {  	[spmem:s15] =	stream.indirect.scatter.add.f32 [tilespmem:s1], [sflag:$0x5], $0x80, s23, s8, $0xb8;
	[tilespmem:$0x1FDC0] =	vst v63  }
0x1f4: {  	_ =	swait.ge [sflag:s2], $0x1000  }
0x1f5: {  	[sflag:s2] =	ssyncset.done $0x0  }
0x1f6: {  	s24 =	simm.s32 $0x40;
	[sflag:s2] =	ssyncadd.s32 $0xFFFFF000  }
0x1f7: {  	[tilespmem:s1], [sflag:$0x1] =	stream.indirect.gather [spmem:s14], $0x80, s24, s8, $0xb8;
	[tilespmem:$0x1FDC0] =	vst v63  }
0x1f8: {  	_ =	swait.ge [sflag:s21], $0x1000  }
0x1f9: {  	[sflag:s21] =	ssyncset.done $0x0  }
0x1fa: {  	s25 =	simm.s32 $0x180;
	[sflag:s21] =	ssyncadd.s32 $0xFFFFF000  }
0x1fb: {  	[spmem:s15] =	stream.indirect.scatter.add.f32 [tilespmem:s10], [sflag:$0x5], $0x80, s25, s8, $0xb8;
	[tilespmem:$0x1FDC0] =	vst v63  }
0x1fc: {  	_ =	swait.ge [sflag:s2], $0x1000  }
0x1fd: {  	[sflag:s2] =	ssyncset.done $0x0  }
0x1fe: {  	s26 =	simm.s32 $0x60;
	[sflag:s2] =	ssyncadd.s32 $0xFFFFF000  }
0x1ff: {  	[tilespmem:s10], [sflag:$0x2] =	stream.indirect.gather [spmem:s14], $0x80, s26, s8, $0xb8;
	[tilespmem:$0x1FDC0] =	vst v63  }
0x200: {  	_ =	swait.ge [sflag:s11], $0x1000  }
0x201: {  	[sflag:s11] =	ssyncset.done $0x0  }
0x202: {  	s28 =	simm.s32 $0x200;
	[sflag:s11] =	ssyncadd.s32 $0xFFFFF000  }
0x203: {  	[spmem:s15] =	stream.indirect.scatter.add.f32 [tilespmem:s1], [sflag:$0x5], $0x80, s28, s8, $0xb8;
	[tilespmem:$0x1FDC0] =	vst v63  }
0x204: {  	_ =	swait.ge [sflag:s2], $0x1000  }
0x205: {  	[sflag:s2] =	ssyncset.done $0x0  }
0x206: {  	[sflag:s2] =	ssyncadd.s32 $0xFFFFF000  }
0x207: {  	[tilespmem:s1], [sflag:$0x1] =	stream.indirect.gather [spmem:s14], $0x80, s31, s8, $0xb8;
	[tilespmem:$0x1FDC0] =	vst v63  }
0x208: {  	_ =	swait.ge [sflag:s21], $0x1000  }
0x209: {  	[sflag:s21] =	ssyncset.done $0x0  }
0x20a: {  	[sflag:s21] =	ssyncadd.s32 $0xFFFFF000  }
0x20b: {  	[spmem:s15] =	stream.indirect.scatter.add.f32 [tilespmem:s10], [sflag:$0x5], $0x80, s29, s8, $0xb8;
	[tilespmem:$0x1FDC0] =	vst v63  }
0x20c: {  	_ =	swait.ge [sflag:s2], $0x1000  }
0x20d: {  	[sflag:s2] =	ssyncset.done $0x0  }
0x20e: {  	[sflag:s2] =	ssyncadd.s32 $0xFFFFF000  }
0x20f: {  	[tilespmem:s10], [sflag:$0x2] =	stream.indirect.gather [spmem:s14], $0x80, s13, s8, $0xb8;
	[tilespmem:$0x1FDC0] =	vst v63  }
0x210: {  	_ =	swait.ge [sflag:s11], $0x1000  }
0x211: {  	[sflag:s11] =	ssyncset.done $0x0  }
0x212: {  	[sflag:s11] =	ssyncadd.s32 $0xFFFFF000  }
0x213: {  	[spmem:s15] =	stream.indirect.scatter.add.f32 [tilespmem:s1], [sflag:$0x5], $0x80, s3, s8, $0xb8;
	[tilespmem:$0x1FDC0] =	vst v63  }
0x214: {  	_ =	swait.ge [sflag:s2], $0x1000  }
0x215: {  	[sflag:s2] =	ssyncset.done $0x0  }
0x216: {  	[sflag:s2] =	ssyncadd.s32 $0xFFFFF000  }
0x217: {  	[tilespmem:s1], [sflag:$0x1] =	stream.indirect.gather [spmem:s14], $0x80, s5, s8, $0xb8;
	[tilespmem:$0x1FDC0] =	vst v63  }
0x218: {  	_ =	swait.ge [sflag:s21], $0x1000  }
0x219: {  	[sflag:s21] =	ssyncset.done $0x0  }
0x21a: {  	[sflag:s21] =	ssyncadd.s32 $0xFFFFF000  }
0x21b: {  	[spmem:s15] =	stream.indirect.scatter.add.f32 [tilespmem:s10], [sflag:$0x5], $0x80, s7, s8, $0xb8;
	[tilespmem:$0x1FDC0] =	vst v63  }
0x21c: {  	_ =	swait.ge [sflag:s2], $0x1000  }
0x21d: {  	[sflag:s2] =	ssyncset.done $0x0  }
0x21e: {  	[sflag:s2] =	ssyncadd.s32 $0xFFFFF000  }
0x21f: {  	[tilespmem:s10], [sflag:$0x2] =	stream.indirect.gather [spmem:s14], $0x80, s9, s8, $0xb8;
	[tilespmem:$0x1FDC0] =	vst v63  }
0x220: {  	_ =	swait.ge [sflag:s11], $0x1000  }
0x221: {  	[sflag:s11] =	ssyncset.done $0x0  }
0x222: {  	[sflag:s11] =	ssyncadd.s32 $0xFFFFF000  }
0x223: {  	[spmem:s15] =	stream.indirect.scatter.add.f32 [tilespmem:s1], [sflag:$0x5], $0x80, s20, s8, $0xb8;
	[tilespmem:$0x1FDC0] =	vst v63  }
0x224: {  	_ =	swait.ge [sflag:s2], $0x1000  }
0x225: {  	[sflag:s2] =	ssyncset.done $0x0  }
0x226: {  	[sflag:s2] =	ssyncadd.s32 $0xFFFFF000  }
0x227: {  	s30 =	sadd.s32 $0x1, s30;
	_ =	swait.ge [sflag:s21], $0x1000  }
0x228: {  	p0 =	sne.s32 s30, $0x50;
	[sflag:s21] =	ssyncset.done $0x0  }
.Ltmp4:
0x229: {  	[sflag:s21] =	ssyncadd.s32 $0xFFFFF000;
	(pc) =	sbr.rel @p0 .LBB2_7-.Ltmp4, $4  }
0x22a: {  	[spmem:s15] =	stream.indirect.scatter.add.f32 [tilespmem:s10], [sflag:$0x5], $0x80, s22, s8, $0xb8;
	[tilespmem:$0x1FDC0] =	vst v63  }
0x22b: {  	_ =	swait.ge [sflag:s2], $0x1000  }
0x22c: {  	[sflag:s2] =	ssyncset.done $0x0  }
0x22d: {  	[sflag:s2] =	ssyncadd.s32 $0xFFFFF000  }
0x22e: {  	[bflag:$0x0] =	sbarrier.arrive $0xFFFF  }
0x22f: {  	s0 =	sld [smem:$0x7E4];
	_ =	sdelay $0x2  }
0x230: {  	s18 =	simm.s32 @p2 $0x1FC5;
	s19 =	rddreg [dreg:$0x19];
	s0 =	sshrl.u32 @p2 s0, $0x3  }
0x231: {  	[hbm:s19], [sflag:s18] =	dma.local @p2 [spmem:s0], $0x2080  }
0x232: {  	s0 =	simm.s32 @p2 $0x5  }
0x233: {  	s18 =	stileid.u32;
	_ =	swait.ge @p2 [sflag:s0], $0x2080  }
0x234: {  	s18 =	sshll.u32 @!p2 s18, $0x6;
	[sflag:s0] =	ssyncset.done @p2 $0x0  }
0x235: {  	[sflag:s0] =	ssyncadd.s32 @p2 $0xFFFFDF80;
	s0 =	sor.u32 @!p2 $0x1C05, s18;
	s18 =	rddreg [dreg:$0x18]  }
0x236: {  	s19 =	rddreg [dreg:$0xf];
	s18 =	sshrl.u32 @!p2 s18, $0x3  }
0x237: {  	[hbm:s19], [sflag:s0] =	dma.local @!p2 [spmem:s18], $0x2780  }
0x238: {  	s0 =	simm.s32 @!p2 $0x5  }
0x239: {  	_ =	swait.ge @!p2 [sflag:s0], $0x2780  }
0x23a: {  	s28 =	sld [smem:$0x7D2]  }
0x23b: {  	s30 =	sld [smem:$0x7EE];
	_ =	sdelay $0x1  }
0x23c: {  	s19 =	sadd.s32 $0x1, s28  }
0x23d: {  	p0 =	sne.s32 s19, s30  }
.Ltmp5:
0x23e: {  	_ = 	snop;
	(pc) =	sbr.rel @p0 .LBB2_1-.Ltmp5, $3  }
0x23f: {  	_ =	sdelay $0x1  }
0x240: {  	[sflag:s0] =	ssyncset.done @!p2 $0x0  }
0x241: {  	[sflag:s0] =	ssyncadd.s32 @!p2 $0xFFFFD880  }
0x242: {  	_ =	sfence.sel $0x180000  }
0x243: {  	[bflag:$0x0] =	sbarrier.arrive $0xFFFF  }
0x244: {  	_ =	strace $0x90000047  }
0x245: {  	s0 =	stileid.u32;
	[bflag:$0x2] =	sbarrier.arrive $0xFFFF  }
0x246: {  	p0 =	sne.s32 s0, $0x0;
	s0 =	rddreg [dreg:$0x4]  }
0x247: {  	s0 =	sadd.s32 @!p0 $0x100000, s0  }
0x248: {  	[sflag:s0] =	ssyncadd.tile.s32 @!p0 $0x1;
	_ =	shalt  }
.Lfunc_end2:
_tile_overlayer_lowered:
.L_overlay_start_2:
0x249: {  	(tag) =	ssettag $0x2  }
0x24a: {  	s0 =	rddreg [dreg:$0x0];
	s2 =	stileid.u32  }
0x24b: {  	s1 =	rddreg [dreg:$0x1];
	p0 =	sne.s32 s2, $0x0  }
0x24c: {  	s3 =	rddreg [dreg:$0x2];
	[bflag:$0x3] =	sbarrier.arrive $0xFFFF;
	s2 =	simm.s32 @!p0 $0x1C05  }
0x24d: {  	[timem:s3], [sflag:s2] =	dma.local @!p0 [hbm:s0], s1  }
0x24e: {  	s0 =	simm.s32 @!p0 $0x5  }
0x24f: {  	_ =	swait.ge @!p0 [sflag:s0], s1  }
0x250: {  	s1 =	ssub.s32 @!p0 $0x0, s1;
	[sflag:s0] =	ssyncset.done @!p0 $0x0  }
0x251: {  	[sflag:s0] =	ssyncadd.s32 @!p0 s1  }
0x252: {  	[bflag:$0x3] =	sbarrier.arrive $0xFFFF  }
0x253: {  	_ =	shalt  }

</sc_bundles>
